<compile_context>
chip_gen: v7x
topology: tpu7x:2x2x1
jax: 0.10.2.dev20260603
libtpu: 0.0.44.dev20260713+nightly
codegen_flags: <defaults>
</compile_context>

<pallas_src>
import functools

import jax
import jax.numpy as jnp
from jax import lax
from jax.experimental import pallas as pl
from jax.experimental.pallas import tpu as pltpu
from jax.experimental.pallas import tpu_sc as plsc

N = 10000
D = 128
E = 320000
R = 5
G_S = 40000
S_ = 20000

NC = 2
NS = 16
NW = NC * NS
LANES = 16
NB = E // 128
BPW_MAX = NB // NW + 1
GBLK = 13
NGRP = (NB // NW) // GBLK
VPB = 128 // LANES
SUM_ROWS = NW * R + NW


def _sc_edge_filter(ei3_hbm, typ_hbm, x_hbm, sum_out,
                    dstv, acc, cntv, hits, idx2, src2, typ2, rows2,
                    nctr, sem_g, sem_f):
    wid = lax.axis_index("s") * NC + lax.axis_index("c")
    b0 = (NB * wid) // NW
    nblk = (NB * (wid + 1)) // NW - b0
    pltpu.sync_copy(ei3_hbm.at[pl.ds(b0, BPW_MAX), 1, :], dstv)

    zf = jnp.zeros((LANES,), jnp.float32)
    for r in range(R):
        for c in range(D // LANES):
            acc[r, pl.ds(c * LANES, LANES)] = zf
    cntv[...] = zf
    nctr[0] = 0
    lanes_iota = lax.broadcasted_iota(jnp.int32, (LANES,), 0)
    zi = jnp.zeros((LANES,), jnp.int32)

    def record_vreg(blk, j):
        j16 = pl.multiple_of(j * LANES, LANES)
        d = dstv[blk, pl.ds(j16, LANES)]
        nh = jnp.sum(jnp.where(d == 0, 1, 0))

        @pl.when(nh > 0)
        def _():
            n = nctr[0]
            hits[n, :] = zi + blk * VPB + j
            nctr[0] = n + 1

    def block_scan(blk):
        mn = dstv[blk, pl.ds(0, LANES)]
        for j in range(1, VPB):
            mn = jnp.minimum(mn, dstv[blk, pl.ds(j * LANES, LANES)])
        any0 = jnp.sum(jnp.where(mn == 0, 1, 0))

        @pl.when(any0 > 0)
        def _():
            def vbody(j, c2):
                record_vreg(blk, j)
                return c2

            lax.fori_loop(0, VPB, vbody, 0)

    def group_body(g, carry):
        gb = g * GBLK
        mn = dstv[gb, pl.ds(0, LANES)]
        first = True
        for k in range(GBLK):
            for j in range(VPB):
                if first:
                    first = False
                    continue
                mn = jnp.minimum(mn, dstv[gb + k, pl.ds(j * LANES, LANES)])
        any0 = jnp.sum(jnp.where(mn == 0, 1, 0))

        @pl.when(any0 > 0)
        def _():
            def bbody(k, c2):
                block_scan(gb + k)
                return c2

            lax.fori_loop(0, GBLK, bbody, 0)

        return carry

    lax.fori_loop(0, NGRP, group_body, 0)

    @pl.when(nblk == BPW_MAX)
    def _():
        block_scan(NGRP * GBLK)

    ntot = nctr[0]

    def hit_code(i):
        return jnp.sum(jnp.where(lanes_iota == 0, hits[i, :], 0))

    def fetch(i, slot):
        code = hit_code(i)
        blk = code // VPB
        j16 = pl.multiple_of((code % VPB) * LANES, LANES)
        pltpu.async_copy(
            ei3_hbm.at[b0 + blk, 0, pl.ds(j16, LANES)], src2.at[slot], sem_f)
        goff = pl.multiple_of((b0 + blk) * 128 + j16, LANES)
        pltpu.async_copy(typ_hbm.at[pl.ds(goff, LANES)], typ2.at[slot], sem_f)

    @pl.when(ntot > 0)
    def _():
        fetch(0, 0)

        def loop_body(i, carry):
            slot = lax.rem(i, 2)
            code = hit_code(i)
            blk = code // VPB
            j16 = pl.multiple_of((code % VPB) * LANES, LANES)
            m = dstv[blk, pl.ds(j16, LANES)] == 0
            pltpu.make_async_copy(
                ei3_hbm.at[0, 0, pl.ds(0, LANES)], src2.at[slot],
                sem_f).wait()
            pltpu.make_async_copy(
                typ_hbm.at[pl.ds(0, LANES)], typ2.at[slot], sem_f).wait()
            idx2[slot, :] = jnp.where(m, src2[slot, :], 0)
            h = pltpu.async_copy(x_hbm.at[idx2.at[slot]], rows2.at[slot],
                                 sem_g)

            @pl.when(i + 1 < ntot)
            def _():
                fetch(i + 1, 1 - slot)

            h.wait()
            t = typ2[slot, :]

            def lane_cond(mvi):
                return jnp.sum(mvi) > 0

            def lane_step(mvi):
                lsp = plsc.all_reduce_ffs(mvi != 0)
                l = jnp.sum(jnp.where(lanes_iota == 0, lsp, 0))
                t_l = jnp.sum(jnp.where(lanes_iota == l, t, 0))
                for c in range(D // LANES):
                    acc[t_l, pl.ds(c * LANES, LANES)] += (
                        rows2[slot, l, pl.ds(c * LANES, LANES)])
                cntv[...] += jnp.where(lanes_iota == t_l, 1.0, 0.0)
                return jnp.where(lanes_iota == l, 0, mvi)

            lax.while_loop(lane_cond, lane_step, jnp.where(m, 1, 0))
            return carry

        lax.fori_loop(0, ntot, loop_body, 0)

    pltpu.sync_copy(acc, sum_out.at[pl.ds(wid * R, R)])
    pltpu.sync_copy(cntv, sum_out.at[NW * R + wid, pl.ds(0, LANES)])


@functools.cache
def _sc_filter_call():
  return functools.partial(
    pl.kernel,
    out_type=jax.ShapeDtypeStruct((SUM_ROWS, D), jnp.float32),
    mesh=plsc.VectorSubcoreMesh(core_axis_name="c", subcore_axis_name="s"),
    compiler_params=pltpu.CompilerParams(
        needs_layout_passes=False, use_tc_tiling_on_sc=False),
    scratch_types=[
        pltpu.VMEM((BPW_MAX, 128), jnp.int32),
        pltpu.VMEM((R, D), jnp.float32),
        pltpu.VMEM((LANES,), jnp.float32),
        pltpu.VMEM((BPW_MAX * VPB, LANES), jnp.int32),
        pltpu.VMEM((2, LANES), jnp.int32),
        pltpu.VMEM((2, LANES), jnp.int32),
        pltpu.VMEM((2, LANES), jnp.int32),
        pltpu.VMEM((2, LANES, D), jnp.float32),
        pltpu.SMEM((1,), jnp.int32),
        pltpu.SemaphoreType.DMA,
        pltpu.SemaphoreType.DMA,
    ],
  )(_sc_edge_filter)


def _tc_dense(x_ref, root_ref, bias_ref, basis_ref, comp_ref, sum_ref,
              wgt_ref, bg_ref, wst_ref, bs_ref, outg_ref, outs_ref):
    arr = sum_ref[...]
    sums = arr[:NW * R].reshape(NW, R, D)
    s = jnp.sum(sums, axis=0)
    cnt = jnp.sum(arr[NW * R:, :LANES], axis=0)
    den = jnp.maximum(cnt[:R], 1.0).reshape(R, 1)
    u = s / den
    v = jnp.einsum('rb,rd->bd', comp_ref[...], u)
    basis2 = basis_ref[...].reshape(R * D, D)
    msg = v.reshape(1, R * D) @ basis2
    out0 = x_ref[0:1, :] @ root_ref[...] + bias_ref[...] + msg
    x0 = jnp.maximum(out0, 0.0)

    dn = (((1,), (1,)), ((), ()))
    zg = lax.dot_general(x0, wgt_ref[...], dn) + bg_ref[...]
    mg = jnp.max(zg)
    lg = jnp.log(jnp.sum(jnp.exp(zg - mg)))
    outg_ref[...] = (zg - mg - lg).reshape(G_S)

    zs = lax.dot_general(x0, wst_ref[...], dn) + bs_ref[...]
    ms = jnp.max(zs)
    ls = jnp.log(jnp.sum(jnp.exp(zs - ms)))
    outs_ref[...] = (zs - ms - ls).reshape(S_)


def _full(shape):
    nd = len(shape)
    return pl.BlockSpec(shape, lambda i, n=nd: (0,) * n)


_tc_dense_call = pl.pallas_call(
    _tc_dense,
    grid=(1,),
    in_specs=[
        pl.BlockSpec((8, D), lambda i: (0, 0)),
        _full((D, D)),
        _full((1, D)),
        _full((R, D, D)),
        _full((R, R)),
        _full((SUM_ROWS, D)),
        _full((G_S, D)),
        _full((1, G_S)),
        _full((S_, D)),
        _full((1, S_)),
    ],
    out_specs=[
        pl.BlockSpec((G_S,), lambda i: (0,)),
        pl.BlockSpec((S_,), lambda i: (0,)),
    ],
    out_shape=[
        jax.ShapeDtypeStruct((G_S,), jnp.float32),
        jax.ShapeDtypeStruct((S_,), jnp.float32),
    ],
)


@jax.jit
def kernel(x, edge_index, edge_type, basis, comp, root, conv_bias,
           Wg, bg, Ws, bs):
    ei3 = jnp.transpose(edge_index.reshape(2, NB, 128), (1, 0, 2))
    sums = _sc_filter_call()(ei3, edge_type, x)
    outg, outs = _tc_dense_call(
        x, root, conv_bias.reshape(1, D), basis, comp, sums,
        Wg.T, bg.reshape(1, G_S), Ws.T, bs.reshape(1, S_))
    return outg, outs

# --- scband reference (transcript-rebuilt; emitter-appended) ---
"""Pipeline reference for scband-net-rgcn-64252710748721 (READ-ONLY COPY).

The authoritative reference and input builder live on the scoring server;
editing this copy changes nothing except your own understanding.
"""

import jax, jax.numpy as jnp
import numpy as np

N = 10000      # nodes
D = 128        # d_feat (in_channels == out_channels)
E = 320000     # edges
R = 5          # num_relations == num_bases
S = 20000      # last_idx_senses
G = 60000      # last_idx_globals


def setup_inputs(seed: int = 0) -> dict:
    key = jax.random.key(seed)
    ks = jax.random.split(key, 12)
    x = jax.random.normal(ks[0], (N, D), dtype=jnp.float32)
    edge_index = jax.random.randint(ks[1], (2, E), 0, N, dtype=jnp.int32)
    edge_type = jax.random.randint(ks[2], (E,), 0, R, dtype=jnp.int32)
    s = 1.0 / np.sqrt(D)
    # RGCNConv params (basis decomposition with num_bases == num_relations)
    basis = jax.random.normal(ks[3], (R, D, D), dtype=jnp.float32) * s
    comp = jax.random.normal(ks[4], (R, R), dtype=jnp.float32) * (1.0 / np.sqrt(R))
    root = jax.random.normal(ks[5], (D, D), dtype=jnp.float32) * s
    conv_bias = jnp.zeros((D,), dtype=jnp.float32)
    # linear2global: D -> (G - S); linear2sense: D -> S
    Wg = jax.random.normal(ks[6], (D, G - S), dtype=jnp.float32) * s
    bg = jnp.zeros((G - S,), dtype=jnp.float32)
    Ws = jax.random.normal(ks[7], (D, S), dtype=jnp.float32) * s
    bs = jnp.zeros((S,), dtype=jnp.float32)
    return {"x": x, "edge_index": edge_index, "edge_type": edge_type,
            "basis": basis, "comp": comp, "root": root, "conv_bias": conv_bias,
            "Wg": Wg, "bg": bg, "Ws": Ws, "bs": bs}


def reference(x, edge_index, edge_type, basis, comp, root, conv_bias, Wg, bg, Ws, bs):
    # RGCNConv (PyG semantics): per-relation mean aggregation + root transform + bias
    W = jnp.einsum('rb,bio->rio', comp, basis)  # [R, D, D]
    src = edge_index[0]
    dst = edge_index[1]
    out = x @ root + conv_bias
    for r in range(R):
        h = x @ W[r]                                  # [N, D]
        mask = (edge_type == r).astype(jnp.float32)   # [E]
        msg = h[src] * mask[:, None]                  # gather + mask
        summed = jax.ops.segment_sum(msg, dst, num_segments=N)
        cnt = jax.ops.segment_sum(mask, dst, num_segments=N)
        out = out + summed / jnp.maximum(cnt, 1.0)[:, None]
    x_Lplus1 = jax.nn.relu(out)
    x0 = x_Lplus1[0]
    logits_global = x0 @ Wg + bg
    logits_sense = x0 @ Ws + bs
    return (jax.nn.log_softmax(logits_global, axis=0),
            jax.nn.log_softmax(logits_sense, axis=0))

if __name__ == "__main__":
    import jax
    _d = setup_inputs()
    print(jax.jit(kernel)(*tuple(_d.values())))

</pallas_src>

<mosaic_0001>
#map = affine_map<(d0, d1) -> (0, 0, 0)>
#map1 = affine_map<(d0, d1) -> (0)>
#map2 = affine_map<(d0, d1) -> (0, 0)>
module attributes {stable_mosaic.version = 14 : i64} {
  func.func @_sc_edge_filter(%arg0: i32, %arg1: i32, %arg2: memref<2500x2x128xi32, #tpu.memory_space<hbm>>, %arg3: memref<320000xi32, #tpu.memory_space<hbm>>, %arg4: memref<10000x128xf32, #tpu.memory_space<hbm>>, %arg5: memref<192x128xf32, #tpu.memory_space<hbm>>, %arg6: memref<79x128xi32, #tpu.memory_space<vmem>>, %arg7: memref<5x128xf32, #tpu.memory_space<vmem>>, %arg8: memref<16xf32, #tpu.memory_space<vmem>>, %arg9: memref<632x16xi32, #tpu.memory_space<vmem>>, %arg10: memref<2x16xi32, #tpu.memory_space<vmem>>, %arg11: memref<2x16xi32, #tpu.memory_space<vmem>>, %arg12: memref<2x16xi32, #tpu.memory_space<vmem>>, %arg13: memref<2x16x128xf32, #tpu.memory_space<vmem>>, %arg14: memref<1xi32, #tpu.memory_space<smem>>, %arg15: memref<!tpu.dma_semaphore, #tpu.memory_space<semaphore_mem>>, %arg16: memref<!tpu.dma_semaphore, #tpu.memory_space<semaphore_mem>>) attributes {dimension_semantics = [#tpu.dimension_semantics<core_parallel>, #tpu.dimension_semantics<subcore_parallel>], iteration_bounds = array<i64: 2, 16>, scalar_prefetch = 0 : i64, scratch_operands = 11 : i64, tpu.core_type = #tpu.core_type<sc_vector_subcore>, window_params = [{transform_indices = #map}, {transform_indices = #map1}, {transform_indices = #map2}, {transform_indices = #map2}]} {
    %mul3A = arith.constant 2 : i32
    %mul3A_0 = arith.muli %arg1, %mul3A : i32
    %add3A = arith.addi %mul3A_0, %arg0 : i32
    %mul3A_1 = arith.constant 2500 : i32
    %mul3A_2 = arith.muli %mul3A_1, %add3A : i32
    %jit3A = arith.constant 32 : i32
    %div3A = arith.divsi %mul3A_2, %jit3A : i32
    %sign3A = arith.constant 0 : i32
    %sign3A_3 = arith.cmpi sgt, %mul3A_2, %sign3A : i32
    %sign3A_4 = arith.extui %sign3A_3 : i1 to i32
    %sign3A_5 = arith.constant 0 : i32
    %sign3A_6 = arith.cmpi slt, %mul3A_2, %sign3A_5 : i32
    %sign3A_7 = arith.extui %sign3A_6 : i1 to i32
    %sign3A_8 = arith.subi %sign3A_4, %sign3A_7 : i32
    %sign3A_9 = arith.constant 0 : i32
    %sign3A_10 = arith.cmpi sgt, %jit3A, %sign3A_9 : i32
    %sign3A_11 = arith.extui %sign3A_10 : i1 to i32
    %sign3A_12 = arith.constant 0 : i32
    %sign3A_13 = arith.cmpi slt, %jit3A, %sign3A_12 : i32
    %sign3A_14 = arith.extui %sign3A_13 : i1 to i32
    %sign3A_15 = arith.subi %sign3A_11, %sign3A_14 : i32
    %ne3A = arith.cmpi ne, %sign3A_8, %sign3A_15 : i32
    %rem3A = arith.remsi %mul3A_2, %jit3A : i32
    %ne3A_16 = arith.constant 0 : i32
    %ne3A_17 = arith.cmpi ne, %rem3A, %ne3A_16 : i32
    %and3A = arith.andi %ne3A, %ne3A_17 : i1
    %sub3A = arith.constant 1 : i32
    %sub3A_18 = arith.subi %div3A, %sub3A : i32
    %select_n3A = arith.select %and3A, %sub3A_18, %div3A : i32
    %add3A_19 = arith.constant 1 : i32
    %add3A_20 = arith.addi %add3A, %add3A_19 : i32
    %mul3A_21 = arith.constant 2500 : i32
    %mul3A_22 = arith.muli %mul3A_21, %add3A_20 : i32
    %jit3A_23 = arith.constant 32 : i32
    %div3A_24 = arith.divsi %mul3A_22, %jit3A_23 : i32
    %sign3A_25 = arith.constant 0 : i32
    %sign3A_26 = arith.cmpi sgt, %mul3A_22, %sign3A_25 : i32
    %sign3A_27 = arith.extui %sign3A_26 : i1 to i32
    %sign3A_28 = arith.constant 0 : i32
    %sign3A_29 = arith.cmpi slt, %mul3A_22, %sign3A_28 : i32
    %sign3A_30 = arith.extui %sign3A_29 : i1 to i32
    %sign3A_31 = arith.subi %sign3A_27, %sign3A_30 : i32
    %sign3A_32 = arith.constant 0 : i32
    %sign3A_33 = arith.cmpi sgt, %jit3A_23, %sign3A_32 : i32
    %sign3A_34 = arith.extui %sign3A_33 : i1 to i32
    %sign3A_35 = arith.constant 0 : i32
    %sign3A_36 = arith.cmpi slt, %jit3A_23, %sign3A_35 : i32
    %sign3A_37 = arith.extui %sign3A_36 : i1 to i32
    %sign3A_38 = arith.subi %sign3A_34, %sign3A_37 : i32
    %ne3A_39 = arith.cmpi ne, %sign3A_31, %sign3A_38 : i32
    %rem3A_40 = arith.remsi %mul3A_22, %jit3A_23 : i32
    %ne3A_41 = arith.constant 0 : i32
    %ne3A_42 = arith.cmpi ne, %rem3A_40, %ne3A_41 : i32
    %and3A_43 = arith.andi %ne3A_39, %ne3A_42 : i1
    %sub3A_44 = arith.constant 1 : i32
    %sub3A_45 = arith.subi %div3A_24, %sub3A_44 : i32
    %select_n3A_46 = arith.select %and3A_43, %sub3A_45, %div3A_24 : i32
    %sub3A_47 = arith.subi %select_n3A_46, %select_n3A : i32
    %run_scoped3A = arith.constant 1 : i32
    "tpu.region"() ({
      %run_scoped3A_233 = tpu.sem_alloc : memref<!tpu.dma_semaphore, #tpu.memory_space<semaphore_mem>>
      %dma_start3A = arith.constant 0 : i32
      %dma_start3A_234 = tpu.memref_slice %arg2[%select_n3A, %run_scoped3A, %dma_start3A] : memref<2500x2x128xi32, #tpu.memory_space<hbm>> -> memref<79x1x128xi32, #tpu.memory_space<hbm>>
      %dma_start3A_235 = tpu.memref_squeeze %dma_start3A_234 : memref<79x1x128xi32, #tpu.memory_space<hbm>> -> memref<79x128xi32, #tpu.memory_space<hbm>>
      %dma_start3A_236 = arith.constant 0 : i32
      %dma_start3A_237 = tpu.memref_slice %arg2[%select_n3A, %run_scoped3A, %dma_start3A_236] : memref<2500x2x128xi32, #tpu.memory_space<hbm>> -> memref<79x1x128xi32, #tpu.memory_space<hbm>>
      %dma_start3A_238 = tpu.memref_squeeze %dma_start3A_237 : memref<79x1x128xi32, #tpu.memory_space<hbm>> -> memref<79x128xi32, #tpu.memory_space<hbm>>
      tpu.enqueue_dma source(%dma_start3A_238 : memref<79x128xi32, #tpu.memory_space<hbm>>) target(%arg6 : memref<79x128xi32, #tpu.memory_space<vmem>>) target_semaphore(%run_scoped3A_233 : memref<!tpu.dma_semaphore, #tpu.memory_space<semaphore_mem>>)
      %dma_wait3A = arith.constant 0 : i32
      %dma_wait3A_239 = tpu.memref_slice %arg2[%select_n3A, %run_scoped3A, %dma_wait3A] : memref<2500x2x128xi32, #tpu.memory_space<hbm>> -> memref<79x1x128xi32, #tpu.memory_space<hbm>>
      %dma_wait3A_240 = tpu.memref_squeeze %dma_wait3A_239 : memref<79x1x128xi32, #tpu.memory_space<hbm>> -> memref<79x128xi32, #tpu.memory_space<hbm>>
      %dma_wait3A_241 = arith.constant 0 : i32
      %dma_wait3A_242 = tpu.memref_slice %arg2[%select_n3A, %run_scoped3A, %dma_wait3A_241] : memref<2500x2x128xi32, #tpu.memory_space<hbm>> -> memref<79x1x128xi32, #tpu.memory_space<hbm>>
      %dma_wait3A_243 = tpu.memref_squeeze %dma_wait3A_242 : memref<79x1x128xi32, #tpu.memory_space<hbm>> -> memref<79x128xi32, #tpu.memory_space<hbm>>
      tpu.wait_dma2 semaphore(%run_scoped3A_233 : memref<!tpu.dma_semaphore, #tpu.memory_space<semaphore_mem>>) src(%dma_wait3A_243 : memref<79x128xi32, #tpu.memory_space<hbm>>) dst(%arg6 : memref<79x128xi32, #tpu.memory_space<vmem>>)
      tpu.yield
    }) : () -> ()
    %broadcast_in_dim3A = arith.constant 0.000000e+00 : f32
    %broadcast_in_dim3A_48 = vector.broadcast %broadcast_in_dim3A : f32 to vector<16xf32>
    %swap3A = arith.constant 0 : i32
    %swap3A_49 = arith.index_cast %swap3A : i32 to index
    %swap3A_50 = arith.constant 0 : index
    %swap3A_51 = tpu.vector_load %arg7[%swap3A_49, %swap3A_50] {strides = array<i32>} : memref<5x128xf32, #tpu.memory_space<vmem>>, vector<16xf32>,
    tpu.vector_store %arg7[%swap3A_49, %swap3A_50], %broadcast_in_dim3A_48 {strides = array<i32>} : memref<5x128xf32, #tpu.memory_space<vmem>>, vector<16xf32>,
    %swap3A_52 = arith.constant 0 : i32
    %swap3A_53 = arith.index_cast %swap3A_52 : i32 to index
    %swap3A_54 = arith.constant 16 : index
    %swap3A_55 = tpu.vector_load %arg7[%swap3A_53, %swap3A_54] {strides = array<i32>} : memref<5x128xf32, #tpu.memory_space<vmem>>, vector<16xf32>,
    tpu.vector_store %arg7[%swap3A_53, %swap3A_54], %broadcast_in_dim3A_48 {strides = array<i32>} : memref<5x128xf32, #tpu.memory_space<vmem>>, vector<16xf32>,
    %swap3A_56 = arith.constant 0 : i32
    %swap3A_57 = arith.index_cast %swap3A_56 : i32 to index
    %swap3A_58 = arith.constant 32 : index
    %swap3A_59 = tpu.vector_load %arg7[%swap3A_57, %swap3A_58] {strides = array<i32>} : memref<5x128xf32, #tpu.memory_space<vmem>>, vector<16xf32>,
    tpu.vector_store %arg7[%swap3A_57, %swap3A_58], %broadcast_in_dim3A_48 {strides = array<i32>} : memref<5x128xf32, #tpu.memory_space<vmem>>, vector<16xf32>,
    %swap3A_60 = arith.constant 0 : i32
    %swap3A_61 = arith.index_cast %swap3A_60 : i32 to index
    %swap3A_62 = arith.constant 48 : index
    %swap3A_63 = tpu.vector_load %arg7[%swap3A_61, %swap3A_62] {strides = array<i32>} : memref<5x128xf32, #tpu.memory_space<vmem>>, vector<16xf32>,
    tpu.vector_store %arg7[%swap3A_61, %swap3A_62], %broadcast_in_dim3A_48 {strides = array<i32>} : memref<5x128xf32, #tpu.memory_space<vmem>>, vector<16xf32>,
    %swap3A_64 = arith.constant 0 : i32
    %swap3A_65 = arith.index_cast %swap3A_64 : i32 to index
    %swap3A_66 = arith.constant 64 : index
    %swap3A_67 = tpu.vector_load %arg7[%swap3A_65, %swap3A_66] {strides = array<i32>} : memref<5x128xf32, #tpu.memory_space<vmem>>, vector<16xf32>,
    tpu.vector_store %arg7[%swap3A_65, %swap3A_66], %broadcast_in_dim3A_48 {strides = array<i32>} : memref<5x128xf32, #tpu.memory_space<vmem>>, vector<16xf32>,
    %swap3A_68 = arith.constant 0 : i32
    %swap3A_69 = arith.index_cast %swap3A_68 : i32 to index
    %swap3A_70 = arith.constant 80 : index
    %swap3A_71 = tpu.vector_load %arg7[%swap3A_69, %swap3A_70] {strides = array<i32>} : memref<5x128xf32, #tpu.memory_space<vmem>>, vector<16xf32>,
    tpu.vector_store %arg7[%swap3A_69, %swap3A_70], %broadcast_in_dim3A_48 {strides = array<i32>} : memref<5x128xf32, #tpu.memory_space<vmem>>, vector<16xf32>,
    %swap3A_72 = arith.constant 0 : i32
    %swap3A_73 = arith.index_cast %swap3A_72 : i32 to index
    %swap3A_74 = arith.constant 96 : index
    %swap3A_75 = tpu.vector_load %arg7[%swap3A_73, %swap3A_74] {strides = array<i32>} : memref<5x128xf32, #tpu.memory_space<vmem>>, vector<16xf32>,
    tpu.vector_store %arg7[%swap3A_73, %swap3A_74], %broadcast_in_dim3A_48 {strides = array<i32>} : memref<5x128xf32, #tpu.memory_space<vmem>>, vector<16xf32>,
    %swap3A_76 = arith.constant 0 : i32
    %swap3A_77 = arith.index_cast %swap3A_76 : i32 to index
    %swap3A_78 = arith.constant 112 : index
    %swap3A_79 = tpu.vector_load %arg7[%swap3A_77, %swap3A_78] {strides = array<i32>} : memref<5x128xf32, #tpu.memory_space<vmem>>, vector<16xf32>,
    tpu.vector_store %arg7[%swap3A_77, %swap3A_78], %broadcast_in_dim3A_48 {strides = array<i32>} : memref<5x128xf32, #tpu.memory_space<vmem>>, vector<16xf32>,
    %swap3A_80 = arith.constant 1 : i32
    %swap3A_81 = arith.index_cast %swap3A_80 : i32 to index
    %swap3A_82 = arith.constant 0 : index
    %swap3A_83 = tpu.vector_load %arg7[%swap3A_81, %swap3A_82] {strides = array<i32>} : memref<5x128xf32, #tpu.memory_space<vmem>>, vector<16xf32>,
    tpu.vector_store %arg7[%swap3A_81, %swap3A_82], %broadcast_in_dim3A_48 {strides = array<i32>} : memref<5x128xf32, #tpu.memory_space<vmem>>, vector<16xf32>,
    %swap3A_84 = arith.constant 1 : i32
    %swap3A_85 = arith.index_cast %swap3A_84 : i32 to index
    %swap3A_86 = arith.constant 16 : index
    %swap3A_87 = tpu.vector_load %arg7[%swap3A_85, %swap3A_86] {strides = array<i32>} : memref<5x128xf32, #tpu.memory_space<vmem>>, vector<16xf32>,
    tpu.vector_store %arg7[%swap3A_85, %swap3A_86], %broadcast_in_dim3A_48 {strides = array<i32>} : memref<5x128xf32, #tpu.memory_space<vmem>>, vector<16xf32>,
    %swap3A_88 = arith.constant 1 : i32
    %swap3A_89 = arith.index_cast %swap3A_88 : i32 to index
    %swap3A_90 = arith.constant 32 : index
    %swap3A_91 = tpu.vector_load %arg7[%swap3A_89, %swap3A_90] {strides = array<i32>} : memref<5x128xf32, #tpu.memory_space<vmem>>, vector<16xf32>,
    tpu.vector_store %arg7[%swap3A_89, %swap3A_90], %broadcast_in_dim3A_48 {strides = array<i32>} : memref<5x128xf32, #tpu.memory_space<vmem>>, vector<16xf32>,
    %swap3A_92 = arith.constant 1 : i32
    %swap3A_93 = arith.index_cast %swap3A_92 : i32 to index
    %swap3A_94 = arith.constant 48 : index
    %swap3A_95 = tpu.vector_load %arg7[%swap3A_93, %swap3A_94] {strides = array<i32>} : memref<5x128xf32, #tpu.memory_space<vmem>>, vector<16xf32>,
    tpu.vector_store %arg7[%swap3A_93, %swap3A_94], %broadcast_in_dim3A_48 {strides = array<i32>} : memref<5x128xf32, #tpu.memory_space<vmem>>, vector<16xf32>,
    %swap3A_96 = arith.constant 1 : i32
    %swap3A_97 = arith.index_cast %swap3A_96 : i32 to index
    %swap3A_98 = arith.constant 64 : index
    %swap3A_99 = tpu.vector_load %arg7[%swap3A_97, %swap3A_98] {strides = array<i32>} : memref<5x128xf32, #tpu.memory_space<vmem>>, vector<16xf32>,
    tpu.vector_store %arg7[%swap3A_97, %swap3A_98], %broadcast_in_dim3A_48 {strides = array<i32>} : memref<5x128xf32, #tpu.memory_space<vmem>>, vector<16xf32>,
    %swap3A_100 = arith.constant 1 : i32
    %swap3A_101 = arith.index_cast %swap3A_100 : i32 to index
    %swap3A_102 = arith.constant 80 : index
    %swap3A_103 = tpu.vector_load %arg7[%swap3A_101, %swap3A_102] {strides = array<i32>} : memref<5x128xf32, #tpu.memory_space<vmem>>, vector<16xf32>,
    tpu.vector_store %arg7[%swap3A_101, %swap3A_102], %broadcast_in_dim3A_48 {strides = array<i32>} : memref<5x128xf32, #tpu.memory_space<vmem>>, vector<16xf32>,
    %swap3A_104 = arith.constant 1 : i32
    %swap3A_105 = arith.index_cast %swap3A_104 : i32 to index
    %swap3A_106 = arith.constant 96 : index
    %swap3A_107 = tpu.vector_load %arg7[%swap3A_105, %swap3A_106] {strides = array<i32>} : memref<5x128xf32, #tpu.memory_space<vmem>>, vector<16xf32>,
    tpu.vector_store %arg7[%swap3A_105, %swap3A_106], %broadcast_in_dim3A_48 {strides = array<i32>} : memref<5x128xf32, #tpu.memory_space<vmem>>, vector<16xf32>,
    %swap3A_108 = arith.constant 1 : i32
    %swap3A_109 = arith.index_cast %swap3A_108 : i32 to index
    %swap3A_110 = arith.constant 112 : index
    %swap3A_111 = tpu.vector_load %arg7[%swap3A_109, %swap3A_110] {strides = array<i32>} : memref<5x128xf32, #tpu.memory_space<vmem>>, vector<16xf32>,
    tpu.vector_store %arg7[%swap3A_109, %swap3A_110], %broadcast_in_dim3A_48 {strides = array<i32>} : memref<5x128xf32, #tpu.memory_space<vmem>>, vector<16xf32>,
    %swap3A_112 = arith.constant 2 : i32
    %swap3A_113 = arith.index_cast %swap3A_112 : i32 to index
    %swap3A_114 = arith.constant 0 : index
    %swap3A_115 = tpu.vector_load %arg7[%swap3A_113, %swap3A_114] {strides = array<i32>} : memref<5x128xf32, #tpu.memory_space<vmem>>, vector<16xf32>,
    tpu.vector_store %arg7[%swap3A_113, %swap3A_114], %broadcast_in_dim3A_48 {strides = array<i32>} : memref<5x128xf32, #tpu.memory_space<vmem>>, vector<16xf32>,
    %swap3A_116 = arith.constant 2 : i32
    %swap3A_117 = arith.index_cast %swap3A_116 : i32 to index
    %swap3A_118 = arith.constant 16 : index
    %swap3A_119 = tpu.vector_load %arg7[%swap3A_117, %swap3A_118] {strides = array<i32>} : memref<5x128xf32, #tpu.memory_space<vmem>>, vector<16xf32>,
    tpu.vector_store %arg7[%swap3A_117, %swap3A_118], %broadcast_in_dim3A_48 {strides = array<i32>} : memref<5x128xf32, #tpu.memory_space<vmem>>, vector<16xf32>,
    %swap3A_120 = arith.constant 2 : i32
    %swap3A_121 = arith.index_cast %swap3A_120 : i32 to index
    %swap3A_122 = arith.constant 32 : index
    %swap3A_123 = tpu.vector_load %arg7[%swap3A_121, %swap3A_122] {strides = array<i32>} : memref<5x128xf32, #tpu.memory_space<vmem>>, vector<16xf32>,
    tpu.vector_store %arg7[%swap3A_121, %swap3A_122], %broadcast_in_dim3A_48 {strides = array<i32>} : memref<5x128xf32, #tpu.memory_space<vmem>>, vector<16xf32>,
    %swap3A_124 = arith.constant 2 : i32
    %swap3A_125 = arith.index_cast %swap3A_124 : i32 to index
    %swap3A_126 = arith.constant 48 : index
    %swap3A_127 = tpu.vector_load %arg7[%swap3A_125, %swap3A_126] {strides = array<i32>} : memref<5x128xf32, #tpu.memory_space<vmem>>, vector<16xf32>,
    tpu.vector_store %arg7[%swap3A_125, %swap3A_126], %broadcast_in_dim3A_48 {strides = array<i32>} : memref<5x128xf32, #tpu.memory_space<vmem>>, vector<16xf32>,
    %swap3A_128 = arith.constant 2 : i32
    %swap3A_129 = arith.index_cast %swap3A_128 : i32 to index
    %swap3A_130 = arith.constant 64 : index
    %swap3A_131 = tpu.vector_load %arg7[%swap3A_129, %swap3A_130] {strides = array<i32>} : memref<5x128xf32, #tpu.memory_space<vmem>>, vector<16xf32>,
    tpu.vector_store %arg7[%swap3A_129, %swap3A_130], %broadcast_in_dim3A_48 {strides = array<i32>} : memref<5x128xf32, #tpu.memory_space<vmem>>, vector<16xf32>,
    %swap3A_132 = arith.constant 2 : i32
    %swap3A_133 = arith.index_cast %swap3A_132 : i32 to index
    %swap3A_134 = arith.constant 80 : index
    %swap3A_135 = tpu.vector_load %arg7[%swap3A_133, %swap3A_134] {strides = array<i32>} : memref<5x128xf32, #tpu.memory_space<vmem>>, vector<16xf32>,
    tpu.vector_store %arg7[%swap3A_133, %swap3A_134], %broadcast_in_dim3A_48 {strides = array<i32>} : memref<5x128xf32, #tpu.memory_space<vmem>>, vector<16xf32>,
    %swap3A_136 = arith.constant 2 : i32
    %swap3A_137 = arith.index_cast %swap3A_136 : i32 to index
    %swap3A_138 = arith.constant 96 : index
    %swap3A_139 = tpu.vector_load %arg7[%swap3A_137, %swap3A_138] {strides = array<i32>} : memref<5x128xf32, #tpu.memory_space<vmem>>, vector<16xf32>,
    tpu.vector_store %arg7[%swap3A_137, %swap3A_138], %broadcast_in_dim3A_48 {strides = array<i32>} : memref<5x128xf32, #tpu.memory_space<vmem>>, vector<16xf32>,
    %swap3A_140 = arith.constant 2 : i32
    %swap3A_141 = arith.index_cast %swap3A_140 : i32 to index
    %swap3A_142 = arith.constant 112 : index
    %swap3A_143 = tpu.vector_load %arg7[%swap3A_141, %swap3A_142] {strides = array<i32>} : memref<5x128xf32, #tpu.memory_space<vmem>>, vector<16xf32>,
    tpu.vector_store %arg7[%swap3A_141, %swap3A_142], %broadcast_in_dim3A_48 {strides = array<i32>} : memref<5x128xf32, #tpu.memory_space<vmem>>, vector<16xf32>,
    %swap3A_144 = arith.constant 3 : i32
    %swap3A_145 = arith.index_cast %swap3A_144 : i32 to index
    %swap3A_146 = arith.constant 0 : index
    %swap3A_147 = tpu.vector_load %arg7[%swap3A_145, %swap3A_146] {strides = array<i32>} : memref<5x128xf32, #tpu.memory_space<vmem>>, vector<16xf32>,
    tpu.vector_store %arg7[%swap3A_145, %swap3A_146], %broadcast_in_dim3A_48 {strides = array<i32>} : memref<5x128xf32, #tpu.memory_space<vmem>>, vector<16xf32>,
    %swap3A_148 = arith.constant 3 : i32
    %swap3A_149 = arith.index_cast %swap3A_148 : i32 to index
    %swap3A_150 = arith.constant 16 : index
    %swap3A_151 = tpu.vector_load %arg7[%swap3A_149, %swap3A_150] {strides = array<i32>} : memref<5x128xf32, #tpu.memory_space<vmem>>, vector<16xf32>,
    tpu.vector_store %arg7[%swap3A_149, %swap3A_150], %broadcast_in_dim3A_48 {strides = array<i32>} : memref<5x128xf32, #tpu.memory_space<vmem>>, vector<16xf32>,
    %swap3A_152 = arith.constant 3 : i32
    %swap3A_153 = arith.index_cast %swap3A_152 : i32 to index
    %swap3A_154 = arith.constant 32 : index
    %swap3A_155 = tpu.vector_load %arg7[%swap3A_153, %swap3A_154] {strides = array<i32>} : memref<5x128xf32, #tpu.memory_space<vmem>>, vector<16xf32>,
    tpu.vector_store %arg7[%swap3A_153, %swap3A_154], %broadcast_in_dim3A_48 {strides = array<i32>} : memref<5x128xf32, #tpu.memory_space<vmem>>, vector<16xf32>,
    %swap3A_156 = arith.constant 3 : i32
    %swap3A_157 = arith.index_cast %swap3A_156 : i32 to index
    %swap3A_158 = arith.constant 48 : index
    %swap3A_159 = tpu.vector_load %arg7[%swap3A_157, %swap3A_158] {strides = array<i32>} : memref<5x128xf32, #tpu.memory_space<vmem>>, vector<16xf32>,
    tpu.vector_store %arg7[%swap3A_157, %swap3A_158], %broadcast_in_dim3A_48 {strides = array<i32>} : memref<5x128xf32, #tpu.memory_space<vmem>>, vector<16xf32>,
    %swap3A_160 = arith.constant 3 : i32
    %swap3A_161 = arith.index_cast %swap3A_160 : i32 to index
    %swap3A_162 = arith.constant 64 : index
    %swap3A_163 = tpu.vector_load %arg7[%swap3A_161, %swap3A_162] {strides = array<i32>} : memref<5x128xf32, #tpu.memory_space<vmem>>, vector<16xf32>,
    tpu.vector_store %arg7[%swap3A_161, %swap3A_162], %broadcast_in_dim3A_48 {strides = array<i32>} : memref<5x128xf32, #tpu.memory_space<vmem>>, vector<16xf32>,
    %swap3A_164 = arith.constant 3 : i32
    %swap3A_165 = arith.index_cast %swap3A_164 : i32 to index
    %swap3A_166 = arith.constant 80 : index
    %swap3A_167 = tpu.vector_load %arg7[%swap3A_165, %swap3A_166] {strides = array<i32>} : memref<5x128xf32, #tpu.memory_space<vmem>>, vector<16xf32>,
    tpu.vector_store %arg7[%swap3A_165, %swap3A_166], %broadcast_in_dim3A_48 {strides = array<i32>} : memref<5x128xf32, #tpu.memory_space<vmem>>, vector<16xf32>,
    %swap3A_168 = arith.constant 3 : i32
    %swap3A_169 = arith.index_cast %swap3A_168 : i32 to index
    %swap3A_170 = arith.constant 96 : index
    %swap3A_171 = tpu.vector_load %arg7[%swap3A_169, %swap3A_170] {strides = array<i32>} : memref<5x128xf32, #tpu.memory_space<vmem>>, vector<16xf32>,
    tpu.vector_store %arg7[%swap3A_169, %swap3A_170], %broadcast_in_dim3A_48 {strides = array<i32>} : memref<5x128xf32, #tpu.memory_space<vmem>>, vector<16xf32>,
    %swap3A_172 = arith.constant 3 : i32
    %swap3A_173 = arith.index_cast %swap3A_172 : i32 to index
    %swap3A_174 = arith.constant 112 : index
    %swap3A_175 = tpu.vector_load %arg7[%swap3A_173, %swap3A_174] {strides = array<i32>} : memref<5x128xf32, #tpu.memory_space<vmem>>, vector<16xf32>,
    tpu.vector_store %arg7[%swap3A_173, %swap3A_174], %broadcast_in_dim3A_48 {strides = array<i32>} : memref<5x128xf32, #tpu.memory_space<vmem>>, vector<16xf32>,
    %swap3A_176 = arith.constant 4 : i32
    %swap3A_177 = arith.index_cast %swap3A_176 : i32 to index
    %swap3A_178 = arith.constant 0 : index
    %swap3A_179 = tpu.vector_load %arg7[%swap3A_177, %swap3A_178] {strides = array<i32>} : memref<5x128xf32, #tpu.memory_space<vmem>>, vector<16xf32>,
    tpu.vector_store %arg7[%swap3A_177, %swap3A_178], %broadcast_in_dim3A_48 {strides = array<i32>} : memref<5x128xf32, #tpu.memory_space<vmem>>, vector<16xf32>,
    %swap3A_180 = arith.constant 4 : i32
    %swap3A_181 = arith.index_cast %swap3A_180 : i32 to index
    %swap3A_182 = arith.constant 16 : index
    %swap3A_183 = tpu.vector_load %arg7[%swap3A_181, %swap3A_182] {strides = array<i32>} : memref<5x128xf32, #tpu.memory_space<vmem>>, vector<16xf32>,
    tpu.vector_store %arg7[%swap3A_181, %swap3A_182], %broadcast_in_dim3A_48 {strides = array<i32>} : memref<5x128xf32, #tpu.memory_space<vmem>>, vector<16xf32>,
    %swap3A_184 = arith.constant 4 : i32
    %swap3A_185 = arith.index_cast %swap3A_184 : i32 to index
    %swap3A_186 = arith.constant 32 : index
    %swap3A_187 = tpu.vector_load %arg7[%swap3A_185, %swap3A_186] {strides = array<i32>} : memref<5x128xf32, #tpu.memory_space<vmem>>, vector<16xf32>,
    tpu.vector_store %arg7[%swap3A_185, %swap3A_186], %broadcast_in_dim3A_48 {strides = array<i32>} : memref<5x128xf32, #tpu.memory_space<vmem>>, vector<16xf32>,
    %swap3A_188 = arith.constant 4 : i32
    %swap3A_189 = arith.index_cast %swap3A_188 : i32 to index
    %swap3A_190 = arith.constant 48 : index
    %swap3A_191 = tpu.vector_load %arg7[%swap3A_189, %swap3A_190] {strides = array<i32>} : memref<5x128xf32, #tpu.memory_space<vmem>>, vector<16xf32>,
    tpu.vector_store %arg7[%swap3A_189, %swap3A_190], %broadcast_in_dim3A_48 {strides = array<i32>} : memref<5x128xf32, #tpu.memory_space<vmem>>, vector<16xf32>,
    %swap3A_192 = arith.constant 4 : i32
    %swap3A_193 = arith.index_cast %swap3A_192 : i32 to index
    %swap3A_194 = arith.constant 64 : index
    %swap3A_195 = tpu.vector_load %arg7[%swap3A_193, %swap3A_194] {strides = array<i32>} : memref<5x128xf32, #tpu.memory_space<vmem>>, vector<16xf32>,
    tpu.vector_store %arg7[%swap3A_193, %swap3A_194], %broadcast_in_dim3A_48 {strides = array<i32>} : memref<5x128xf32, #tpu.memory_space<vmem>>, vector<16xf32>,
    %swap3A_196 = arith.constant 4 : i32
    %swap3A_197 = arith.index_cast %swap3A_196 : i32 to index
    %swap3A_198 = arith.constant 80 : index
    %swap3A_199 = tpu.vector_load %arg7[%swap3A_197, %swap3A_198] {strides = array<i32>} : memref<5x128xf32, #tpu.memory_space<vmem>>, vector<16xf32>,
    tpu.vector_store %arg7[%swap3A_197, %swap3A_198], %broadcast_in_dim3A_48 {strides = array<i32>} : memref<5x128xf32, #tpu.memory_space<vmem>>, vector<16xf32>,
    %swap3A_200 = arith.constant 4 : i32
    %swap3A_201 = arith.index_cast %swap3A_200 : i32 to index
    %swap3A_202 = arith.constant 96 : index
    %swap3A_203 = tpu.vector_load %arg7[%swap3A_201, %swap3A_202] {strides = array<i32>} : memref<5x128xf32, #tpu.memory_space<vmem>>, vector<16xf32>,
    tpu.vector_store %arg7[%swap3A_201, %swap3A_202], %broadcast_in_dim3A_48 {strides = array<i32>} : memref<5x128xf32, #tpu.memory_space<vmem>>, vector<16xf32>,
    %swap3A_204 = arith.constant 4 : i32
    %swap3A_205 = arith.index_cast %swap3A_204 : i32 to index
    %swap3A_206 = arith.constant 112 : index
    %swap3A_207 = tpu.vector_load %arg7[%swap3A_205, %swap3A_206] {strides = array<i32>} : memref<5x128xf32, #tpu.memory_space<vmem>>, vector<16xf32>,
    tpu.vector_store %arg7[%swap3A_205, %swap3A_206], %broadcast_in_dim3A_48 {strides = array<i32>} : memref<5x128xf32, #tpu.memory_space<vmem>>, vector<16xf32>,
    %swap3A_208 = arith.constant 0 : index
    %swap3A_209 = tpu.vector_load %arg8[%swap3A_208] {strides = array<i32>} : memref<16xf32, #tpu.memory_space<vmem>>, vector<16xf32>,
    tpu.vector_store %arg8[%swap3A_208], %broadcast_in_dim3A_48 {strides = array<i32>} : memref<16xf32, #tpu.memory_space<vmem>>, vector<16xf32>,
    %swap3A_210 = arith.constant 0 : i32
    %swap3A_211 = arith.constant 0 : i32
    %swap3A_212 = arith.index_cast %swap3A_211 : i32 to index
    %swap3A_213 = memref.load %arg14[%swap3A_212] : memref<1xi32, #tpu.memory_space<smem>>
    memref.store %swap3A_210, %arg14[%swap3A_212] : memref<1xi32, #tpu.memory_space<smem>>
    %iota3A = tpu.iota {dimensions = array<i32: 0>} : vector<16xi32>
    %broadcast_in_dim3A_214 = arith.constant 0 : i32
    %broadcast_in_dim3A_215 = vector.broadcast %broadcast_in_dim3A_214 : i32 to vector<16xi32>
    %scan3A = arith.constant 0 : i32
    %scan3A_216 = arith.constant 0 : i32
    %scan3A_217 = arith.constant 6 : i32
    %scan3A_218 = arith.addi %scan3A_216, %scan3A_217 : i32
    %scan3A_219 = arith.constant 1 : i32
    scf.for %scan3A_233 = %scan3A_216 to %scan3A_218 step %scan3A_219  : i32 {
      %mul3A_234 = arith.constant 13 : i32
      %mul3A_235 = arith.muli %scan3A_233, %mul3A_234 : i32
      %get3A_236 = arith.index_cast %mul3A_235 : i32 to index
      %get3A_237 = arith.constant 0 : index
      %get3A_238 = tpu.vector_load %arg6[%get3A_236, %get3A_237] {strides = array<i32>} : memref<79x128xi32, #tpu.memory_space<vmem>>, vector<16xi32>,
      %add3A_239 = arith.constant 0 : i32
      %add3A_240 = arith.addi %mul3A_235, %add3A_239 : i32
      %get3A_241 = arith.index_cast %add3A_240 : i32 to index
      %get3A_242 = arith.constant 16 : index
      %get3A_243 = tpu.vector_load %arg6[%get3A_241, %get3A_242] {strides = array<i32>} : memref<79x128xi32, #tpu.memory_space<vmem>>, vector<16xi32>,
      %min3A = arith.minsi %get3A_238, %get3A_243 : vector<16xi32>
      %add3A_244 = arith.constant 0 : i32
      %add3A_245 = arith.addi %mul3A_235, %add3A_244 : i32
      %get3A_246 = arith.index_cast %add3A_245 : i32 to index
      %get3A_247 = arith.constant 32 : index
      %get3A_248 = tpu.vector_load %arg6[%get3A_246, %get3A_247] {strides = array<i32>} : memref<79x128xi32, #tpu.memory_space<vmem>>, vector<16xi32>,
      %min3A_249 = arith.minsi %min3A, %get3A_248 : vector<16xi32>
      %add3A_250 = arith.constant 0 : i32
      %add3A_251 = arith.addi %mul3A_235, %add3A_250 : i32
      %get3A_252 = arith.index_cast %add3A_251 : i32 to index
      %get3A_253 = arith.constant 48 : index
      %get3A_254 = tpu.vector_load %arg6[%get3A_252, %get3A_253] {strides = array<i32>} : memref<79x128xi32, #tpu.memory_space<vmem>>, vector<16xi32>,
      %min3A_255 = arith.minsi %min3A_249, %get3A_254 : vector<16xi32>
      %add3A_256 = arith.constant 0 : i32
      %add3A_257 = arith.addi %mul3A_235, %add3A_256 : i32
      %get3A_258 = arith.index_cast %add3A_257 : i32 to index
      %get3A_259 = arith.constant 64 : index
      %get3A_260 = tpu.vector_load %arg6[%get3A_258, %get3A_259] {strides = array<i32>} : memref<79x128xi32, #tpu.memory_space<vmem>>, vector<16xi32>,
      %min3A_261 = arith.minsi %min3A_255, %get3A_260 : vector<16xi32>
      %add3A_262 = arith.constant 0 : i32
      %add3A_263 = arith.addi %mul3A_235, %add3A_262 : i32
      %get3A_264 = arith.index_cast %add3A_263 : i32 to index
      %get3A_265 = arith.constant 80 : index
      %get3A_266 = tpu.vector_load %arg6[%get3A_264, %get3A_265] {strides = array<i32>} : memref<79x128xi32, #tpu.memory_space<vmem>>, vector<16xi32>,
      %min3A_267 = arith.minsi %min3A_261, %get3A_266 : vector<16xi32>
      %add3A_268 = arith.constant 0 : i32
      %add3A_269 = arith.addi %mul3A_235, %add3A_268 : i32
      %get3A_270 = arith.index_cast %add3A_269 : i32 to index
      %get3A_271 = arith.constant 96 : index
      %get3A_272 = tpu.vector_load %arg6[%get3A_270, %get3A_271] {strides = array<i32>} : memref<79x128xi32, #tpu.memory_space<vmem>>, vector<16xi32>,
      %min3A_273 = arith.minsi %min3A_267, %get3A_272 : vector<16xi32>
      %add3A_274 = arith.constant 0 : i32
      %add3A_275 = arith.addi %mul3A_235, %add3A_274 : i32
      %get3A_276 = arith.index_cast %add3A_275 : i32 to index
      %get3A_277 = arith.constant 112 : index
      %get3A_278 = tpu.vector_load %arg6[%get3A_276, %get3A_277] {strides = array<i32>} : memref<79x128xi32, #tpu.memory_space<vmem>>, vector<16xi32>,
      %min3A_279 = arith.minsi %min3A_273, %get3A_278 : vector<16xi32>
      %add3A_280 = arith.constant 1 : i32
      %add3A_281 = arith.addi %mul3A_235, %add3A_280 : i32
      %get3A_282 = arith.index_cast %add3A_281 : i32 to index
      %get3A_283 = arith.constant 0 : index
      %get3A_284 = tpu.vector_load %arg6[%get3A_282, %get3A_283] {strides = array<i32>} : memref<79x128xi32, #tpu.memory_space<vmem>>, vector<16xi32>,
      %min3A_285 = arith.minsi %min3A_279, %get3A_284 : vector<16xi32>
      %add3A_286 = arith.constant 1 : i32
      %add3A_287 = arith.addi %mul3A_235, %add3A_286 : i32
      %get3A_288 = arith.index_cast %add3A_287 : i32 to index
      %get3A_289 = arith.constant 16 : index
      %get3A_290 = tpu.vector_load %arg6[%get3A_288, %get3A_289] {strides = array<i32>} : memref<79x128xi32, #tpu.memory_space<vmem>>, vector<16xi32>,
      %min3A_291 = arith.minsi %min3A_285, %get3A_290 : vector<16xi32>
      %add3A_292 = arith.constant 1 : i32
      %add3A_293 = arith.addi %mul3A_235, %add3A_292 : i32
      %get3A_294 = arith.index_cast %add3A_293 : i32 to index
      %get3A_295 = arith.constant 32 : index
      %get3A_296 = tpu.vector_load %arg6[%get3A_294, %get3A_295] {strides = array<i32>} : memref<79x128xi32, #tpu.memory_space<vmem>>, vector<16xi32>,
      %min3A_297 = arith.minsi %min3A_291, %get3A_296 : vector<16xi32>
      %add3A_298 = arith.constant 1 : i32
      %add3A_299 = arith.addi %mul3A_235, %add3A_298 : i32
      %get3A_300 = arith.index_cast %add3A_299 : i32 to index
      %get3A_301 = arith.constant 48 : index
      %get3A_302 = tpu.vector_load %arg6[%get3A_300, %get3A_301] {strides = array<i32>} : memref<79x128xi32, #tpu.memory_space<vmem>>, vector<16xi32>,
      %min3A_303 = arith.minsi %min3A_297, %get3A_302 : vector<16xi32>
      %add3A_304 = arith.constant 1 : i32
      %add3A_305 = arith.addi %mul3A_235, %add3A_304 : i32
      %get3A_306 = arith.index_cast %add3A_305 : i32 to index
      %get3A_307 = arith.constant 64 : index
      %get3A_308 = tpu.vector_load %arg6[%get3A_306, %get3A_307] {strides = array<i32>} : memref<79x128xi32, #tpu.memory_space<vmem>>, vector<16xi32>,
      %min3A_309 = arith.minsi %min3A_303, %get3A_308 : vector<16xi32>
      %add3A_310 = arith.constant 1 : i32
      %add3A_311 = arith.addi %mul3A_235, %add3A_310 : i32
      %get3A_312 = arith.index_cast %add3A_311 : i32 to index
      %get3A_313 = arith.constant 80 : index
      %get3A_314 = tpu.vector_load %arg6[%get3A_312, %get3A_313] {strides = array<i32>} : memref<79x128xi32, #tpu.memory_space<vmem>>, vector<16xi32>,
      %min3A_315 = arith.minsi %min3A_309, %get3A_314 : vector<16xi32>
      %add3A_316 = arith.constant 1 : i32
      %add3A_317 = arith.addi %mul3A_235, %add3A_316 : i32
      %get3A_318 = arith.index_cast %add3A_317 : i32 to index
      %get3A_319 = arith.constant 96 : index
      %get3A_320 = tpu.vector_load %arg6[%get3A_318, %get3A_319] {strides = array<i32>} : memref<79x128xi32, #tpu.memory_space<vmem>>, vector<16xi32>,
      %min3A_321 = arith.minsi %min3A_315, %get3A_320 : vector<16xi32>
      %add3A_322 = arith.constant 1 : i32
      %add3A_323 = arith.addi %mul3A_235, %add3A_322 : i32
      %get3A_324 = arith.index_cast %add3A_323 : i32 to index
      %get3A_325 = arith.constant 112 : index
      %get3A_326 = tpu.vector_load %arg6[%get3A_324, %get3A_325] {strides = array<i32>} : memref<79x128xi32, #tpu.memory_space<vmem>>, vector<16xi32>,
      %min3A_327 = arith.minsi %min3A_321, %get3A_326 : vector<16xi32>
      %add3A_328 = arith.constant 2 : i32
      %add3A_329 = arith.addi %mul3A_235, %add3A_328 : i32
      %get3A_330 = arith.index_cast %add3A_329 : i32 to index
      %get3A_331 = arith.constant 0 : index
      %get3A_332 = tpu.vector_load %arg6[%get3A_330, %get3A_331] {strides = array<i32>} : memref<79x128xi32, #tpu.memory_space<vmem>>, vector<16xi32>,
      %min3A_333 = arith.minsi %min3A_327, %get3A_332 : vector<16xi32>
      %add3A_334 = arith.constant 2 : i32
      %add3A_335 = arith.addi %mul3A_235, %add3A_334 : i32
      %get3A_336 = arith.index_cast %add3A_335 : i32 to index
      %get3A_337 = arith.constant 16 : index
      %get3A_338 = tpu.vector_load %arg6[%get3A_336, %get3A_337] {strides = array<i32>} : memref<79x128xi32, #tpu.memory_space<vmem>>, vector<16xi32>,
      %min3A_339 = arith.minsi %min3A_333, %get3A_338 : vector<16xi32>
      %add3A_340 = arith.constant 2 : i32
      %add3A_341 = arith.addi %mul3A_235, %add3A_340 : i32
      %get3A_342 = arith.index_cast %add3A_341 : i32 to index
      %get3A_343 = arith.constant 32 : index
      %get3A_344 = tpu.vector_load %arg6[%get3A_342, %get3A_343] {strides = array<i32>} : memref<79x128xi32, #tpu.memory_space<vmem>>, vector<16xi32>,
      %min3A_345 = arith.minsi %min3A_339, %get3A_344 : vector<16xi32>
      %add3A_346 = arith.constant 2 : i32
      %add3A_347 = arith.addi %mul3A_235, %add3A_346 : i32
      %get3A_348 = arith.index_cast %add3A_347 : i32 to index
      %get3A_349 = arith.constant 48 : index
      %get3A_350 = tpu.vector_load %arg6[%get3A_348, %get3A_349] {strides = array<i32>} : memref<79x128xi32, #tpu.memory_space<vmem>>, vector<16xi32>,
      %min3A_351 = arith.minsi %min3A_345, %get3A_350 : vector<16xi32>
      %add3A_352 = arith.constant 2 : i32
      %add3A_353 = arith.addi %mul3A_235, %add3A_352 : i32
      %get3A_354 = arith.index_cast %add3A_353 : i32 to index
      %get3A_355 = arith.constant 64 : index
      %get3A_356 = tpu.vector_load %arg6[%get3A_354, %get3A_355] {strides = array<i32>} : memref<79x128xi32, #tpu.memory_space<vmem>>, vector<16xi32>,
      %min3A_357 = arith.minsi %min3A_351, %get3A_356 : vector<16xi32>
      %add3A_358 = arith.constant 2 : i32
      %add3A_359 = arith.addi %mul3A_235, %add3A_358 : i32
      %get3A_360 = arith.index_cast %add3A_359 : i32 to index
      %get3A_361 = arith.constant 80 : index
      %get3A_362 = tpu.vector_load %arg6[%get3A_360, %get3A_361] {strides = array<i32>} : memref<79x128xi32, #tpu.memory_space<vmem>>, vector<16xi32>,
      %min3A_363 = arith.minsi %min3A_357, %get3A_362 : vector<16xi32>
      %add3A_364 = arith.constant 2 : i32
      %add3A_365 = arith.addi %mul3A_235, %add3A_364 : i32
      %get3A_366 = arith.index_cast %add3A_365 : i32 to index
      %get3A_367 = arith.constant 96 : index
      %get3A_368 = tpu.vector_load %arg6[%get3A_366, %get3A_367] {strides = array<i32>} : memref<79x128xi32, #tpu.memory_space<vmem>>, vector<16xi32>,
      %min3A_369 = arith.minsi %min3A_363, %get3A_368 : vector<16xi32>
      %add3A_370 = arith.constant 2 : i32
      %add3A_371 = arith.addi %mul3A_235, %add3A_370 : i32
      %get3A_372 = arith.index_cast %add3A_371 : i32 to index
      %get3A_373 = arith.constant 112 : index
      %get3A_374 = tpu.vector_load %arg6[%get3A_372, %get3A_373] {strides = array<i32>} : memref<79x128xi32, #tpu.memory_space<vmem>>, vector<16xi32>,
      %min3A_375 = arith.minsi %min3A_369, %get3A_374 : vector<16xi32>
      %add3A_376 = arith.constant 3 : i32
      %add3A_377 = arith.addi %mul3A_235, %add3A_376 : i32
      %get3A_378 = arith.index_cast %add3A_377 : i32 to index
      %get3A_379 = arith.constant 0 : index
      %get3A_380 = tpu.vector_load %arg6[%get3A_378, %get3A_379] {strides = array<i32>} : memref<79x128xi32, #tpu.memory_space<vmem>>, vector<16xi32>,
      %min3A_381 = arith.minsi %min3A_375, %get3A_380 : vector<16xi32>
      %add3A_382 = arith.constant 3 : i32
      %add3A_383 = arith.addi %mul3A_235, %add3A_382 : i32
      %get3A_384 = arith.index_cast %add3A_383 : i32 to index
      %get3A_385 = arith.constant 16 : index
      %get3A_386 = tpu.vector_load %arg6[%get3A_384, %get3A_385] {strides = array<i32>} : memref<79x128xi32, #tpu.memory_space<vmem>>, vector<16xi32>,
      %min3A_387 = arith.minsi %min3A_381, %get3A_386 : vector<16xi32>
      %add3A_388 = arith.constant 3 : i32
      %add3A_389 = arith.addi %mul3A_235, %add3A_388 : i32
      %get3A_390 = arith.index_cast %add3A_389 : i32 to index
      %get3A_391 = arith.constant 32 : index
      %get3A_392 = tpu.vector_load %arg6[%get3A_390, %get3A_391] {strides = array<i32>} : memref<79x128xi32, #tpu.memory_space<vmem>>, vector<16xi32>,
      %min3A_393 = arith.minsi %min3A_387, %get3A_392 : vector<16xi32>
      %add3A_394 = arith.constant 3 : i32
      %add3A_395 = arith.addi %mul3A_235, %add3A_394 : i32
      %get3A_396 = arith.index_cast %add3A_395 : i32 to index
      %get3A_397 = arith.constant 48 : index
      %get3A_398 = tpu.vector_load %arg6[%get3A_396, %get3A_397] {strides = array<i32>} : memref<79x128xi32, #tpu.memory_space<vmem>>, vector<16xi32>,
      %min3A_399 = arith.minsi %min3A_393, %get3A_398 : vector<16xi32>
      %add3A_400 = arith.constant 3 : i32
      %add3A_401 = arith.addi %mul3A_235, %add3A_400 : i32
      %get3A_402 = arith.index_cast %add3A_401 : i32 to index
      %get3A_403 = arith.constant 64 : index
      %get3A_404 = tpu.vector_load %arg6[%get3A_402, %get3A_403] {strides = array<i32>} : memref<79x128xi32, #tpu.memory_space<vmem>>, vector<16xi32>,
      %min3A_405 = arith.minsi %min3A_399, %get3A_404 : vector<16xi32>
      %add3A_406 = arith.constant 3 : i32
      %add3A_407 = arith.addi %mul3A_235, %add3A_406 : i32
      %get3A_408 = arith.index_cast %add3A_407 : i32 to index
      %get3A_409 = arith.constant 80 : index
      %get3A_410 = tpu.vector_load %arg6[%get3A_408, %get3A_409] {strides = array<i32>} : memref<79x128xi32, #tpu.memory_space<vmem>>, vector<16xi32>,
      %min3A_411 = arith.minsi %min3A_405, %get3A_410 : vector<16xi32>
      %add3A_412 = arith.constant 3 : i32
      %add3A_413 = arith.addi %mul3A_235, %add3A_412 : i32
      %get3A_414 = arith.index_cast %add3A_413 : i32 to index
      %get3A_415 = arith.constant 96 : index
      %get3A_416 = tpu.vector_load %arg6[%get3A_414, %get3A_415] {strides = array<i32>} : memref<79x128xi32, #tpu.memory_space<vmem>>, vector<16xi32>,
      %min3A_417 = arith.minsi %min3A_411, %get3A_416 : vector<16xi32>
      %add3A_418 = arith.constant 3 : i32
      %add3A_419 = arith.addi %mul3A_235, %add3A_418 : i32
      %get3A_420 = arith.index_cast %add3A_419 : i32 to index
      %get3A_421 = arith.constant 112 : index
      %get3A_422 = tpu.vector_load %arg6[%get3A_420, %get3A_421] {strides = array<i32>} : memref<79x128xi32, #tpu.memory_space<vmem>>, vector<16xi32>,
      %min3A_423 = arith.minsi %min3A_417, %get3A_422 : vector<16xi32>
      %add3A_424 = arith.constant 4 : i32
      %add3A_425 = arith.addi %mul3A_235, %add3A_424 : i32
      %get3A_426 = arith.index_cast %add3A_425 : i32 to index
      %get3A_427 = arith.constant 0 : index
      %get3A_428 = tpu.vector_load %arg6[%get3A_426, %get3A_427] {strides = array<i32>} : memref<79x128xi32, #tpu.memory_space<vmem>>, vector<16xi32>,
      %min3A_429 = arith.minsi %min3A_423, %get3A_428 : vector<16xi32>
      %add3A_430 = arith.constant 4 : i32
      %add3A_431 = arith.addi %mul3A_235, %add3A_430 : i32
      %get3A_432 = arith.index_cast %add3A_431 : i32 to index
      %get3A_433 = arith.constant 16 : index
      %get3A_434 = tpu.vector_load %arg6[%get3A_432, %get3A_433] {strides = array<i32>} : memref<79x128xi32, #tpu.memory_space<vmem>>, vector<16xi32>,
      %min3A_435 = arith.minsi %min3A_429, %get3A_434 : vector<16xi32>
      %add3A_436 = arith.constant 4 : i32
      %add3A_437 = arith.addi %mul3A_235, %add3A_436 : i32
      %get3A_438 = arith.index_cast %add3A_437 : i32 to index
      %get3A_439 = arith.constant 32 : index
      %get3A_440 = tpu.vector_load %arg6[%get3A_438, %get3A_439] {strides = array<i32>} : memref<79x128xi32, #tpu.memory_space<vmem>>, vector<16xi32>,
      %min3A_441 = arith.minsi %min3A_435, %get3A_440 : vector<16xi32>
      %add3A_442 = arith.constant 4 : i32
      %add3A_443 = arith.addi %mul3A_235, %add3A_442 : i32
      %get3A_444 = arith.index_cast %add3A_443 : i32 to index
      %get3A_445 = arith.constant 48 : index
      %get3A_446 = tpu.vector_load %arg6[%get3A_444, %get3A_445] {strides = array<i32>} : memref<79x128xi32, #tpu.memory_space<vmem>>, vector<16xi32>,
      %min3A_447 = arith.minsi %min3A_441, %get3A_446 : vector<16xi32>
      %add3A_448 = arith.constant 4 : i32
      %add3A_449 = arith.addi %mul3A_235, %add3A_448 : i32
      %get3A_450 = arith.index_cast %add3A_449 : i32 to index
      %get3A_451 = arith.constant 64 : index
      %get3A_452 = tpu.vector_load %arg6[%get3A_450, %get3A_451] {strides = array<i32>} : memref<79x128xi32, #tpu.memory_space<vmem>>, vector<16xi32>,
      %min3A_453 = arith.minsi %min3A_447, %get3A_452 : vector<16xi32>
      %add3A_454 = arith.constant 4 : i32
      %add3A_455 = arith.addi %mul3A_235, %add3A_454 : i32
      %get3A_456 = arith.index_cast %add3A_455 : i32 to index
      %get3A_457 = arith.constant 80 : index
      %get3A_458 = tpu.vector_load %arg6[%get3A_456, %get3A_457] {strides = array<i32>} : memref<79x128xi32, #tpu.memory_space<vmem>>, vector<16xi32>,
      %min3A_459 = arith.minsi %min3A_453, %get3A_458 : vector<16xi32>
      %add3A_460 = arith.constant 4 : i32
      %add3A_461 = arith.addi %mul3A_235, %add3A_460 : i32
      %get3A_462 = arith.index_cast %add3A_461 : i32 to index
      %get3A_463 = arith.constant 96 : index
      %get3A_464 = tpu.vector_load %arg6[%get3A_462, %get3A_463] {strides = array<i32>} : memref<79x128xi32, #tpu.memory_space<vmem>>, vector<16xi32>,
      %min3A_465 = arith.minsi %min3A_459, %get3A_464 : vector<16xi32>
      %add3A_466 = arith.constant 4 : i32
      %add3A_467 = arith.addi %mul3A_235, %add3A_466 : i32
      %get3A_468 = arith.index_cast %add3A_467 : i32 to index
      %get3A_469 = arith.constant 112 : index
      %get3A_470 = tpu.vector_load %arg6[%get3A_468, %get3A_469] {strides = array<i32>} : memref<79x128xi32, #tpu.memory_space<vmem>>, vector<16xi32>,
      %min3A_471 = arith.minsi %min3A_465, %get3A_470 : vector<16xi32>
      %add3A_472 = arith.constant 5 : i32
      %add3A_473 = arith.addi %mul3A_235, %add3A_472 : i32
      %get3A_474 = arith.index_cast %add3A_473 : i32 to index
      %get3A_475 = arith.constant 0 : index
      %get3A_476 = tpu.vector_load %arg6[%get3A_474, %get3A_475] {strides = array<i32>} : memref<79x128xi32, #tpu.memory_space<vmem>>, vector<16xi32>,
      %min3A_477 = arith.minsi %min3A_471, %get3A_476 : vector<16xi32>
      %add3A_478 = arith.constant 5 : i32
      %add3A_479 = arith.addi %mul3A_235, %add3A_478 : i32
      %get3A_480 = arith.index_cast %add3A_479 : i32 to index
      %get3A_481 = arith.constant 16 : index
      %get3A_482 = tpu.vector_load %arg6[%get3A_480, %get3A_481] {strides = array<i32>} : memref<79x128xi32, #tpu.memory_space<vmem>>, vector<16xi32>,
      %min3A_483 = arith.minsi %min3A_477, %get3A_482 : vector<16xi32>
      %add3A_484 = arith.constant 5 : i32
      %add3A_485 = arith.addi %mul3A_235, %add3A_484 : i32
      %get3A_486 = arith.index_cast %add3A_485 : i32 to index
      %get3A_487 = arith.constant 32 : index
      %get3A_488 = tpu.vector_load %arg6[%get3A_486, %get3A_487] {strides = array<i32>} : memref<79x128xi32, #tpu.memory_space<vmem>>, vector<16xi32>,
      %min3A_489 = arith.minsi %min3A_483, %get3A_488 : vector<16xi32>
      %add3A_490 = arith.constant 5 : i32
      %add3A_491 = arith.addi %mul3A_235, %add3A_490 : i32
      %get3A_492 = arith.index_cast %add3A_491 : i32 to index
      %get3A_493 = arith.constant 48 : index
      %get3A_494 = tpu.vector_load %arg6[%get3A_492, %get3A_493] {strides = array<i32>} : memref<79x128xi32, #tpu.memory_space<vmem>>, vector<16xi32>,
      %min3A_495 = arith.minsi %min3A_489, %get3A_494 : vector<16xi32>
      %add3A_496 = arith.constant 5 : i32
      %add3A_497 = arith.addi %mul3A_235, %add3A_496 : i32
      %get3A_498 = arith.index_cast %add3A_497 : i32 to index
      %get3A_499 = arith.constant 64 : index
      %get3A_500 = tpu.vector_load %arg6[%get3A_498, %get3A_499] {strides = array<i32>} : memref<79x128xi32, #tpu.memory_space<vmem>>, vector<16xi32>,
      %min3A_501 = arith.minsi %min3A_495, %get3A_500 : vector<16xi32>
      %add3A_502 = arith.constant 5 : i32
      %add3A_503 = arith.addi %mul3A_235, %add3A_502 : i32
      %get3A_504 = arith.index_cast %add3A_503 : i32 to index
      %get3A_505 = arith.constant 80 : index
      %get3A_506 = tpu.vector_load %arg6[%get3A_504, %get3A_505] {strides = array<i32>} : memref<79x128xi32, #tpu.memory_space<vmem>>, vector<16xi32>,
      %min3A_507 = arith.minsi %min3A_501, %get3A_506 : vector<16xi32>
      %add3A_508 = arith.constant 5 : i32
      %add3A_509 = arith.addi %mul3A_235, %add3A_508 : i32
      %get3A_510 = arith.index_cast %add3A_509 : i32 to index
      %get3A_511 = arith.constant 96 : index
      %get3A_512 = tpu.vector_load %arg6[%get3A_510, %get3A_511] {strides = array<i32>} : memref<79x128xi32, #tpu.memory_space<vmem>>, vector<16xi32>,
      %min3A_513 = arith.minsi %min3A_507, %get3A_512 : vector<16xi32>
      %add3A_514 = arith.constant 5 : i32
      %add3A_515 = arith.addi %mul3A_235, %add3A_514 : i32
      %get3A_516 = arith.index_cast %add3A_515 : i32 to index
      %get3A_517 = arith.constant 112 : index
      %get3A_518 = tpu.vector_load %arg6[%get3A_516, %get3A_517] {strides = array<i32>} : memref<79x128xi32, #tpu.memory_space<vmem>>, vector<16xi32>,
      %min3A_519 = arith.minsi %min3A_513, %get3A_518 : vector<16xi32>
      %add3A_520 = arith.constant 6 : i32
      %add3A_521 = arith.addi %mul3A_235, %add3A_520 : i32
      %get3A_522 = arith.index_cast %add3A_521 : i32 to index
      %get3A_523 = arith.constant 0 : index
      %get3A_524 = tpu.vector_load %arg6[%get3A_522, %get3A_523] {strides = array<i32>} : memref<79x128xi32, #tpu.memory_space<vmem>>, vector<16xi32>,
      %min3A_525 = arith.minsi %min3A_519, %get3A_524 : vector<16xi32>
      %add3A_526 = arith.constant 6 : i32
      %add3A_527 = arith.addi %mul3A_235, %add3A_526 : i32
      %get3A_528 = arith.index_cast %add3A_527 : i32 to index
      %get3A_529 = arith.constant 16 : index
      %get3A_530 = tpu.vector_load %arg6[%get3A_528, %get3A_529] {strides = array<i32>} : memref<79x128xi32, #tpu.memory_space<vmem>>, vector<16xi32>,
      %min3A_531 = arith.minsi %min3A_525, %get3A_530 : vector<16xi32>
      %add3A_532 = arith.constant 6 : i32
      %add3A_533 = arith.addi %mul3A_235, %add3A_532 : i32
      %get3A_534 = arith.index_cast %add3A_533 : i32 to index
      %get3A_535 = arith.constant 32 : index
      %get3A_536 = tpu.vector_load %arg6[%get3A_534, %get3A_535] {strides = array<i32>} : memref<79x128xi32, #tpu.memory_space<vmem>>, vector<16xi32>,
      %min3A_537 = arith.minsi %min3A_531, %get3A_536 : vector<16xi32>
      %add3A_538 = arith.constant 6 : i32
      %add3A_539 = arith.addi %mul3A_235, %add3A_538 : i32
      %get3A_540 = arith.index_cast %add3A_539 : i32 to index
      %get3A_541 = arith.constant 48 : index
      %get3A_542 = tpu.vector_load %arg6[%get3A_540, %get3A_541] {strides = array<i32>} : memref<79x128xi32, #tpu.memory_space<vmem>>, vector<16xi32>,
      %min3A_543 = arith.minsi %min3A_537, %get3A_542 : vector<16xi32>
      %add3A_544 = arith.constant 6 : i32
      %add3A_545 = arith.addi %mul3A_235, %add3A_544 : i32
      %get3A_546 = arith.index_cast %add3A_545 : i32 to index
      %get3A_547 = arith.constant 64 : index
      %get3A_548 = tpu.vector_load %arg6[%get3A_546, %get3A_547] {strides = array<i32>} : memref<79x128xi32, #tpu.memory_space<vmem>>, vector<16xi32>,
      %min3A_549 = arith.minsi %min3A_543, %get3A_548 : vector<16xi32>
      %add3A_550 = arith.constant 6 : i32
      %add3A_551 = arith.addi %mul3A_235, %add3A_550 : i32
      %get3A_552 = arith.index_cast %add3A_551 : i32 to index
      %get3A_553 = arith.constant 80 : index
      %get3A_554 = tpu.vector_load %arg6[%get3A_552, %get3A_553] {strides = array<i32>} : memref<79x128xi32, #tpu.memory_space<vmem>>, vector<16xi32>,
      %min3A_555 = arith.minsi %min3A_549, %get3A_554 : vector<16xi32>
      %add3A_556 = arith.constant 6 : i32
      %add3A_557 = arith.addi %mul3A_235, %add3A_556 : i32
      %get3A_558 = arith.index_cast %add3A_557 : i32 to index
      %get3A_559 = arith.constant 96 : index
      %get3A_560 = tpu.vector_load %arg6[%get3A_558, %get3A_559] {strides = array<i32>} : memref<79x128xi32, #tpu.memory_space<vmem>>, vector<16xi32>,
      %min3A_561 = arith.minsi %min3A_555, %get3A_560 : vector<16xi32>
      %add3A_562 = arith.constant 6 : i32
      %add3A_563 = arith.addi %mul3A_235, %add3A_562 : i32
      %get3A_564 = arith.index_cast %add3A_563 : i32 to index
      %get3A_565 = arith.constant 112 : index
      %get3A_566 = tpu.vector_load %arg6[%get3A_564, %get3A_565] {strides = array<i32>} : memref<79x128xi32, #tpu.memory_space<vmem>>, vector<16xi32>,
      %min3A_567 = arith.minsi %min3A_561, %get3A_566 : vector<16xi32>
      %add3A_568 = arith.constant 7 : i32
      %add3A_569 = arith.addi %mul3A_235, %add3A_568 : i32
      %get3A_570 = arith.index_cast %add3A_569 : i32 to index
      %get3A_571 = arith.constant 0 : index
      %get3A_572 = tpu.vector_load %arg6[%get3A_570, %get3A_571] {strides = array<i32>} : memref<79x128xi32, #tpu.memory_space<vmem>>, vector<16xi32>,
      %min3A_573 = arith.minsi %min3A_567, %get3A_572 : vector<16xi32>
      %add3A_574 = arith.constant 7 : i32
      %add3A_575 = arith.addi %mul3A_235, %add3A_574 : i32
      %get3A_576 = arith.index_cast %add3A_575 : i32 to index
      %get3A_577 = arith.constant 16 : index
      %get3A_578 = tpu.vector_load %arg6[%get3A_576, %get3A_577] {strides = array<i32>} : memref<79x128xi32, #tpu.memory_space<vmem>>, vector<16xi32>,
      %min3A_579 = arith.minsi %min3A_573, %get3A_578 : vector<16xi32>
      %add3A_580 = arith.constant 7 : i32
      %add3A_581 = arith.addi %mul3A_235, %add3A_580 : i32
      %get3A_582 = arith.index_cast %add3A_581 : i32 to index
      %get3A_583 = arith.constant 32 : index
      %get3A_584 = tpu.vector_load %arg6[%get3A_582, %get3A_583] {strides = array<i32>} : memref<79x128xi32, #tpu.memory_space<vmem>>, vector<16xi32>,
      %min3A_585 = arith.minsi %min3A_579, %get3A_584 : vector<16xi32>
      %add3A_586 = arith.constant 7 : i32
      %add3A_587 = arith.addi %mul3A_235, %add3A_586 : i32
      %get3A_588 = arith.index_cast %add3A_587 : i32 to index
      %get3A_589 = arith.constant 48 : index
      %get3A_590 = tpu.vector_load %arg6[%get3A_588, %get3A_589] {strides = array<i32>} : memref<79x128xi32, #tpu.memory_space<vmem>>, vector<16xi32>,
      %min3A_591 = arith.minsi %min3A_585, %get3A_590 : vector<16xi32>
      %add3A_592 = arith.constant 7 : i32
      %add3A_593 = arith.addi %mul3A_235, %add3A_592 : i32
      %get3A_594 = arith.index_cast %add3A_593 : i32 to index
      %get3A_595 = arith.constant 64 : index
      %get3A_596 = tpu.vector_load %arg6[%get3A_594, %get3A_595] {strides = array<i32>} : memref<79x128xi32, #tpu.memory_space<vmem>>, vector<16xi32>,
      %min3A_597 = arith.minsi %min3A_591, %get3A_596 : vector<16xi32>
      %add3A_598 = arith.constant 7 : i32
      %add3A_599 = arith.addi %mul3A_235, %add3A_598 : i32
      %get3A_600 = arith.index_cast %add3A_599 : i32 to index
      %get3A_601 = arith.constant 80 : index
      %get3A_602 = tpu.vector_load %arg6[%get3A_600, %get3A_601] {strides = array<i32>} : memref<79x128xi32, #tpu.memory_space<vmem>>, vector<16xi32>,
      %min3A_603 = arith.minsi %min3A_597, %get3A_602 : vector<16xi32>
      %add3A_604 = arith.constant 7 : i32
      %add3A_605 = arith.addi %mul3A_235, %add3A_604 : i32
      %get3A_606 = arith.index_cast %add3A_605 : i32 to index
      %get3A_607 = arith.constant 96 : index
      %get3A_608 = tpu.vector_load %arg6[%get3A_606, %get3A_607] {strides = array<i32>} : memref<79x128xi32, #tpu.memory_space<vmem>>, vector<16xi32>,
      %min3A_609 = arith.minsi %min3A_603, %get3A_608 : vector<16xi32>
      %add3A_610 = arith.constant 7 : i32
      %add3A_611 = arith.addi %mul3A_235, %add3A_610 : i32
      %get3A_612 = arith.index_cast %add3A_611 : i32 to index
      %get3A_613 = arith.constant 112 : index
      %get3A_614 = tpu.vector_load %arg6[%get3A_612, %get3A_613] {strides = array<i32>} : memref<79x128xi32, #tpu.memory_space<vmem>>, vector<16xi32>,
      %min3A_615 = arith.minsi %min3A_609, %get3A_614 : vector<16xi32>
      %add3A_616 = arith.constant 8 : i32
      %add3A_617 = arith.addi %mul3A_235, %add3A_616 : i32
      %get3A_618 = arith.index_cast %add3A_617 : i32 to index
      %get3A_619 = arith.constant 0 : index
      %get3A_620 = tpu.vector_load %arg6[%get3A_618, %get3A_619] {strides = array<i32>} : memref<79x128xi32, #tpu.memory_space<vmem>>, vector<16xi32>,
      %min3A_621 = arith.minsi %min3A_615, %get3A_620 : vector<16xi32>
      %add3A_622 = arith.constant 8 : i32
      %add3A_623 = arith.addi %mul3A_235, %add3A_622 : i32
      %get3A_624 = arith.index_cast %add3A_623 : i32 to index
      %get3A_625 = arith.constant 16 : index
      %get3A_626 = tpu.vector_load %arg6[%get3A_624, %get3A_625] {strides = array<i32>} : memref<79x128xi32, #tpu.memory_space<vmem>>, vector<16xi32>,
      %min3A_627 = arith.minsi %min3A_621, %get3A_626 : vector<16xi32>
      %add3A_628 = arith.constant 8 : i32
      %add3A_629 = arith.addi %mul3A_235, %add3A_628 : i32
      %get3A_630 = arith.index_cast %add3A_629 : i32 to index
      %get3A_631 = arith.constant 32 : index
      %get3A_632 = tpu.vector_load %arg6[%get3A_630, %get3A_631] {strides = array<i32>} : memref<79x128xi32, #tpu.memory_space<vmem>>, vector<16xi32>,
      %min3A_633 = arith.minsi %min3A_627, %get3A_632 : vector<16xi32>
      %add3A_634 = arith.constant 8 : i32
      %add3A_635 = arith.addi %mul3A_235, %add3A_634 : i32
      %get3A_636 = arith.index_cast %add3A_635 : i32 to index
      %get3A_637 = arith.constant 48 : index
      %get3A_638 = tpu.vector_load %arg6[%get3A_636, %get3A_637] {strides = array<i32>} : memref<79x128xi32, #tpu.memory_space<vmem>>, vector<16xi32>,
      %min3A_639 = arith.minsi %min3A_633, %get3A_638 : vector<16xi32>
      %add3A_640 = arith.constant 8 : i32
      %add3A_641 = arith.addi %mul3A_235, %add3A_640 : i32
      %get3A_642 = arith.index_cast %add3A_641 : i32 to index
      %get3A_643 = arith.constant 64 : index
      %get3A_644 = tpu.vector_load %arg6[%get3A_642, %get3A_643] {strides = array<i32>} : memref<79x128xi32, #tpu.memory_space<vmem>>, vector<16xi32>,
      %min3A_645 = arith.minsi %min3A_639, %get3A_644 : vector<16xi32>
      %add3A_646 = arith.constant 8 : i32
      %add3A_647 = arith.addi %mul3A_235, %add3A_646 : i32
      %get3A_648 = arith.index_cast %add3A_647 : i32 to index
      %get3A_649 = arith.constant 80 : index
      %get3A_650 = tpu.vector_load %arg6[%get3A_648, %get3A_649] {strides = array<i32>} : memref<79x128xi32, #tpu.memory_space<vmem>>, vector<16xi32>,
      %min3A_651 = arith.minsi %min3A_645, %get3A_650 : vector<16xi32>
      %add3A_652 = arith.constant 8 : i32
      %add3A_653 = arith.addi %mul3A_235, %add3A_652 : i32
      %get3A_654 = arith.index_cast %add3A_653 : i32 to index
      %get3A_655 = arith.constant 96 : index
      %get3A_656 = tpu.vector_load %arg6[%get3A_654, %get3A_655] {strides = array<i32>} : memref<79x128xi32, #tpu.memory_space<vmem>>, vector<16xi32>,
      %min3A_657 = arith.minsi %min3A_651, %get3A_656 : vector<16xi32>
      %add3A_658 = arith.constant 8 : i32
      %add3A_659 = arith.addi %mul3A_235, %add3A_658 : i32
      %get3A_660 = arith.index_cast %add3A_659 : i32 to index
      %get3A_661 = arith.constant 112 : index
      %get3A_662 = tpu.vector_load %arg6[%get3A_660, %get3A_661] {strides = array<i32>} : memref<79x128xi32, #tpu.memory_space<vmem>>, vector<16xi32>,
      %min3A_663 = arith.minsi %min3A_657, %get3A_662 : vector<16xi32>
      %add3A_664 = arith.constant 9 : i32
      %add3A_665 = arith.addi %mul3A_235, %add3A_664 : i32
      %get3A_666 = arith.index_cast %add3A_665 : i32 to index
      %get3A_667 = arith.constant 0 : index
      %get3A_668 = tpu.vector_load %arg6[%get3A_666, %get3A_667] {strides = array<i32>} : memref<79x128xi32, #tpu.memory_space<vmem>>, vector<16xi32>,
      %min3A_669 = arith.minsi %min3A_663, %get3A_668 : vector<16xi32>
      %add3A_670 = arith.constant 9 : i32
      %add3A_671 = arith.addi %mul3A_235, %add3A_670 : i32
      %get3A_672 = arith.index_cast %add3A_671 : i32 to index
      %get3A_673 = arith.constant 16 : index
      %get3A_674 = tpu.vector_load %arg6[%get3A_672, %get3A_673] {strides = array<i32>} : memref<79x128xi32, #tpu.memory_space<vmem>>, vector<16xi32>,
      %min3A_675 = arith.minsi %min3A_669, %get3A_674 : vector<16xi32>
      %add3A_676 = arith.constant 9 : i32
      %add3A_677 = arith.addi %mul3A_235, %add3A_676 : i32
      %get3A_678 = arith.index_cast %add3A_677 : i32 to index
      %get3A_679 = arith.constant 32 : index
      %get3A_680 = tpu.vector_load %arg6[%get3A_678, %get3A_679] {strides = array<i32>} : memref<79x128xi32, #tpu.memory_space<vmem>>, vector<16xi32>,
      %min3A_681 = arith.minsi %min3A_675, %get3A_680 : vector<16xi32>
      %add3A_682 = arith.constant 9 : i32
      %add3A_683 = arith.addi %mul3A_235, %add3A_682 : i32
      %get3A_684 = arith.index_cast %add3A_683 : i32 to index
      %get3A_685 = arith.constant 48 : index
      %get3A_686 = tpu.vector_load %arg6[%get3A_684, %get3A_685] {strides = array<i32>} : memref<79x128xi32, #tpu.memory_space<vmem>>, vector<16xi32>,
      %min3A_687 = arith.minsi %min3A_681, %get3A_686 : vector<16xi32>
      %add3A_688 = arith.constant 9 : i32
      %add3A_689 = arith.addi %mul3A_235, %add3A_688 : i32
      %get3A_690 = arith.index_cast %add3A_689 : i32 to index
      %get3A_691 = arith.constant 64 : index
      %get3A_692 = tpu.vector_load %arg6[%get3A_690, %get3A_691] {strides = array<i32>} : memref<79x128xi32, #tpu.memory_space<vmem>>, vector<16xi32>,
      %min3A_693 = arith.minsi %min3A_687, %get3A_692 : vector<16xi32>
      %add3A_694 = arith.constant 9 : i32
      %add3A_695 = arith.addi %mul3A_235, %add3A_694 : i32
      %get3A_696 = arith.index_cast %add3A_695 : i32 to index
      %get3A_697 = arith.constant 80 : index
      %get3A_698 = tpu.vector_load %arg6[%get3A_696, %get3A_697] {strides = array<i32>} : memref<79x128xi32, #tpu.memory_space<vmem>>, vector<16xi32>,
      %min3A_699 = arith.minsi %min3A_693, %get3A_698 : vector<16xi32>
      %add3A_700 = arith.constant 9 : i32
      %add3A_701 = arith.addi %mul3A_235, %add3A_700 : i32
      %get3A_702 = arith.index_cast %add3A_701 : i32 to index
      %get3A_703 = arith.constant 96 : index
      %get3A_704 = tpu.vector_load %arg6[%get3A_702, %get3A_703] {strides = array<i32>} : memref<79x128xi32, #tpu.memory_space<vmem>>, vector<16xi32>,
      %min3A_705 = arith.minsi %min3A_699, %get3A_704 : vector<16xi32>
      %add3A_706 = arith.constant 9 : i32
      %add3A_707 = arith.addi %mul3A_235, %add3A_706 : i32
      %get3A_708 = arith.index_cast %add3A_707 : i32 to index
      %get3A_709 = arith.constant 112 : index
      %get3A_710 = tpu.vector_load %arg6[%get3A_708, %get3A_709] {strides = array<i32>} : memref<79x128xi32, #tpu.memory_space<vmem>>, vector<16xi32>,
      %min3A_711 = arith.minsi %min3A_705, %get3A_710 : vector<16xi32>
      %add3A_712 = arith.constant 10 : i32
      %add3A_713 = arith.addi %mul3A_235, %add3A_712 : i32
      %get3A_714 = arith.index_cast %add3A_713 : i32 to index
      %get3A_715 = arith.constant 0 : index
      %get3A_716 = tpu.vector_load %arg6[%get3A_714, %get3A_715] {strides = array<i32>} : memref<79x128xi32, #tpu.memory_space<vmem>>, vector<16xi32>,
      %min3A_717 = arith.minsi %min3A_711, %get3A_716 : vector<16xi32>
      %add3A_718 = arith.constant 10 : i32
      %add3A_719 = arith.addi %mul3A_235, %add3A_718 : i32
      %get3A_720 = arith.index_cast %add3A_719 : i32 to index
      %get3A_721 = arith.constant 16 : index
      %get3A_722 = tpu.vector_load %arg6[%get3A_720, %get3A_721] {strides = array<i32>} : memref<79x128xi32, #tpu.memory_space<vmem>>, vector<16xi32>,
      %min3A_723 = arith.minsi %min3A_717, %get3A_722 : vector<16xi32>
      %add3A_724 = arith.constant 10 : i32
      %add3A_725 = arith.addi %mul3A_235, %add3A_724 : i32
      %get3A_726 = arith.index_cast %add3A_725 : i32 to index
      %get3A_727 = arith.constant 32 : index
      %get3A_728 = tpu.vector_load %arg6[%get3A_726, %get3A_727] {strides = array<i32>} : memref<79x128xi32, #tpu.memory_space<vmem>>, vector<16xi32>,
      %min3A_729 = arith.minsi %min3A_723, %get3A_728 : vector<16xi32>
      %add3A_730 = arith.constant 10 : i32
      %add3A_731 = arith.addi %mul3A_235, %add3A_730 : i32
      %get3A_732 = arith.index_cast %add3A_731 : i32 to index
      %get3A_733 = arith.constant 48 : index
      %get3A_734 = tpu.vector_load %arg6[%get3A_732, %get3A_733] {strides = array<i32>} : memref<79x128xi32, #tpu.memory_space<vmem>>, vector<16xi32>,
      %min3A_735 = arith.minsi %min3A_729, %get3A_734 : vector<16xi32>
      %add3A_736 = arith.constant 10 : i32
      %add3A_737 = arith.addi %mul3A_235, %add3A_736 : i32
      %get3A_738 = arith.index_cast %add3A_737 : i32 to index
      %get3A_739 = arith.constant 64 : index
      %get3A_740 = tpu.vector_load %arg6[%get3A_738, %get3A_739] {strides = array<i32>} : memref<79x128xi32, #tpu.memory_space<vmem>>, vector<16xi32>,
      %min3A_741 = arith.minsi %min3A_735, %get3A_740 : vector<16xi32>
      %add3A_742 = arith.constant 10 : i32
      %add3A_743 = arith.addi %mul3A_235, %add3A_742 : i32
      %get3A_744 = arith.index_cast %add3A_743 : i32 to index
      %get3A_745 = arith.constant 80 : index
      %get3A_746 = tpu.vector_load %arg6[%get3A_744, %get3A_745] {strides = array<i32>} : memref<79x128xi32, #tpu.memory_space<vmem>>, vector<16xi32>,
      %min3A_747 = arith.minsi %min3A_741, %get3A_746 : vector<16xi32>
      %add3A_748 = arith.constant 10 : i32
      %add3A_749 = arith.addi %mul3A_235, %add3A_748 : i32
      %get3A_750 = arith.index_cast %add3A_749 : i32 to index
      %get3A_751 = arith.constant 96 : index
      %get3A_752 = tpu.vector_load %arg6[%get3A_750, %get3A_751] {strides = array<i32>} : memref<79x128xi32, #tpu.memory_space<vmem>>, vector<16xi32>,
      %min3A_753 = arith.minsi %min3A_747, %get3A_752 : vector<16xi32>
      %add3A_754 = arith.constant 10 : i32
      %add3A_755 = arith.addi %mul3A_235, %add3A_754 : i32
      %get3A_756 = arith.index_cast %add3A_755 : i32 to index
      %get3A_757 = arith.constant 112 : index
      %get3A_758 = tpu.vector_load %arg6[%get3A_756, %get3A_757] {strides = array<i32>} : memref<79x128xi32, #tpu.memory_space<vmem>>, vector<16xi32>,
      %min3A_759 = arith.minsi %min3A_753, %get3A_758 : vector<16xi32>
      %add3A_760 = arith.constant 11 : i32
      %add3A_761 = arith.addi %mul3A_235, %add3A_760 : i32
      %get3A_762 = arith.index_cast %add3A_761 : i32 to index
      %get3A_763 = arith.constant 0 : index
      %get3A_764 = tpu.vector_load %arg6[%get3A_762, %get3A_763] {strides = array<i32>} : memref<79x128xi32, #tpu.memory_space<vmem>>, vector<16xi32>,
      %min3A_765 = arith.minsi %min3A_759, %get3A_764 : vector<16xi32>
      %add3A_766 = arith.constant 11 : i32
      %add3A_767 = arith.addi %mul3A_235, %add3A_766 : i32
      %get3A_768 = arith.index_cast %add3A_767 : i32 to index
      %get3A_769 = arith.constant 16 : index
      %get3A_770 = tpu.vector_load %arg6[%get3A_768, %get3A_769] {strides = array<i32>} : memref<79x128xi32, #tpu.memory_space<vmem>>, vector<16xi32>,
      %min3A_771 = arith.minsi %min3A_765, %get3A_770 : vector<16xi32>
      %add3A_772 = arith.constant 11 : i32
      %add3A_773 = arith.addi %mul3A_235, %add3A_772 : i32
      %get3A_774 = arith.index_cast %add3A_773 : i32 to index
      %get3A_775 = arith.constant 32 : index
      %get3A_776 = tpu.vector_load %arg6[%get3A_774, %get3A_775] {strides = array<i32>} : memref<79x128xi32, #tpu.memory_space<vmem>>, vector<16xi32>,
      %min3A_777 = arith.minsi %min3A_771, %get3A_776 : vector<16xi32>
      %add3A_778 = arith.constant 11 : i32
      %add3A_779 = arith.addi %mul3A_235, %add3A_778 : i32
      %get3A_780 = arith.index_cast %add3A_779 : i32 to index
      %get3A_781 = arith.constant 48 : index
      %get3A_782 = tpu.vector_load %arg6[%get3A_780, %get3A_781] {strides = array<i32>} : memref<79x128xi32, #tpu.memory_space<vmem>>, vector<16xi32>,
      %min3A_783 = arith.minsi %min3A_777, %get3A_782 : vector<16xi32>
      %add3A_784 = arith.constant 11 : i32
      %add3A_785 = arith.addi %mul3A_235, %add3A_784 : i32
      %get3A_786 = arith.index_cast %add3A_785 : i32 to index
      %get3A_787 = arith.constant 64 : index
      %get3A_788 = tpu.vector_load %arg6[%get3A_786, %get3A_787] {strides = array<i32>} : memref<79x128xi32, #tpu.memory_space<vmem>>, vector<16xi32>,
      %min3A_789 = arith.minsi %min3A_783, %get3A_788 : vector<16xi32>
      %add3A_790 = arith.constant 11 : i32
      %add3A_791 = arith.addi %mul3A_235, %add3A_790 : i32
      %get3A_792 = arith.index_cast %add3A_791 : i32 to index
      %get3A_793 = arith.constant 80 : index
      %get3A_794 = tpu.vector_load %arg6[%get3A_792, %get3A_793] {strides = array<i32>} : memref<79x128xi32, #tpu.memory_space<vmem>>, vector<16xi32>,
      %min3A_795 = arith.minsi %min3A_789, %get3A_794 : vector<16xi32>
      %add3A_796 = arith.constant 11 : i32
      %add3A_797 = arith.addi %mul3A_235, %add3A_796 : i32
      %get3A_798 = arith.index_cast %add3A_797 : i32 to index
      %get3A_799 = arith.constant 96 : index
      %get3A_800 = tpu.vector_load %arg6[%get3A_798, %get3A_799] {strides = array<i32>} : memref<79x128xi32, #tpu.memory_space<vmem>>, vector<16xi32>,
      %min3A_801 = arith.minsi %min3A_795, %get3A_800 : vector<16xi32>
      %add3A_802 = arith.constant 11 : i32
      %add3A_803 = arith.addi %mul3A_235, %add3A_802 : i32
      %get3A_804 = arith.index_cast %add3A_803 : i32 to index
      %get3A_805 = arith.constant 112 : index
      %get3A_806 = tpu.vector_load %arg6[%get3A_804, %get3A_805] {strides = array<i32>} : memref<79x128xi32, #tpu.memory_space<vmem>>, vector<16xi32>,
      %min3A_807 = arith.minsi %min3A_801, %get3A_806 : vector<16xi32>
      %add3A_808 = arith.constant 12 : i32
      %add3A_809 = arith.addi %mul3A_235, %add3A_808 : i32
      %get3A_810 = arith.index_cast %add3A_809 : i32 to index
      %get3A_811 = arith.constant 0 : index
      %get3A_812 = tpu.vector_load %arg6[%get3A_810, %get3A_811] {strides = array<i32>} : memref<79x128xi32, #tpu.memory_space<vmem>>, vector<16xi32>,
      %min3A_813 = arith.minsi %min3A_807, %get3A_812 : vector<16xi32>
      %add3A_814 = arith.constant 12 : i32
      %add3A_815 = arith.addi %mul3A_235, %add3A_814 : i32
      %get3A_816 = arith.index_cast %add3A_815 : i32 to index
      %get3A_817 = arith.constant 16 : index
      %get3A_818 = tpu.vector_load %arg6[%get3A_816, %get3A_817] {strides = array<i32>} : memref<79x128xi32, #tpu.memory_space<vmem>>, vector<16xi32>,
      %min3A_819 = arith.minsi %min3A_813, %get3A_818 : vector<16xi32>
      %add3A_820 = arith.constant 12 : i32
      %add3A_821 = arith.addi %mul3A_235, %add3A_820 : i32
      %get3A_822 = arith.index_cast %add3A_821 : i32 to index
      %get3A_823 = arith.constant 32 : index
      %get3A_824 = tpu.vector_load %arg6[%get3A_822, %get3A_823] {strides = array<i32>} : memref<79x128xi32, #tpu.memory_space<vmem>>, vector<16xi32>,
      %min3A_825 = arith.minsi %min3A_819, %get3A_824 : vector<16xi32>
      %add3A_826 = arith.constant 12 : i32
      %add3A_827 = arith.addi %mul3A_235, %add3A_826 : i32
      %get3A_828 = arith.index_cast %add3A_827 : i32 to index
      %get3A_829 = arith.constant 48 : index
      %get3A_830 = tpu.vector_load %arg6[%get3A_828, %get3A_829] {strides = array<i32>} : memref<79x128xi32, #tpu.memory_space<vmem>>, vector<16xi32>,
      %min3A_831 = arith.minsi %min3A_825, %get3A_830 : vector<16xi32>
      %add3A_832 = arith.constant 12 : i32
      %add3A_833 = arith.addi %mul3A_235, %add3A_832 : i32
      %get3A_834 = arith.index_cast %add3A_833 : i32 to index
      %get3A_835 = arith.constant 64 : index
      %get3A_836 = tpu.vector_load %arg6[%get3A_834, %get3A_835] {strides = array<i32>} : memref<79x128xi32, #tpu.memory_space<vmem>>, vector<16xi32>,
      %min3A_837 = arith.minsi %min3A_831, %get3A_836 : vector<16xi32>
      %add3A_838 = arith.constant 12 : i32
      %add3A_839 = arith.addi %mul3A_235, %add3A_838 : i32
      %get3A_840 = arith.index_cast %add3A_839 : i32 to index
      %get3A_841 = arith.constant 80 : index
      %get3A_842 = tpu.vector_load %arg6[%get3A_840, %get3A_841] {strides = array<i32>} : memref<79x128xi32, #tpu.memory_space<vmem>>, vector<16xi32>,
      %min3A_843 = arith.minsi %min3A_837, %get3A_842 : vector<16xi32>
      %add3A_844 = arith.constant 12 : i32
      %add3A_845 = arith.addi %mul3A_235, %add3A_844 : i32
      %get3A_846 = arith.index_cast %add3A_845 : i32 to index
      %get3A_847 = arith.constant 96 : index
      %get3A_848 = tpu.vector_load %arg6[%get3A_846, %get3A_847] {strides = array<i32>} : memref<79x128xi32, #tpu.memory_space<vmem>>, vector<16xi32>,
      %min3A_849 = arith.minsi %min3A_843, %get3A_848 : vector<16xi32>
      %add3A_850 = arith.constant 12 : i32
      %add3A_851 = arith.addi %mul3A_235, %add3A_850 : i32
      %get3A_852 = arith.index_cast %add3A_851 : i32 to index
      %get3A_853 = arith.constant 112 : index
      %get3A_854 = tpu.vector_load %arg6[%get3A_852, %get3A_853] {strides = array<i32>} : memref<79x128xi32, #tpu.memory_space<vmem>>, vector<16xi32>,
      %min3A_855 = arith.minsi %min3A_849, %get3A_854 : vector<16xi32>
      %eq3A_856 = arith.constant 0 : i32
      %eq3A_857 = vector.broadcast %eq3A_856 : i32 to vector<16xi32>
      %eq3A_858 = arith.cmpi eq, %min3A_855, %eq3A_857 : vector<16xi32>
      %jit3A_859 = arith.constant 1 : i32
      %jit3A_860 = arith.constant 0 : i32
      %broadcast_in_dim3A_861 = vector.broadcast %jit3A_859 : i32 to vector<16xi32>
      %broadcast_in_dim3A_862 = vector.broadcast %jit3A_860 : i32 to vector<16xi32>
      %select_n3A_863 = arith.select %eq3A_858, %broadcast_in_dim3A_861, %broadcast_in_dim3A_862 : vector<16xi1>, vector<16xi32>
      %reduce_sum3A = arith.constant true
      %reduce_sum3A_864 = vector.broadcast %reduce_sum3A : i1 to vector<16xi1>
      %reduce_sum3A_865 = tpu.scan <sum>, %select_n3A_863 masked %reduce_sum3A_864 : vector<16xi32>, vector<16xi1> -> vector<16xi32>
      %reduce_sum3A_866 = vector.extract %reduce_sum3A_865[15] : i32 from vector<16xi32>
      %gt3A_867 = arith.constant 0 : i32
      %gt3A_868 = arith.cmpi sgt, %reduce_sum3A_866, %gt3A_867 : i32
      %convert_element_type3A_869 = arith.extui %gt3A_868 : i1 to i32
      %cond3A_870 = arith.constant 0 : i32
      %cond3A_871 = arith.cmpi ne, %convert_element_type3A_869, %cond3A_870 : i32
      scf.if %cond3A_871 {
        %scan3A_872 = arith.constant 0 : i32
        %scan3A_873 = arith.constant 0 : i32
        %scan3A_874 = arith.constant 13 : i32
        %scan3A_875 = arith.addi %scan3A_873, %scan3A_874 : i32
        %scan3A_876 = arith.constant 1 : i32
        scf.for %scan3A_878 = %scan3A_873 to %scan3A_875 step %scan3A_876  : i32 {
          %add3A_879 = arith.addi %mul3A_235, %scan3A_878 : i32
          %get3A_880 = arith.index_cast %add3A_879 : i32 to index
          %get3A_881 = arith.constant 0 : index
          %get3A_882 = tpu.vector_load %arg6[%get3A_880, %get3A_881] {strides = array<i32>} : memref<79x128xi32, #tpu.memory_space<vmem>>, vector<16xi32>,
          %get3A_883 = arith.index_cast %add3A_879 : i32 to index
          %get3A_884 = arith.constant 16 : index
          %get3A_885 = tpu.vector_load %arg6[%get3A_883, %get3A_884] {strides = array<i32>} : memref<79x128xi32, #tpu.memory_space<vmem>>, vector<16xi32>,
          %min3A_886 = arith.minsi %get3A_882, %get3A_885 : vector<16xi32>
          %get3A_887 = arith.index_cast %add3A_879 : i32 to index
          %get3A_888 = arith.constant 32 : index
          %get3A_889 = tpu.vector_load %arg6[%get3A_887, %get3A_888] {strides = array<i32>} : memref<79x128xi32, #tpu.memory_space<vmem>>, vector<16xi32>,
          %min3A_890 = arith.minsi %min3A_886, %get3A_889 : vector<16xi32>
          %get3A_891 = arith.index_cast %add3A_879 : i32 to index
          %get3A_892 = arith.constant 48 : index
          %get3A_893 = tpu.vector_load %arg6[%get3A_891, %get3A_892] {strides = array<i32>} : memref<79x128xi32, #tpu.memory_space<vmem>>, vector<16xi32>,
          %min3A_894 = arith.minsi %min3A_890, %get3A_893 : vector<16xi32>
          %get3A_895 = arith.index_cast %add3A_879 : i32 to index
          %get3A_896 = arith.constant 64 : index
          %get3A_897 = tpu.vector_load %arg6[%get3A_895, %get3A_896] {strides = array<i32>} : memref<79x128xi32, #tpu.memory_space<vmem>>, vector<16xi32>,
          %min3A_898 = arith.minsi %min3A_894, %get3A_897 : vector<16xi32>
          %get3A_899 = arith.index_cast %add3A_879 : i32 to index
          %get3A_900 = arith.constant 80 : index
          %get3A_901 = tpu.vector_load %arg6[%get3A_899, %get3A_900] {strides = array<i32>} : memref<79x128xi32, #tpu.memory_space<vmem>>, vector<16xi32>,
          %min3A_902 = arith.minsi %min3A_898, %get3A_901 : vector<16xi32>
          %get3A_903 = arith.index_cast %add3A_879 : i32 to index
          %get3A_904 = arith.constant 96 : index
          %get3A_905 = tpu.vector_load %arg6[%get3A_903, %get3A_904] {strides = array<i32>} : memref<79x128xi32, #tpu.memory_space<vmem>>, vector<16xi32>,
          %min3A_906 = arith.minsi %min3A_902, %get3A_905 : vector<16xi32>
          %get3A_907 = arith.index_cast %add3A_879 : i32 to index
          %get3A_908 = arith.constant 112 : index
          %get3A_909 = tpu.vector_load %arg6[%get3A_907, %get3A_908] {strides = array<i32>} : memref<79x128xi32, #tpu.memory_space<vmem>>, vector<16xi32>,
          %min3A_910 = arith.minsi %min3A_906, %get3A_909 : vector<16xi32>
          %eq3A_911 = arith.constant 0 : i32
          %eq3A_912 = vector.broadcast %eq3A_911 : i32 to vector<16xi32>
          %eq3A_913 = arith.cmpi eq, %min3A_910, %eq3A_912 : vector<16xi32>
          %jit3A_914 = arith.constant 1 : i32
          %jit3A_915 = arith.constant 0 : i32
          %broadcast_in_dim3A_916 = vector.broadcast %jit3A_914 : i32 to vector<16xi32>
          %broadcast_in_dim3A_917 = vector.broadcast %jit3A_915 : i32 to vector<16xi32>
          %select_n3A_918 = arith.select %eq3A_913, %broadcast_in_dim3A_916, %broadcast_in_dim3A_917 : vector<16xi1>, vector<16xi32>
          %reduce_sum3A_919 = arith.constant true
          %reduce_sum3A_920 = vector.broadcast %reduce_sum3A_919 : i1 to vector<16xi1>
          %reduce_sum3A_921 = tpu.scan <sum>, %select_n3A_918 masked %reduce_sum3A_920 : vector<16xi32>, vector<16xi1> -> vector<16xi32>
          %reduce_sum3A_922 = vector.extract %reduce_sum3A_921[15] : i32 from vector<16xi32>
          %gt3A_923 = arith.constant 0 : i32
          %gt3A_924 = arith.cmpi sgt, %reduce_sum3A_922, %gt3A_923 : i32
          %convert_element_type3A_925 = arith.extui %gt3A_924 : i1 to i32
          %cond3A_926 = arith.constant 0 : i32
          %cond3A_927 = arith.cmpi ne, %convert_element_type3A_925, %cond3A_926 : i32
          scf.if %cond3A_927 {
            %scan3A_928 = arith.constant 0 : i32
            %scan3A_929 = arith.constant 0 : i32
            %scan3A_930 = arith.constant 8 : i32
            %scan3A_931 = arith.addi %scan3A_929, %scan3A_930 : i32
            %scan3A_932 = arith.constant 1 : i32
            scf.for %scan3A_934 = %scan3A_929 to %scan3A_931 step %scan3A_932  : i32 {
              %mul3A_935 = arith.constant 16 : i32
              %mul3A_936 = arith.muli %scan3A_934, %mul3A_935 : i32
              %multiple_of3A = tpu.assume_multiple %mul3A_936, 16 : i32
              %get3A_937 = arith.index_cast %add3A_879 : i32 to index
              %get3A_938 = arith.index_cast %multiple_of3A : i32 to index
              %get3A_939 = tpu.vector_load %arg6[%get3A_937, %get3A_938] {strides = array<i32>} : memref<79x128xi32, #tpu.memory_space<vmem>>, vector<16xi32>,
              %eq3A_940 = arith.constant 0 : i32
              %eq3A_941 = vector.broadcast %eq3A_940 : i32 to vector<16xi32>
              %eq3A_942 = arith.cmpi eq, %get3A_939, %eq3A_941 : vector<16xi32>
              %jit3A_943 = arith.constant 1 : i32
              %jit3A_944 = arith.constant 0 : i32
              %broadcast_in_dim3A_945 = vector.broadcast %jit3A_943 : i32 to vector<16xi32>
              %broadcast_in_dim3A_946 = vector.broadcast %jit3A_944 : i32 to vector<16xi32>
              %select_n3A_947 = arith.select %eq3A_942, %broadcast_in_dim3A_945, %broadcast_in_dim3A_946 : vector<16xi1>, vector<16xi32>
              %reduce_sum3A_948 = arith.constant true
              %reduce_sum3A_949 = vector.broadcast %reduce_sum3A_948 : i1 to vector<16xi1>
              %reduce_sum3A_950 = tpu.scan <sum>, %select_n3A_947 masked %reduce_sum3A_949 : vector<16xi32>, vector<16xi1> -> vector<16xi32>
              %reduce_sum3A_951 = vector.extract %reduce_sum3A_950[15] : i32 from vector<16xi32>
              %gt3A_952 = arith.constant 0 : i32
              %gt3A_953 = arith.cmpi sgt, %reduce_sum3A_951, %gt3A_952 : i32
              %convert_element_type3A_954 = arith.extui %gt3A_953 : i1 to i32
              %cond3A_955 = arith.constant 0 : i32
              %cond3A_956 = arith.cmpi ne, %convert_element_type3A_954, %cond3A_955 : i32
              scf.if %cond3A_956 {
                %get3A_957 = arith.constant 0 : i32
                %get3A_958 = arith.index_cast %get3A_957 : i32 to index
                %get3A_959 = memref.load %arg14[%get3A_958] : memref<1xi32, #tpu.memory_space<smem>>
                %mul3A_960 = arith.constant 8 : i32
                %mul3A_961 = arith.muli %add3A_879, %mul3A_960 : i32
                %add3A_962 = vector.broadcast %mul3A_961 : i32 to vector<16xi32>
                %add3A_963 = arith.addi %broadcast_in_dim3A_215, %add3A_962 : vector<16xi32>
                %add3A_964 = vector.broadcast %scan3A_934 : i32 to vector<16xi32>
                %add3A_965 = arith.addi %add3A_963, %add3A_964 : vector<16xi32>
                %swap3A_966 = arith.index_cast %get3A_959 : i32 to index
                %swap3A_967 = arith.constant 0 : index
                %swap3A_968 = tpu.vector_load %arg9[%swap3A_966, %swap3A_967] {strides = array<i32>} : memref<632x16xi32, #tpu.memory_space<vmem>>, vector<16xi32>,
                tpu.vector_store %arg9[%swap3A_966, %swap3A_967], %add3A_965 {strides = array<i32>} : memref<632x16xi32, #tpu.memory_space<vmem>>, vector<16xi32>,
                %add3A_969 = arith.constant 1 : i32
                %add3A_970 = arith.addi %get3A_959, %add3A_969 : i32
                %swap3A_971 = arith.constant 0 : i32
                %swap3A_972 = arith.index_cast %swap3A_971 : i32 to index
                %swap3A_973 = memref.load %arg14[%swap3A_972] : memref<1xi32, #tpu.memory_space<smem>>
                memref.store %add3A_970, %arg14[%swap3A_972] : memref<1xi32, #tpu.memory_space<smem>>
              } else {
              }
            }
            %scan3A_933 = arith.constant 8 : i32
          } else {
          }
        }
        %scan3A_877 = arith.constant 13 : i32
      } else {
      }
    }
    %scan3A_220 = arith.constant 6 : i32
    %eq3A = arith.constant 79 : i32
    %eq3A_221 = arith.cmpi eq, %sub3A_47, %eq3A : i32
    %convert_element_type3A = arith.extui %eq3A_221 : i1 to i32
    %cond3A = arith.constant 0 : i32
    %cond3A_222 = arith.cmpi ne, %convert_element_type3A, %cond3A : i32
    scf.if %cond3A_222 {
      %get3A_233 = arith.constant 78 : i32
      %get3A_234 = arith.index_cast %get3A_233 : i32 to index
      %get3A_235 = arith.constant 0 : index
      %get3A_236 = tpu.vector_load %arg6[%get3A_234, %get3A_235] {strides = array<i32>} : memref<79x128xi32, #tpu.memory_space<vmem>>, vector<16xi32>,
      %get3A_237 = arith.constant 78 : i32
      %get3A_238 = arith.index_cast %get3A_237 : i32 to index
      %get3A_239 = arith.constant 16 : index
      %get3A_240 = tpu.vector_load %arg6[%get3A_238, %get3A_239] {strides = array<i32>} : memref<79x128xi32, #tpu.memory_space<vmem>>, vector<16xi32>,
      %min3A = arith.minsi %get3A_236, %get3A_240 : vector<16xi32>
      %get3A_241 = arith.constant 78 : i32
      %get3A_242 = arith.index_cast %get3A_241 : i32 to index
      %get3A_243 = arith.constant 32 : index
      %get3A_244 = tpu.vector_load %arg6[%get3A_242, %get3A_243] {strides = array<i32>} : memref<79x128xi32, #tpu.memory_space<vmem>>, vector<16xi32>,
      %min3A_245 = arith.minsi %min3A, %get3A_244 : vector<16xi32>
      %get3A_246 = arith.constant 78 : i32
      %get3A_247 = arith.index_cast %get3A_246 : i32 to index
      %get3A_248 = arith.constant 48 : index
      %get3A_249 = tpu.vector_load %arg6[%get3A_247, %get3A_248] {strides = array<i32>} : memref<79x128xi32, #tpu.memory_space<vmem>>, vector<16xi32>,
      %min3A_250 = arith.minsi %min3A_245, %get3A_249 : vector<16xi32>
      %get3A_251 = arith.constant 78 : i32
      %get3A_252 = arith.index_cast %get3A_251 : i32 to index
      %get3A_253 = arith.constant 64 : index
      %get3A_254 = tpu.vector_load %arg6[%get3A_252, %get3A_253] {strides = array<i32>} : memref<79x128xi32, #tpu.memory_space<vmem>>, vector<16xi32>,
      %min3A_255 = arith.minsi %min3A_250, %get3A_254 : vector<16xi32>
      %get3A_256 = arith.constant 78 : i32
      %get3A_257 = arith.index_cast %get3A_256 : i32 to index
      %get3A_258 = arith.constant 80 : index
      %get3A_259 = tpu.vector_load %arg6[%get3A_257, %get3A_258] {strides = array<i32>} : memref<79x128xi32, #tpu.memory_space<vmem>>, vector<16xi32>,
      %min3A_260 = arith.minsi %min3A_255, %get3A_259 : vector<16xi32>
      %get3A_261 = arith.constant 78 : i32
      %get3A_262 = arith.index_cast %get3A_261 : i32 to index
      %get3A_263 = arith.constant 96 : index
      %get3A_264 = tpu.vector_load %arg6[%get3A_262, %get3A_263] {strides = array<i32>} : memref<79x128xi32, #tpu.memory_space<vmem>>, vector<16xi32>,
      %min3A_265 = arith.minsi %min3A_260, %get3A_264 : vector<16xi32>
      %get3A_266 = arith.constant 78 : i32
      %get3A_267 = arith.index_cast %get3A_266 : i32 to index
      %get3A_268 = arith.constant 112 : index
      %get3A_269 = tpu.vector_load %arg6[%get3A_267, %get3A_268] {strides = array<i32>} : memref<79x128xi32, #tpu.memory_space<vmem>>, vector<16xi32>,
      %min3A_270 = arith.minsi %min3A_265, %get3A_269 : vector<16xi32>
      %eq3A_271 = arith.constant 0 : i32
      %eq3A_272 = vector.broadcast %eq3A_271 : i32 to vector<16xi32>
      %eq3A_273 = arith.cmpi eq, %min3A_270, %eq3A_272 : vector<16xi32>
      %jit3A_274 = arith.constant 1 : i32
      %jit3A_275 = arith.constant 0 : i32
      %broadcast_in_dim3A_276 = vector.broadcast %jit3A_274 : i32 to vector<16xi32>
      %broadcast_in_dim3A_277 = vector.broadcast %jit3A_275 : i32 to vector<16xi32>
      %select_n3A_278 = arith.select %eq3A_273, %broadcast_in_dim3A_276, %broadcast_in_dim3A_277 : vector<16xi1>, vector<16xi32>
      %reduce_sum3A = arith.constant true
      %reduce_sum3A_279 = vector.broadcast %reduce_sum3A : i1 to vector<16xi1>
      %reduce_sum3A_280 = tpu.scan <sum>, %select_n3A_278 masked %reduce_sum3A_279 : vector<16xi32>, vector<16xi1> -> vector<16xi32>
      %reduce_sum3A_281 = vector.extract %reduce_sum3A_280[15] : i32 from vector<16xi32>
      %gt3A_282 = arith.constant 0 : i32
      %gt3A_283 = arith.cmpi sgt, %reduce_sum3A_281, %gt3A_282 : i32
      %convert_element_type3A_284 = arith.extui %gt3A_283 : i1 to i32
      %cond3A_285 = arith.constant 0 : i32
      %cond3A_286 = arith.cmpi ne, %convert_element_type3A_284, %cond3A_285 : i32
      scf.if %cond3A_286 {
        %scan3A_287 = arith.constant 0 : i32
        %scan3A_288 = arith.constant 0 : i32
        %scan3A_289 = arith.constant 8 : i32
        %scan3A_290 = arith.addi %scan3A_288, %scan3A_289 : i32
        %scan3A_291 = arith.constant 1 : i32
        scf.for %scan3A_293 = %scan3A_288 to %scan3A_290 step %scan3A_291  : i32 {
          %mul3A_294 = arith.constant 16 : i32
          %mul3A_295 = arith.muli %scan3A_293, %mul3A_294 : i32
          %multiple_of3A = tpu.assume_multiple %mul3A_295, 16 : i32
          %get3A_296 = arith.constant 78 : i32
          %get3A_297 = arith.index_cast %get3A_296 : i32 to index
          %get3A_298 = arith.index_cast %multiple_of3A : i32 to index
          %get3A_299 = tpu.vector_load %arg6[%get3A_297, %get3A_298] {strides = array<i32>} : memref<79x128xi32, #tpu.memory_space<vmem>>, vector<16xi32>,
          %eq3A_300 = arith.constant 0 : i32
          %eq3A_301 = vector.broadcast %eq3A_300 : i32 to vector<16xi32>
          %eq3A_302 = arith.cmpi eq, %get3A_299, %eq3A_301 : vector<16xi32>
          %jit3A_303 = arith.constant 1 : i32
          %jit3A_304 = arith.constant 0 : i32
          %broadcast_in_dim3A_305 = vector.broadcast %jit3A_303 : i32 to vector<16xi32>
          %broadcast_in_dim3A_306 = vector.broadcast %jit3A_304 : i32 to vector<16xi32>
          %select_n3A_307 = arith.select %eq3A_302, %broadcast_in_dim3A_305, %broadcast_in_dim3A_306 : vector<16xi1>, vector<16xi32>
          %reduce_sum3A_308 = arith.constant true
          %reduce_sum3A_309 = vector.broadcast %reduce_sum3A_308 : i1 to vector<16xi1>
          %reduce_sum3A_310 = tpu.scan <sum>, %select_n3A_307 masked %reduce_sum3A_309 : vector<16xi32>, vector<16xi1> -> vector<16xi32>
          %reduce_sum3A_311 = vector.extract %reduce_sum3A_310[15] : i32 from vector<16xi32>
          %gt3A_312 = arith.constant 0 : i32
          %gt3A_313 = arith.cmpi sgt, %reduce_sum3A_311, %gt3A_312 : i32
          %convert_element_type3A_314 = arith.extui %gt3A_313 : i1 to i32
          %cond3A_315 = arith.constant 0 : i32
          %cond3A_316 = arith.cmpi ne, %convert_element_type3A_314, %cond3A_315 : i32
          scf.if %cond3A_316 {
            %get3A_317 = arith.constant 0 : i32
            %get3A_318 = arith.index_cast %get3A_317 : i32 to index
            %get3A_319 = memref.load %arg14[%get3A_318] : memref<1xi32, #tpu.memory_space<smem>>
            %add3A_320 = arith.constant 624 : i32
            %add3A_321 = vector.broadcast %add3A_320 : i32 to vector<16xi32>
            %add3A_322 = arith.addi %broadcast_in_dim3A_215, %add3A_321 : vector<16xi32>
            %add3A_323 = vector.broadcast %scan3A_293 : i32 to vector<16xi32>
            %add3A_324 = arith.addi %add3A_322, %add3A_323 : vector<16xi32>
            %swap3A_325 = arith.index_cast %get3A_319 : i32 to index
            %swap3A_326 = arith.constant 0 : index
            %swap3A_327 = tpu.vector_load %arg9[%swap3A_325, %swap3A_326] {strides = array<i32>} : memref<632x16xi32, #tpu.memory_space<vmem>>, vector<16xi32>,
            tpu.vector_store %arg9[%swap3A_325, %swap3A_326], %add3A_324 {strides = array<i32>} : memref<632x16xi32, #tpu.memory_space<vmem>>, vector<16xi32>,
            %add3A_328 = arith.constant 1 : i32
            %add3A_329 = arith.addi %get3A_319, %add3A_328 : i32
            %swap3A_330 = arith.constant 0 : i32
            %swap3A_331 = arith.index_cast %swap3A_330 : i32 to index
            %swap3A_332 = memref.load %arg14[%swap3A_331] : memref<1xi32, #tpu.memory_space<smem>>
            memref.store %add3A_329, %arg14[%swap3A_331] : memref<1xi32, #tpu.memory_space<smem>>
          } else {
          }
        }
        %scan3A_292 = arith.constant 8 : i32
      } else {
      }
    } else {
    }
    %get3A = arith.constant 0 : i32
    %get3A_223 = arith.index_cast %get3A : i32 to index
    %get3A_224 = memref.load %arg14[%get3A_223] : memref<1xi32, #tpu.memory_space<smem>>
    %gt3A = arith.constant 0 : i32
    %gt3A_225 = arith.cmpi sgt, %get3A_224, %gt3A : i32
    %convert_element_type3A_226 = arith.extui %gt3A_225 : i1 to i32
    %cond3A_227 = arith.constant 0 : i32
    %cond3A_228 = arith.cmpi ne, %convert_element_type3A_226, %cond3A_227 : i32
    scf.if %cond3A_228 {
      %eq3A_233 = arith.constant 0 : i32
      %eq3A_234 = vector.broadcast %eq3A_233 : i32 to vector<16xi32>
      %eq3A_235 = arith.cmpi eq, %iota3A, %eq3A_234 : vector<16xi32>
      %get3A_236 = arith.constant 0 : i32
      %get3A_237 = arith.index_cast %get3A_236 : i32 to index
      %get3A_238 = arith.constant 0 : index
      %get3A_239 = tpu.vector_load %arg9[%get3A_237, %get3A_238] {strides = array<i32>} : memref<632x16xi32, #tpu.memory_space<vmem>>, vector<16xi32>,
      %jit3A_240 = arith.constant 0 : i32
      %broadcast_in_dim3A_241 = vector.broadcast %jit3A_240 : i32 to vector<16xi32>
      %select_n3A_242 = arith.select %eq3A_235, %get3A_239, %broadcast_in_dim3A_241 : vector<16xi1>, vector<16xi32>
      %reduce_sum3A = arith.constant true
      %reduce_sum3A_243 = vector.broadcast %reduce_sum3A : i1 to vector<16xi1>
      %reduce_sum3A_244 = tpu.scan <sum>, %select_n3A_242 masked %reduce_sum3A_243 : vector<16xi32>, vector<16xi1> -> vector<16xi32>
      %reduce_sum3A_245 = vector.extract %reduce_sum3A_244[15] : i32 from vector<16xi32>
      %jit3A_246 = arith.constant 8 : i32
      %div3A_247 = arith.divsi %reduce_sum3A_245, %jit3A_246 : i32
      %sign3A_248 = arith.constant 0 : i32
      %sign3A_249 = arith.cmpi sgt, %reduce_sum3A_245, %sign3A_248 : i32
      %sign3A_250 = arith.extui %sign3A_249 : i1 to i32
      %sign3A_251 = arith.constant 0 : i32
      %sign3A_252 = arith.cmpi slt, %reduce_sum3A_245, %sign3A_251 : i32
      %sign3A_253 = arith.extui %sign3A_252 : i1 to i32
      %sign3A_254 = arith.subi %sign3A_250, %sign3A_253 : i32
      %sign3A_255 = arith.constant 0 : i32
      %sign3A_256 = arith.cmpi sgt, %jit3A_246, %sign3A_255 : i32
      %sign3A_257 = arith.extui %sign3A_256 : i1 to i32
      %sign3A_258 = arith.constant 0 : i32
      %sign3A_259 = arith.cmpi slt, %jit3A_246, %sign3A_258 : i32
      %sign3A_260 = arith.extui %sign3A_259 : i1 to i32
      %sign3A_261 = arith.subi %sign3A_257, %sign3A_260 : i32
      %ne3A_262 = arith.cmpi ne, %sign3A_254, %sign3A_261 : i32
      %rem3A_263 = arith.remsi %reduce_sum3A_245, %jit3A_246 : i32
      %ne3A_264 = arith.constant 0 : i32
      %ne3A_265 = arith.cmpi ne, %rem3A_263, %ne3A_264 : i32
      %and3A_266 = arith.andi %ne3A_262, %ne3A_265 : i1
      %sub3A_267 = arith.constant 1 : i32
      %sub3A_268 = arith.subi %div3A_247, %sub3A_267 : i32
      %select_n3A_269 = arith.select %and3A_266, %sub3A_268, %div3A_247 : i32
      %jit3A_270 = arith.constant 8 : i32
      %eq3A_271 = arith.constant 0 : i32
      %eq3A_272 = arith.cmpi eq, %jit3A_270, %eq3A_271 : i32
      %jit3A_273 = arith.constant 1 : i32
      %select_n3A_274 = arith.select %eq3A_272, %jit3A_273, %jit3A_270 : i32
      %rem3A_275 = arith.remsi %reduce_sum3A_245, %select_n3A_274 : i32
      %ne3A_276 = arith.constant 0 : i32
      %ne3A_277 = arith.cmpi ne, %rem3A_275, %ne3A_276 : i32
      %lt3A = arith.constant 0 : i32
      %lt3A_278 = arith.cmpi slt, %rem3A_275, %lt3A : i32
      %lt3A_279 = arith.constant 0 : i32
      %lt3A_280 = arith.cmpi slt, %select_n3A_274, %lt3A_279 : i32
      %ne3A_281 = arith.xori %lt3A_278, %lt3A_280 : i1
      %and3A_282 = arith.andi %ne3A_281, %ne3A_277 : i1
      %add3A_283 = arith.addi %rem3A_275, %select_n3A_274 : i32
      %select_n3A_284 = arith.select %and3A_282, %add3A_283, %rem3A_275 : i32
      %mul3A_285 = arith.constant 16 : i32
      %mul3A_286 = arith.muli %select_n3A_284, %mul3A_285 : i32
      %multiple_of3A = tpu.assume_multiple %mul3A_286, 16 : i32
      %add3A_287 = arith.addi %select_n3A, %select_n3A_269 : i32
      %dma_start3A = arith.constant 0 : i32
      %dma_start3A_288 = arith.constant 0 : i32
      %dma_start3A_289 = arith.constant 0 : i32
      %dma_start3A_290 = tpu.memref_slice %arg11[%dma_start3A_288, %dma_start3A_289] : memref<2x16xi32, #tpu.memory_space<vmem>> -> memref<1x16xi32, #tpu.memory_space<vmem>>
      %dma_start3A_291 = tpu.memref_squeeze %dma_start3A_290 : memref<1x16xi32, #tpu.memory_space<vmem>> -> memref<16xi32, #tpu.memory_space<vmem>>
      %dma_start3A_292 = tpu.memref_slice %arg2[%add3A_287, %dma_start3A, %multiple_of3A] : memref<2500x2x128xi32, #tpu.memory_space<hbm>> -> memref<1x1x16xi32, #tpu.memory_space<hbm>>
      %dma_start3A_293 = tpu.memref_squeeze %dma_start3A_292 : memref<1x1x16xi32, #tpu.memory_space<hbm>> -> memref<16xi32, #tpu.memory_space<hbm>>
      %dma_start3A_294 = arith.constant 0 : i32
      %dma_start3A_295 = tpu.memref_slice %arg11[%dma_start3A_288, %dma_start3A_294] : memref<2x16xi32, #tpu.memory_space<vmem>> -> memref<1x16xi32, #tpu.memory_space<vmem>>
      %dma_start3A_296 = tpu.memref_squeeze %dma_start3A_295 : memref<1x16xi32, #tpu.memory_space<vmem>> -> memref<16xi32, #tpu.memory_space<vmem>>
      %dma_start3A_297 = tpu.memref_slice %arg2[%add3A_287, %dma_start3A, %multiple_of3A] : memref<2500x2x128xi32, #tpu.memory_space<hbm>> -> memref<1x1x16xi32, #tpu.memory_space<hbm>>
      %dma_start3A_298 = tpu.memref_squeeze %dma_start3A_297 : memref<1x1x16xi32, #tpu.memory_space<hbm>> -> memref<16xi32, #tpu.memory_space<hbm>>
      tpu.enqueue_dma source(%dma_start3A_298 : memref<16xi32, #tpu.memory_space<hbm>>) target(%dma_start3A_296 : memref<16xi32, #tpu.memory_space<vmem>>) target_semaphore(%arg16 : memref<!tpu.dma_semaphore, #tpu.memory_space<semaphore_mem>>)
      %add3A_299 = arith.addi %select_n3A, %select_n3A_269 : i32
      %mul3A_300 = arith.constant 128 : i32
      %mul3A_301 = arith.muli %add3A_299, %mul3A_300 : i32
      %add3A_302 = arith.addi %mul3A_301, %multiple_of3A : i32
      %multiple_of3A_303 = tpu.assume_multiple %add3A_302, 16 : i32
      %dma_start3A_304 = arith.constant 0 : i32
      %dma_start3A_305 = arith.constant 0 : i32
      %dma_start3A_306 = tpu.memref_slice %arg12[%dma_start3A_304, %dma_start3A_305] : memref<2x16xi32, #tpu.memory_space<vmem>> -> memref<1x16xi32, #tpu.memory_space<vmem>>
      %dma_start3A_307 = tpu.memref_squeeze %dma_start3A_306 : memref<1x16xi32, #tpu.memory_space<vmem>> -> memref<16xi32, #tpu.memory_space<vmem>>
      %dma_start3A_308 = tpu.memref_slice %arg3[%multiple_of3A_303] : memref<320000xi32, #tpu.memory_space<hbm>> -> memref<16xi32, #tpu.memory_space<hbm>>
      %dma_start3A_309 = arith.constant 0 : i32
      %dma_start3A_310 = tpu.memref_slice %arg12[%dma_start3A_304, %dma_start3A_309] : memref<2x16xi32, #tpu.memory_space<vmem>> -> memref<1x16xi32, #tpu.memory_space<vmem>>
      %dma_start3A_311 = tpu.memref_squeeze %dma_start3A_310 : memref<1x16xi32, #tpu.memory_space<vmem>> -> memref<16xi32, #tpu.memory_space<vmem>>
      %dma_start3A_312 = tpu.memref_slice %arg3[%multiple_of3A_303] : memref<320000xi32, #tpu.memory_space<hbm>> -> memref<16xi32, #tpu.memory_space<hbm>>
      tpu.enqueue_dma source(%dma_start3A_312 : memref<16xi32, #tpu.memory_space<hbm>>) target(%dma_start3A_311 : memref<16xi32, #tpu.memory_space<vmem>>) target_semaphore(%arg16 : memref<!tpu.dma_semaphore, #tpu.memory_space<semaphore_mem>>)
      %while3A = arith.constant 0 : i32
      %while3A_313 = arith.constant 0 : i32
      %while3A_314 = arith.subi %get3A_224, %while3A_313 : i32
      %while3A_315 = arith.addi %while3A_313, %while3A_314 : i32
      %while3A_316 = arith.constant 1 : i32
      %while3A_317 = arith.divsi %while3A_314, %while3A_316 : i32
      %while3A_318 = arith.muli %while3A_317, %while3A_316 : i32
      %while3A_319 = arith.addi %while3A_313, %while3A_318 : i32
      %while3A_320 = arith.constant 1 : i32
      scf.for %while3A_322 = %while3A_313 to %while3A_319 step %while3A_320  : i32 {
        %rem3A_323 = arith.constant 2 : i32
        %rem3A_324 = arith.remsi %while3A_322, %rem3A_323 : i32
        %eq3A_325 = arith.constant 0 : i32
        %eq3A_326 = vector.broadcast %eq3A_325 : i32 to vector<16xi32>
        %eq3A_327 = arith.cmpi eq, %iota3A, %eq3A_326 : vector<16xi32>
        %get3A_328 = arith.index_cast %while3A_322 : i32 to index
        %get3A_329 = arith.constant 0 : index
        %get3A_330 = tpu.vector_load %arg9[%get3A_328, %get3A_329] {strides = array<i32>} : memref<632x16xi32, #tpu.memory_space<vmem>>, vector<16xi32>,
        %jit3A_331 = arith.constant 0 : i32
        %broadcast_in_dim3A_332 = vector.broadcast %jit3A_331 : i32 to vector<16xi32>
        %select_n3A_333 = arith.select %eq3A_327, %get3A_330, %broadcast_in_dim3A_332 : vector<16xi1>, vector<16xi32>
        %reduce_sum3A_334 = arith.constant true
        %reduce_sum3A_335 = vector.broadcast %reduce_sum3A_334 : i1 to vector<16xi1>
        %reduce_sum3A_336 = tpu.scan <sum>, %select_n3A_333 masked %reduce_sum3A_335 : vector<16xi32>, vector<16xi1> -> vector<16xi32>
        %reduce_sum3A_337 = vector.extract %reduce_sum3A_336[15] : i32 from vector<16xi32>
        %jit3A_338 = arith.constant 8 : i32
        %div3A_339 = arith.divsi %reduce_sum3A_337, %jit3A_338 : i32
        %sign3A_340 = arith.constant 0 : i32
        %sign3A_341 = arith.cmpi sgt, %reduce_sum3A_337, %sign3A_340 : i32
        %sign3A_342 = arith.extui %sign3A_341 : i1 to i32
        %sign3A_343 = arith.constant 0 : i32
        %sign3A_344 = arith.cmpi slt, %reduce_sum3A_337, %sign3A_343 : i32
        %sign3A_345 = arith.extui %sign3A_344 : i1 to i32
        %sign3A_346 = arith.subi %sign3A_342, %sign3A_345 : i32
        %sign3A_347 = arith.constant 0 : i32
        %sign3A_348 = arith.cmpi sgt, %jit3A_338, %sign3A_347 : i32
        %sign3A_349 = arith.extui %sign3A_348 : i1 to i32
        %sign3A_350 = arith.constant 0 : i32
        %sign3A_351 = arith.cmpi slt, %jit3A_338, %sign3A_350 : i32
        %sign3A_352 = arith.extui %sign3A_351 : i1 to i32
        %sign3A_353 = arith.subi %sign3A_349, %sign3A_352 : i32
        %ne3A_354 = arith.cmpi ne, %sign3A_346, %sign3A_353 : i32
        %rem3A_355 = arith.remsi %reduce_sum3A_337, %jit3A_338 : i32
        %ne3A_356 = arith.constant 0 : i32
        %ne3A_357 = arith.cmpi ne, %rem3A_355, %ne3A_356 : i32
        %and3A_358 = arith.andi %ne3A_354, %ne3A_357 : i1
        %sub3A_359 = arith.constant 1 : i32
        %sub3A_360 = arith.subi %div3A_339, %sub3A_359 : i32
        %select_n3A_361 = arith.select %and3A_358, %sub3A_360, %div3A_339 : i32
        %jit3A_362 = arith.constant 8 : i32
        %eq3A_363 = arith.constant 0 : i32
        %eq3A_364 = arith.cmpi eq, %jit3A_362, %eq3A_363 : i32
        %jit3A_365 = arith.constant 1 : i32
        %select_n3A_366 = arith.select %eq3A_364, %jit3A_365, %jit3A_362 : i32
        %rem3A_367 = arith.remsi %reduce_sum3A_337, %select_n3A_366 : i32
        %ne3A_368 = arith.constant 0 : i32
        %ne3A_369 = arith.cmpi ne, %rem3A_367, %ne3A_368 : i32
        %lt3A_370 = arith.constant 0 : i32
        %lt3A_371 = arith.cmpi slt, %rem3A_367, %lt3A_370 : i32
        %lt3A_372 = arith.constant 0 : i32
        %lt3A_373 = arith.cmpi slt, %select_n3A_366, %lt3A_372 : i32
        %ne3A_374 = arith.xori %lt3A_371, %lt3A_373 : i1
        %and3A_375 = arith.andi %ne3A_374, %ne3A_369 : i1
        %add3A_376 = arith.addi %rem3A_367, %select_n3A_366 : i32
        %select_n3A_377 = arith.select %and3A_375, %add3A_376, %rem3A_367 : i32
        %mul3A_378 = arith.constant 16 : i32
        %mul3A_379 = arith.muli %select_n3A_377, %mul3A_378 : i32
        %multiple_of3A_380 = tpu.assume_multiple %mul3A_379, 16 : i32
        %get3A_381 = arith.index_cast %select_n3A_361 : i32 to index
        %get3A_382 = arith.index_cast %multiple_of3A_380 : i32 to index
        %get3A_383 = tpu.vector_load %arg6[%get3A_381, %get3A_382] {strides = array<i32>} : memref<79x128xi32, #tpu.memory_space<vmem>>, vector<16xi32>,
        %eq3A_384 = arith.constant 0 : i32
        %eq3A_385 = vector.broadcast %eq3A_384 : i32 to vector<16xi32>
        %eq3A_386 = arith.cmpi eq, %get3A_383, %eq3A_385 : vector<16xi32>
        %dma_wait3A = arith.constant 0 : i32
        %dma_wait3A_387 = arith.constant 0 : i32
        %dma_wait3A_388 = arith.constant 0 : i32
        %dma_wait3A_389 = tpu.memref_slice %arg11[%rem3A_324, %dma_wait3A_388] : memref<2x16xi32, #tpu.memory_space<vmem>> -> memref<1x16xi32, #tpu.memory_space<vmem>>
        %dma_wait3A_390 = tpu.memref_squeeze %dma_wait3A_389 : memref<1x16xi32, #tpu.memory_space<vmem>> -> memref<16xi32, #tpu.memory_space<vmem>>
        %dma_wait3A_391 = arith.constant 0 : i32
        %dma_wait3A_392 = tpu.memref_slice %arg2[%dma_wait3A, %dma_wait3A_387, %dma_wait3A_391] : memref<2500x2x128xi32, #tpu.memory_space<hbm>> -> memref<1x1x16xi32, #tpu.memory_space<hbm>>
        %dma_wait3A_393 = tpu.memref_squeeze %dma_wait3A_392 : memref<1x1x16xi32, #tpu.memory_space<hbm>> -> memref<16xi32, #tpu.memory_space<hbm>>
        %dma_wait3A_394 = arith.constant 0 : i32
        %dma_wait3A_395 = tpu.memref_slice %arg11[%rem3A_324, %dma_wait3A_394] : memref<2x16xi32, #tpu.memory_space<vmem>> -> memref<1x16xi32, #tpu.memory_space<vmem>>
        %dma_wait3A_396 = tpu.memref_squeeze %dma_wait3A_395 : memref<1x16xi32, #tpu.memory_space<vmem>> -> memref<16xi32, #tpu.memory_space<vmem>>
        %dma_wait3A_397 = arith.constant 0 : i32
        %dma_wait3A_398 = tpu.memref_slice %arg2[%dma_wait3A, %dma_wait3A_387, %dma_wait3A_397] : memref<2500x2x128xi32, #tpu.memory_space<hbm>> -> memref<1x1x16xi32, #tpu.memory_space<hbm>>
        %dma_wait3A_399 = tpu.memref_squeeze %dma_wait3A_398 : memref<1x1x16xi32, #tpu.memory_space<hbm>> -> memref<16xi32, #tpu.memory_space<hbm>>
        tpu.wait_dma2 semaphore(%arg16 : memref<!tpu.dma_semaphore, #tpu.memory_space<semaphore_mem>>) src(%dma_wait3A_399 : memref<16xi32, #tpu.memory_space<hbm>>) dst(%dma_wait3A_396 : memref<16xi32, #tpu.memory_space<vmem>>)
        %dma_wait3A_400 = arith.constant 0 : i32
        %dma_wait3A_401 = tpu.memref_slice %arg12[%rem3A_324, %dma_wait3A_400] : memref<2x16xi32, #tpu.memory_space<vmem>> -> memref<1x16xi32, #tpu.memory_space<vmem>>
        %dma_wait3A_402 = tpu.memref_squeeze %dma_wait3A_401 : memref<1x16xi32, #tpu.memory_space<vmem>> -> memref<16xi32, #tpu.memory_space<vmem>>
        %dma_wait3A_403 = arith.constant 0 : i32
        %dma_wait3A_404 = tpu.memref_slice %arg3[%dma_wait3A_403] : memref<320000xi32, #tpu.memory_space<hbm>> -> memref<16xi32, #tpu.memory_space<hbm>>
        %dma_wait3A_405 = arith.constant 0 : i32
        %dma_wait3A_406 = tpu.memref_slice %arg12[%rem3A_324, %dma_wait3A_405] : memref<2x16xi32, #tpu.memory_space<vmem>> -> memref<1x16xi32, #tpu.memory_space<vmem>>
        %dma_wait3A_407 = tpu.memref_squeeze %dma_wait3A_406 : memref<1x16xi32, #tpu.memory_space<vmem>> -> memref<16xi32, #tpu.memory_space<vmem>>
        %dma_wait3A_408 = arith.constant 0 : i32
        %dma_wait3A_409 = tpu.memref_slice %arg3[%dma_wait3A_408] : memref<320000xi32, #tpu.memory_space<hbm>> -> memref<16xi32, #tpu.memory_space<hbm>>
        tpu.wait_dma2 semaphore(%arg16 : memref<!tpu.dma_semaphore, #tpu.memory_space<semaphore_mem>>) src(%dma_wait3A_409 : memref<16xi32, #tpu.memory_space<hbm>>) dst(%dma_wait3A_407 : memref<16xi32, #tpu.memory_space<vmem>>)
        %get3A_410 = arith.index_cast %rem3A_324 : i32 to index
        %get3A_411 = arith.constant 0 : index
        %get3A_412 = tpu.vector_load %arg11[%get3A_410, %get3A_411] {strides = array<i32>} : memref<2x16xi32, #tpu.memory_space<vmem>>, vector<16xi32>,
        %jit3A_413 = arith.constant 0 : i32
        %broadcast_in_dim3A_414 = vector.broadcast %jit3A_413 : i32 to vector<16xi32>
        %select_n3A_415 = arith.select %eq3A_386, %get3A_412, %broadcast_in_dim3A_414 : vector<16xi1>, vector<16xi32>
        %swap3A_416 = arith.index_cast %rem3A_324 : i32 to index
        %swap3A_417 = arith.constant 0 : index
        %swap3A_418 = tpu.vector_load %arg10[%swap3A_416, %swap3A_417] {strides = array<i32>} : memref<2x16xi32, #tpu.memory_space<vmem>>, vector<16xi32>,
        tpu.vector_store %arg10[%swap3A_416, %swap3A_417], %select_n3A_415 {strides = array<i32>} : memref<2x16xi32, #tpu.memory_space<vmem>>, vector<16xi32>,
        %dma_start3A_419 = arith.constant 0 : i32
        %dma_start3A_420 = arith.constant 0 : i32
        %dma_start3A_421 = tpu.memref_slice %arg13[%rem3A_324, %dma_start3A_419, %dma_start3A_420] : memref<2x16x128xf32, #tpu.memory_space<vmem>> -> memref<1x16x128xf32, #tpu.memory_space<vmem>>
        %dma_start3A_422 = tpu.memref_squeeze %dma_start3A_421 : memref<1x16x128xf32, #tpu.memory_space<vmem>> -> memref<16x128xf32, #tpu.memory_space<vmem>>
        %dma_start3A_423 = arith.constant 0 : i32
        %dma_start3A_424 = tpu.memref_slice %arg10[%rem3A_324, %dma_start3A_423] : memref<2x16xi32, #tpu.memory_space<vmem>> -> memref<1x16xi32, #tpu.memory_space<vmem>>
        %dma_start3A_425 = tpu.memref_squeeze %dma_start3A_424 : memref<1x16xi32, #tpu.memory_space<vmem>> -> memref<16xi32, #tpu.memory_space<vmem>>
        %dma_start3A_426 = arith.constant 0 : i32
        %dma_start3A_427 = arith.constant 0 : i32
        %dma_start3A_428 = tpu.memref_slice %arg4[%dma_start3A_426, %dma_start3A_427] : memref<10000x128xf32, #tpu.memory_space<hbm>> -> memref<10000x128xf32, #tpu.memory_space<hbm>>
        tpu.enqueue_indirect_dma source(%dma_start3A_428 : memref<10000x128xf32, #tpu.memory_space<hbm>>) target(%dma_start3A_422 : memref<16x128xf32, #tpu.memory_space<vmem>>) offsets(%dma_start3A_425 : memref<16xi32, #tpu.memory_space<vmem>>) semaphore(%arg15 : memref<!tpu.dma_semaphore, #tpu.memory_space<semaphore_mem>>)
        %add3A_429 = arith.constant 1 : i32
        %add3A_430 = arith.addi %while3A_322, %add3A_429 : i32
        %lt3A_431 = arith.cmpi slt, %add3A_430, %get3A_224 : i32
        %convert_element_type3A_432 = arith.extui %lt3A_431 : i1 to i32
        %cond3A_433 = arith.constant 0 : i32
        %cond3A_434 = arith.cmpi ne, %convert_element_type3A_432, %cond3A_433 : i32
        scf.if %cond3A_434 {
          %add3A_454 = arith.constant 1 : i32
          %add3A_455 = arith.addi %while3A_322, %add3A_454 : i32
          %sub3A_456 = arith.constant 1 : i32
          %sub3A_457 = arith.subi %sub3A_456, %rem3A_324 : i32
          %eq3A_458 = arith.constant 0 : i32
          %eq3A_459 = vector.broadcast %eq3A_458 : i32 to vector<16xi32>
          %eq3A_460 = arith.cmpi eq, %iota3A, %eq3A_459 : vector<16xi32>
          %get3A_461 = arith.index_cast %add3A_455 : i32 to index
          %get3A_462 = arith.constant 0 : index
          %get3A_463 = tpu.vector_load %arg9[%get3A_461, %get3A_462] {strides = array<i32>} : memref<632x16xi32, #tpu.memory_space<vmem>>, vector<16xi32>,
          %jit3A_464 = arith.constant 0 : i32
          %broadcast_in_dim3A_465 = vector.broadcast %jit3A_464 : i32 to vector<16xi32>
          %select_n3A_466 = arith.select %eq3A_460, %get3A_463, %broadcast_in_dim3A_465 : vector<16xi1>, vector<16xi32>
          %reduce_sum3A_467 = arith.constant true
          %reduce_sum3A_468 = vector.broadcast %reduce_sum3A_467 : i1 to vector<16xi1>
          %reduce_sum3A_469 = tpu.scan <sum>, %select_n3A_466 masked %reduce_sum3A_468 : vector<16xi32>, vector<16xi1> -> vector<16xi32>
          %reduce_sum3A_470 = vector.extract %reduce_sum3A_469[15] : i32 from vector<16xi32>
          %jit3A_471 = arith.constant 8 : i32
          %div3A_472 = arith.divsi %reduce_sum3A_470, %jit3A_471 : i32
          %sign3A_473 = arith.constant 0 : i32
          %sign3A_474 = arith.cmpi sgt, %reduce_sum3A_470, %sign3A_473 : i32
          %sign3A_475 = arith.extui %sign3A_474 : i1 to i32
          %sign3A_476 = arith.constant 0 : i32
          %sign3A_477 = arith.cmpi slt, %reduce_sum3A_470, %sign3A_476 : i32
          %sign3A_478 = arith.extui %sign3A_477 : i1 to i32
          %sign3A_479 = arith.subi %sign3A_475, %sign3A_478 : i32
          %sign3A_480 = arith.constant 0 : i32
          %sign3A_481 = arith.cmpi sgt, %jit3A_471, %sign3A_480 : i32
          %sign3A_482 = arith.extui %sign3A_481 : i1 to i32
          %sign3A_483 = arith.constant 0 : i32
          %sign3A_484 = arith.cmpi slt, %jit3A_471, %sign3A_483 : i32
          %sign3A_485 = arith.extui %sign3A_484 : i1 to i32
          %sign3A_486 = arith.subi %sign3A_482, %sign3A_485 : i32
          %ne3A_487 = arith.cmpi ne, %sign3A_479, %sign3A_486 : i32
          %rem3A_488 = arith.remsi %reduce_sum3A_470, %jit3A_471 : i32
          %ne3A_489 = arith.constant 0 : i32
          %ne3A_490 = arith.cmpi ne, %rem3A_488, %ne3A_489 : i32
          %and3A_491 = arith.andi %ne3A_487, %ne3A_490 : i1
          %sub3A_492 = arith.constant 1 : i32
          %sub3A_493 = arith.subi %div3A_472, %sub3A_492 : i32
          %select_n3A_494 = arith.select %and3A_491, %sub3A_493, %div3A_472 : i32
          %jit3A_495 = arith.constant 8 : i32
          %eq3A_496 = arith.constant 0 : i32
          %eq3A_497 = arith.cmpi eq, %jit3A_495, %eq3A_496 : i32
          %jit3A_498 = arith.constant 1 : i32
          %select_n3A_499 = arith.select %eq3A_497, %jit3A_498, %jit3A_495 : i32
          %rem3A_500 = arith.remsi %reduce_sum3A_470, %select_n3A_499 : i32
          %ne3A_501 = arith.constant 0 : i32
          %ne3A_502 = arith.cmpi ne, %rem3A_500, %ne3A_501 : i32
          %lt3A_503 = arith.constant 0 : i32
          %lt3A_504 = arith.cmpi slt, %rem3A_500, %lt3A_503 : i32
          %lt3A_505 = arith.constant 0 : i32
          %lt3A_506 = arith.cmpi slt, %select_n3A_499, %lt3A_505 : i32
          %ne3A_507 = arith.xori %lt3A_504, %lt3A_506 : i1
          %and3A_508 = arith.andi %ne3A_507, %ne3A_502 : i1
          %add3A_509 = arith.addi %rem3A_500, %select_n3A_499 : i32
          %select_n3A_510 = arith.select %and3A_508, %add3A_509, %rem3A_500 : i32
          %mul3A_511 = arith.constant 16 : i32
          %mul3A_512 = arith.muli %select_n3A_510, %mul3A_511 : i32
          %multiple_of3A_513 = tpu.assume_multiple %mul3A_512, 16 : i32
          %add3A_514 = arith.addi %select_n3A, %select_n3A_494 : i32
          %dma_start3A_515 = arith.constant 0 : i32
          %dma_start3A_516 = arith.constant 0 : i32
          %dma_start3A_517 = tpu.memref_slice %arg11[%sub3A_457, %dma_start3A_516] : memref<2x16xi32, #tpu.memory_space<vmem>> -> memref<1x16xi32, #tpu.memory_space<vmem>>
          %dma_start3A_518 = tpu.memref_squeeze %dma_start3A_517 : memref<1x16xi32, #tpu.memory_space<vmem>> -> memref<16xi32, #tpu.memory_space<vmem>>
          %dma_start3A_519 = tpu.memref_slice %arg2[%add3A_514, %dma_start3A_515, %multiple_of3A_513] : memref<2500x2x128xi32, #tpu.memory_space<hbm>> -> memref<1x1x16xi32, #tpu.memory_space<hbm>>
          %dma_start3A_520 = tpu.memref_squeeze %dma_start3A_519 : memref<1x1x16xi32, #tpu.memory_space<hbm>> -> memref<16xi32, #tpu.memory_space<hbm>>
          %dma_start3A_521 = arith.constant 0 : i32
          %dma_start3A_522 = tpu.memref_slice %arg11[%sub3A_457, %dma_start3A_521] : memref<2x16xi32, #tpu.memory_space<vmem>> -> memref<1x16xi32, #tpu.memory_space<vmem>>
          %dma_start3A_523 = tpu.memref_squeeze %dma_start3A_522 : memref<1x16xi32, #tpu.memory_space<vmem>> -> memref<16xi32, #tpu.memory_space<vmem>>
          %dma_start3A_524 = tpu.memref_slice %arg2[%add3A_514, %dma_start3A_515, %multiple_of3A_513] : memref<2500x2x128xi32, #tpu.memory_space<hbm>> -> memref<1x1x16xi32, #tpu.memory_space<hbm>>
          %dma_start3A_525 = tpu.memref_squeeze %dma_start3A_524 : memref<1x1x16xi32, #tpu.memory_space<hbm>> -> memref<16xi32, #tpu.memory_space<hbm>>
          tpu.enqueue_dma source(%dma_start3A_525 : memref<16xi32, #tpu.memory_space<hbm>>) target(%dma_start3A_523 : memref<16xi32, #tpu.memory_space<vmem>>) target_semaphore(%arg16 : memref<!tpu.dma_semaphore, #tpu.memory_space<semaphore_mem>>)
          %add3A_526 = arith.addi %select_n3A, %select_n3A_494 : i32
          %mul3A_527 = arith.constant 128 : i32
          %mul3A_528 = arith.muli %add3A_526, %mul3A_527 : i32
          %add3A_529 = arith.addi %mul3A_528, %multiple_of3A_513 : i32
          %multiple_of3A_530 = tpu.assume_multiple %add3A_529, 16 : i32
          %dma_start3A_531 = arith.constant 0 : i32
          %dma_start3A_532 = tpu.memref_slice %arg12[%sub3A_457, %dma_start3A_531] : memref<2x16xi32, #tpu.memory_space<vmem>> -> memref<1x16xi32, #tpu.memory_space<vmem>>
          %dma_start3A_533 = tpu.memref_squeeze %dma_start3A_532 : memref<1x16xi32, #tpu.memory_space<vmem>> -> memref<16xi32, #tpu.memory_space<vmem>>
          %dma_start3A_534 = tpu.memref_slice %arg3[%multiple_of3A_530] : memref<320000xi32, #tpu.memory_space<hbm>> -> memref<16xi32, #tpu.memory_space<hbm>>
          %dma_start3A_535 = arith.constant 0 : i32
          %dma_start3A_536 = tpu.memref_slice %arg12[%sub3A_457, %dma_start3A_535] : memref<2x16xi32, #tpu.memory_space<vmem>> -> memref<1x16xi32, #tpu.memory_space<vmem>>
          %dma_start3A_537 = tpu.memref_squeeze %dma_start3A_536 : memref<1x16xi32, #tpu.memory_space<vmem>> -> memref<16xi32, #tpu.memory_space<vmem>>
          %dma_start3A_538 = tpu.memref_slice %arg3[%multiple_of3A_530] : memref<320000xi32, #tpu.memory_space<hbm>> -> memref<16xi32, #tpu.memory_space<hbm>>
          tpu.enqueue_dma source(%dma_start3A_538 : memref<16xi32, #tpu.memory_space<hbm>>) target(%dma_start3A_537 : memref<16xi32, #tpu.memory_space<vmem>>) target_semaphore(%arg16 : memref<!tpu.dma_semaphore, #tpu.memory_space<semaphore_mem>>)
        } else {
        }
        %dma_wait3A_435 = arith.constant 0 : i32
        %dma_wait3A_436 = arith.constant 0 : i32
        %dma_wait3A_437 = tpu.memref_slice %arg13[%rem3A_324, %dma_wait3A_435, %dma_wait3A_436] : memref<2x16x128xf32, #tpu.memory_space<vmem>> -> memref<1x16x128xf32, #tpu.memory_space<vmem>>
        %dma_wait3A_438 = tpu.memref_squeeze %dma_wait3A_437 : memref<1x16x128xf32, #tpu.memory_space<vmem>> -> memref<16x128xf32, #tpu.memory_space<vmem>>
        %dma_wait3A_439 = arith.constant 0 : i32
        %dma_wait3A_440 = tpu.memref_slice %arg10[%rem3A_324, %dma_wait3A_439] : memref<2x16xi32, #tpu.memory_space<vmem>> -> memref<1x16xi32, #tpu.memory_space<vmem>>
        %dma_wait3A_441 = tpu.memref_squeeze %dma_wait3A_440 : memref<1x16xi32, #tpu.memory_space<vmem>> -> memref<16xi32, #tpu.memory_space<vmem>>
        %dma_wait3A_442 = arith.constant 0 : i32
        %dma_wait3A_443 = arith.constant 0 : i32
        %dma_wait3A_444 = tpu.memref_slice %arg4[%dma_wait3A_442, %dma_wait3A_443] : memref<10000x128xf32, #tpu.memory_space<hbm>> -> memref<10000x128xf32, #tpu.memory_space<hbm>>
        tpu.wait_indirect_dma semaphore(%arg15 : memref<!tpu.dma_semaphore, #tpu.memory_space<semaphore_mem>>) src(%dma_wait3A_444 : memref<10000x128xf32, #tpu.memory_space<hbm>>) dst(%dma_wait3A_438 : memref<16x128xf32, #tpu.memory_space<vmem>>)
        %get3A_445 = arith.index_cast %rem3A_324 : i32 to index
        %get3A_446 = arith.constant 0 : index
        %get3A_447 = tpu.vector_load %arg12[%get3A_445, %get3A_446] {strides = array<i32>} : memref<2x16xi32, #tpu.memory_space<vmem>>, vector<16xi32>,
        %jit3A_448 = arith.constant 1 : i32
        %jit3A_449 = arith.constant 0 : i32
        %broadcast_in_dim3A_450 = vector.broadcast %jit3A_448 : i32 to vector<16xi32>
        %broadcast_in_dim3A_451 = vector.broadcast %jit3A_449 : i32 to vector<16xi32>
        %select_n3A_452 = arith.select %eq3A_386, %broadcast_in_dim3A_450, %broadcast_in_dim3A_451 : vector<16xi1>, vector<16xi32>
        %while3A_453 = scf.while (%while3A_454 = %select_n3A_452) : (vector<16xi32>) -> vector<16xi32> {
          %reduce_sum3A_455 = arith.constant true
          %reduce_sum3A_456 = vector.broadcast %reduce_sum3A_455 : i1 to vector<16xi1>
          %reduce_sum3A_457 = tpu.scan <sum>, %while3A_454 masked %reduce_sum3A_456 : vector<16xi32>, vector<16xi1> -> vector<16xi32>
          %reduce_sum3A_458 = vector.extract %reduce_sum3A_457[15] : i32 from vector<16xi32>
          %gt3A_459 = arith.constant 0 : i32
          %gt3A_460 = arith.cmpi sgt, %reduce_sum3A_458, %gt3A_459 : i32
          scf.condition(%gt3A_460) %while3A_454 : vector<16xi32>
        } do {
        ^bb0(%while3A_454: vector<16xi32>):
          %ne3A_455 = arith.constant 0 : i32
          %ne3A_456 = vector.broadcast %ne3A_455 : i32 to vector<16xi32>
          %ne3A_457 = arith.cmpi ne, %while3A_454, %ne3A_456 : vector<16xi32>
          %all_reduce_ffs3A = tpu.all_reduce %ne3A_457 {dim = 0 : i64, kind = #tpu.reduction_kind<find_first_set>} : vector<16xi1> -> vector<16xi32>
          %eq3A_458 = arith.constant 0 : i32
          %eq3A_459 = vector.broadcast %eq3A_458 : i32 to vector<16xi32>
          %eq3A_460 = arith.cmpi eq, %iota3A, %eq3A_459 : vector<16xi32>
          %jit3A_461 = arith.constant 0 : i32
          %broadcast_in_dim3A_462 = vector.broadcast %jit3A_461 : i32 to vector<16xi32>
          %select_n3A_463 = arith.select %eq3A_460, %all_reduce_ffs3A, %broadcast_in_dim3A_462 : vector<16xi1>, vector<16xi32>
          %reduce_sum3A_464 = arith.constant true
          %reduce_sum3A_465 = vector.broadcast %reduce_sum3A_464 : i1 to vector<16xi1>
          %reduce_sum3A_466 = tpu.scan <sum>, %select_n3A_463 masked %reduce_sum3A_465 : vector<16xi32>, vector<16xi1> -> vector<16xi32>
          %reduce_sum3A_467 = vector.extract %reduce_sum3A_466[15] : i32 from vector<16xi32>
          %eq3A_468 = vector.broadcast %reduce_sum3A_467 : i32 to vector<16xi32>
          %eq3A_469 = arith.cmpi eq, %iota3A, %eq3A_468 : vector<16xi32>
          %jit3A_470 = arith.constant 0 : i32
          %broadcast_in_dim3A_471 = vector.broadcast %jit3A_470 : i32 to vector<16xi32>
          %select_n3A_472 = arith.select %eq3A_469, %get3A_447, %broadcast_in_dim3A_471 : vector<16xi1>, vector<16xi32>
          %reduce_sum3A_473 = arith.constant true
          %reduce_sum3A_474 = vector.broadcast %reduce_sum3A_473 : i1 to vector<16xi1>
          %reduce_sum3A_475 = tpu.scan <sum>, %select_n3A_472 masked %reduce_sum3A_474 : vector<16xi32>, vector<16xi1> -> vector<16xi32>
          %reduce_sum3A_476 = vector.extract %reduce_sum3A_475[15] : i32 from vector<16xi32>
          %get3A_477 = arith.index_cast %reduce_sum3A_476 : i32 to index
          %get3A_478 = arith.constant 0 : index
          %get3A_479 = tpu.vector_load %arg7[%get3A_477, %get3A_478] {strides = array<i32>} : memref<5x128xf32, #tpu.memory_space<vmem>>, vector<16xf32>,
          %get3A_480 = arith.index_cast %rem3A_324 : i32 to index
          %get3A_481 = arith.index_cast %reduce_sum3A_467 : i32 to index
          %get3A_482 = arith.constant 0 : index
          %get3A_483 = tpu.vector_load %arg13[%get3A_480, %get3A_481, %get3A_482] {strides = array<i32>} : memref<2x16x128xf32, #tpu.memory_space<vmem>>, vector<16xf32>,
          %add3A_484 = arith.addf %get3A_479, %get3A_483 : vector<16xf32>
          %swap3A_485 = arith.index_cast %reduce_sum3A_476 : i32 to index
          %swap3A_486 = arith.constant 0 : index
          %swap3A_487 = tpu.vector_load %arg7[%swap3A_485, %swap3A_486] {strides = array<i32>} : memref<5x128xf32, #tpu.memory_space<vmem>>, vector<16xf32>,
          tpu.vector_store %arg7[%swap3A_485, %swap3A_486], %add3A_484 {strides = array<i32>} : memref<5x128xf32, #tpu.memory_space<vmem>>, vector<16xf32>,
          %get3A_488 = arith.index_cast %reduce_sum3A_476 : i32 to index
          %get3A_489 = arith.constant 16 : index
          %get3A_490 = tpu.vector_load %arg7[%get3A_488, %get3A_489] {strides = array<i32>} : memref<5x128xf32, #tpu.memory_space<vmem>>, vector<16xf32>,
          %get3A_491 = arith.index_cast %rem3A_324 : i32 to index
          %get3A_492 = arith.index_cast %reduce_sum3A_467 : i32 to index
          %get3A_493 = arith.constant 16 : index
          %get3A_494 = tpu.vector_load %arg13[%get3A_491, %get3A_492, %get3A_493] {strides = array<i32>} : memref<2x16x128xf32, #tpu.memory_space<vmem>>, vector<16xf32>,
          %add3A_495 = arith.addf %get3A_490, %get3A_494 : vector<16xf32>
          %swap3A_496 = arith.index_cast %reduce_sum3A_476 : i32 to index
          %swap3A_497 = arith.constant 16 : index
          %swap3A_498 = tpu.vector_load %arg7[%swap3A_496, %swap3A_497] {strides = array<i32>} : memref<5x128xf32, #tpu.memory_space<vmem>>, vector<16xf32>,
          tpu.vector_store %arg7[%swap3A_496, %swap3A_497], %add3A_495 {strides = array<i32>} : memref<5x128xf32, #tpu.memory_space<vmem>>, vector<16xf32>,
          %get3A_499 = arith.index_cast %reduce_sum3A_476 : i32 to index
          %get3A_500 = arith.constant 32 : index
          %get3A_501 = tpu.vector_load %arg7[%get3A_499, %get3A_500] {strides = array<i32>} : memref<5x128xf32, #tpu.memory_space<vmem>>, vector<16xf32>,
          %get3A_502 = arith.index_cast %rem3A_324 : i32 to index
          %get3A_503 = arith.index_cast %reduce_sum3A_467 : i32 to index
          %get3A_504 = arith.constant 32 : index
          %get3A_505 = tpu.vector_load %arg13[%get3A_502, %get3A_503, %get3A_504] {strides = array<i32>} : memref<2x16x128xf32, #tpu.memory_space<vmem>>, vector<16xf32>,
          %add3A_506 = arith.addf %get3A_501, %get3A_505 : vector<16xf32>
          %swap3A_507 = arith.index_cast %reduce_sum3A_476 : i32 to index
          %swap3A_508 = arith.constant 32 : index
          %swap3A_509 = tpu.vector_load %arg7[%swap3A_507, %swap3A_508] {strides = array<i32>} : memref<5x128xf32, #tpu.memory_space<vmem>>, vector<16xf32>,
          tpu.vector_store %arg7[%swap3A_507, %swap3A_508], %add3A_506 {strides = array<i32>} : memref<5x128xf32, #tpu.memory_space<vmem>>, vector<16xf32>,
          %get3A_510 = arith.index_cast %reduce_sum3A_476 : i32 to index
          %get3A_511 = arith.constant 48 : index
          %get3A_512 = tpu.vector_load %arg7[%get3A_510, %get3A_511] {strides = array<i32>} : memref<5x128xf32, #tpu.memory_space<vmem>>, vector<16xf32>,
          %get3A_513 = arith.index_cast %rem3A_324 : i32 to index
          %get3A_514 = arith.index_cast %reduce_sum3A_467 : i32 to index
          %get3A_515 = arith.constant 48 : index
          %get3A_516 = tpu.vector_load %arg13[%get3A_513, %get3A_514, %get3A_515] {strides = array<i32>} : memref<2x16x128xf32, #tpu.memory_space<vmem>>, vector<16xf32>,
          %add3A_517 = arith.addf %get3A_512, %get3A_516 : vector<16xf32>
          %swap3A_518 = arith.index_cast %reduce_sum3A_476 : i32 to index
          %swap3A_519 = arith.constant 48 : index
          %swap3A_520 = tpu.vector_load %arg7[%swap3A_518, %swap3A_519] {strides = array<i32>} : memref<5x128xf32, #tpu.memory_space<vmem>>, vector<16xf32>,
          tpu.vector_store %arg7[%swap3A_518, %swap3A_519], %add3A_517 {strides = array<i32>} : memref<5x128xf32, #tpu.memory_space<vmem>>, vector<16xf32>,
          %get3A_521 = arith.index_cast %reduce_sum3A_476 : i32 to index
          %get3A_522 = arith.constant 64 : index
          %get3A_523 = tpu.vector_load %arg7[%get3A_521, %get3A_522] {strides = array<i32>} : memref<5x128xf32, #tpu.memory_space<vmem>>, vector<16xf32>,
          %get3A_524 = arith.index_cast %rem3A_324 : i32 to index
          %get3A_525 = arith.index_cast %reduce_sum3A_467 : i32 to index
          %get3A_526 = arith.constant 64 : index
          %get3A_527 = tpu.vector_load %arg13[%get3A_524, %get3A_525, %get3A_526] {strides = array<i32>} : memref<2x16x128xf32, #tpu.memory_space<vmem>>, vector<16xf32>,
          %add3A_528 = arith.addf %get3A_523, %get3A_527 : vector<16xf32>
          %swap3A_529 = arith.index_cast %reduce_sum3A_476 : i32 to index
          %swap3A_530 = arith.constant 64 : index
          %swap3A_531 = tpu.vector_load %arg7[%swap3A_529, %swap3A_530] {strides = array<i32>} : memref<5x128xf32, #tpu.memory_space<vmem>>, vector<16xf32>,
          tpu.vector_store %arg7[%swap3A_529, %swap3A_530], %add3A_528 {strides = array<i32>} : memref<5x128xf32, #tpu.memory_space<vmem>>, vector<16xf32>,
          %get3A_532 = arith.index_cast %reduce_sum3A_476 : i32 to index
          %get3A_533 = arith.constant 80 : index
          %get3A_534 = tpu.vector_load %arg7[%get3A_532, %get3A_533] {strides = array<i32>} : memref<5x128xf32, #tpu.memory_space<vmem>>, vector<16xf32>,
          %get3A_535 = arith.index_cast %rem3A_324 : i32 to index
          %get3A_536 = arith.index_cast %reduce_sum3A_467 : i32 to index
          %get3A_537 = arith.constant 80 : index
          %get3A_538 = tpu.vector_load %arg13[%get3A_535, %get3A_536, %get3A_537] {strides = array<i32>} : memref<2x16x128xf32, #tpu.memory_space<vmem>>, vector<16xf32>,
          %add3A_539 = arith.addf %get3A_534, %get3A_538 : vector<16xf32>
          %swap3A_540 = arith.index_cast %reduce_sum3A_476 : i32 to index
          %swap3A_541 = arith.constant 80 : index
          %swap3A_542 = tpu.vector_load %arg7[%swap3A_540, %swap3A_541] {strides = array<i32>} : memref<5x128xf32, #tpu.memory_space<vmem>>, vector<16xf32>,
          tpu.vector_store %arg7[%swap3A_540, %swap3A_541], %add3A_539 {strides = array<i32>} : memref<5x128xf32, #tpu.memory_space<vmem>>, vector<16xf32>,
          %get3A_543 = arith.index_cast %reduce_sum3A_476 : i32 to index
          %get3A_544 = arith.constant 96 : index
          %get3A_545 = tpu.vector_load %arg7[%get3A_543, %get3A_544] {strides = array<i32>} : memref<5x128xf32, #tpu.memory_space<vmem>>, vector<16xf32>,
          %get3A_546 = arith.index_cast %rem3A_324 : i32 to index
          %get3A_547 = arith.index_cast %reduce_sum3A_467 : i32 to index
          %get3A_548 = arith.constant 96 : index
          %get3A_549 = tpu.vector_load %arg13[%get3A_546, %get3A_547, %get3A_548] {strides = array<i32>} : memref<2x16x128xf32, #tpu.memory_space<vmem>>, vector<16xf32>,
          %add3A_550 = arith.addf %get3A_545, %get3A_549 : vector<16xf32>
          %swap3A_551 = arith.index_cast %reduce_sum3A_476 : i32 to index
          %swap3A_552 = arith.constant 96 : index
          %swap3A_553 = tpu.vector_load %arg7[%swap3A_551, %swap3A_552] {strides = array<i32>} : memref<5x128xf32, #tpu.memory_space<vmem>>, vector<16xf32>,
          tpu.vector_store %arg7[%swap3A_551, %swap3A_552], %add3A_550 {strides = array<i32>} : memref<5x128xf32, #tpu.memory_space<vmem>>, vector<16xf32>,
          %get3A_554 = arith.index_cast %reduce_sum3A_476 : i32 to index
          %get3A_555 = arith.constant 112 : index
          %get3A_556 = tpu.vector_load %arg7[%get3A_554, %get3A_555] {strides = array<i32>} : memref<5x128xf32, #tpu.memory_space<vmem>>, vector<16xf32>,
          %get3A_557 = arith.index_cast %rem3A_324 : i32 to index
          %get3A_558 = arith.index_cast %reduce_sum3A_467 : i32 to index
          %get3A_559 = arith.constant 112 : index
          %get3A_560 = tpu.vector_load %arg13[%get3A_557, %get3A_558, %get3A_559] {strides = array<i32>} : memref<2x16x128xf32, #tpu.memory_space<vmem>>, vector<16xf32>,
          %add3A_561 = arith.addf %get3A_556, %get3A_560 : vector<16xf32>
          %swap3A_562 = arith.index_cast %reduce_sum3A_476 : i32 to index
          %swap3A_563 = arith.constant 112 : index
          %swap3A_564 = tpu.vector_load %arg7[%swap3A_562, %swap3A_563] {strides = array<i32>} : memref<5x128xf32, #tpu.memory_space<vmem>>, vector<16xf32>,
          tpu.vector_store %arg7[%swap3A_562, %swap3A_563], %add3A_561 {strides = array<i32>} : memref<5x128xf32, #tpu.memory_space<vmem>>, vector<16xf32>,
          %get3A_565 = arith.constant 0 : index
          %get3A_566 = tpu.vector_load %arg8[%get3A_565] {strides = array<i32>} : memref<16xf32, #tpu.memory_space<vmem>>, vector<16xf32>,
          %eq3A_567 = vector.broadcast %reduce_sum3A_476 : i32 to vector<16xi32>
          %eq3A_568 = arith.cmpi eq, %iota3A, %eq3A_567 : vector<16xi32>
          %jit3A_569 = arith.constant 1.000000e+00 : f32
          %jit3A_570 = arith.constant 0.000000e+00 : f32
          %broadcast_in_dim3A_571 = vector.broadcast %jit3A_569 : f32 to vector<16xf32>
          %broadcast_in_dim3A_572 = vector.broadcast %jit3A_570 : f32 to vector<16xf32>
          %select_n3A_573 = arith.select %eq3A_568, %broadcast_in_dim3A_571, %broadcast_in_dim3A_572 : vector<16xi1>, vector<16xf32>
          %add3A_574 = arith.addf %get3A_566, %select_n3A_573 : vector<16xf32>
          %swap3A_575 = arith.constant 0 : index
          %swap3A_576 = tpu.vector_load %arg8[%swap3A_575] {strides = array<i32>} : memref<16xf32, #tpu.memory_space<vmem>>, vector<16xf32>,
          tpu.vector_store %arg8[%swap3A_575], %add3A_574 {strides = array<i32>} : memref<16xf32, #tpu.memory_space<vmem>>, vector<16xf32>,
          %eq3A_577 = vector.broadcast %reduce_sum3A_467 : i32 to vector<16xi32>
          %eq3A_578 = arith.cmpi eq, %iota3A, %eq3A_577 : vector<16xi32>
          %jit3A_579 = arith.constant 0 : i32
          %broadcast_in_dim3A_580 = vector.broadcast %jit3A_579 : i32 to vector<16xi32>
          %select_n3A_581 = arith.select %eq3A_578, %broadcast_in_dim3A_580, %while3A_454 : vector<16xi1>, vector<16xi32>
          scf.yield %select_n3A_581 : vector<16xi32>
        }
      }
      %while3A_321 = arith.constant 1 : i32
      scf.for %while3A_322 = %while3A_319 to %while3A_315 step %while3A_321  : i32 {
        %rem3A_323 = arith.constant 2 : i32
        %rem3A_324 = arith.remsi %while3A_322, %rem3A_323 : i32
        %eq3A_325 = arith.constant 0 : i32
        %eq3A_326 = vector.broadcast %eq3A_325 : i32 to vector<16xi32>
        %eq3A_327 = arith.cmpi eq, %iota3A, %eq3A_326 : vector<16xi32>
        %get3A_328 = arith.index_cast %while3A_322 : i32 to index
        %get3A_329 = arith.constant 0 : index
        %get3A_330 = tpu.vector_load %arg9[%get3A_328, %get3A_329] {strides = array<i32>} : memref<632x16xi32, #tpu.memory_space<vmem>>, vector<16xi32>,
        %jit3A_331 = arith.constant 0 : i32
        %broadcast_in_dim3A_332 = vector.broadcast %jit3A_331 : i32 to vector<16xi32>
        %select_n3A_333 = arith.select %eq3A_327, %get3A_330, %broadcast_in_dim3A_332 : vector<16xi1>, vector<16xi32>
        %reduce_sum3A_334 = arith.constant true
        %reduce_sum3A_335 = vector.broadcast %reduce_sum3A_334 : i1 to vector<16xi1>
        %reduce_sum3A_336 = tpu.scan <sum>, %select_n3A_333 masked %reduce_sum3A_335 : vector<16xi32>, vector<16xi1> -> vector<16xi32>
        %reduce_sum3A_337 = vector.extract %reduce_sum3A_336[15] : i32 from vector<16xi32>
        %jit3A_338 = arith.constant 8 : i32
        %div3A_339 = arith.divsi %reduce_sum3A_337, %jit3A_338 : i32
        %sign3A_340 = arith.constant 0 : i32
        %sign3A_341 = arith.cmpi sgt, %reduce_sum3A_337, %sign3A_340 : i32
        %sign3A_342 = arith.extui %sign3A_341 : i1 to i32
        %sign3A_343 = arith.constant 0 : i32
        %sign3A_344 = arith.cmpi slt, %reduce_sum3A_337, %sign3A_343 : i32
        %sign3A_345 = arith.extui %sign3A_344 : i1 to i32
        %sign3A_346 = arith.subi %sign3A_342, %sign3A_345 : i32
        %sign3A_347 = arith.constant 0 : i32
        %sign3A_348 = arith.cmpi sgt, %jit3A_338, %sign3A_347 : i32
        %sign3A_349 = arith.extui %sign3A_348 : i1 to i32
        %sign3A_350 = arith.constant 0 : i32
        %sign3A_351 = arith.cmpi slt, %jit3A_338, %sign3A_350 : i32
        %sign3A_352 = arith.extui %sign3A_351 : i1 to i32
        %sign3A_353 = arith.subi %sign3A_349, %sign3A_352 : i32
        %ne3A_354 = arith.cmpi ne, %sign3A_346, %sign3A_353 : i32
        %rem3A_355 = arith.remsi %reduce_sum3A_337, %jit3A_338 : i32
        %ne3A_356 = arith.constant 0 : i32
        %ne3A_357 = arith.cmpi ne, %rem3A_355, %ne3A_356 : i32
        %and3A_358 = arith.andi %ne3A_354, %ne3A_357 : i1
        %sub3A_359 = arith.constant 1 : i32
        %sub3A_360 = arith.subi %div3A_339, %sub3A_359 : i32
        %select_n3A_361 = arith.select %and3A_358, %sub3A_360, %div3A_339 : i32
        %jit3A_362 = arith.constant 8 : i32
        %eq3A_363 = arith.constant 0 : i32
        %eq3A_364 = arith.cmpi eq, %jit3A_362, %eq3A_363 : i32
        %jit3A_365 = arith.constant 1 : i32
        %select_n3A_366 = arith.select %eq3A_364, %jit3A_365, %jit3A_362 : i32
        %rem3A_367 = arith.remsi %reduce_sum3A_337, %select_n3A_366 : i32
        %ne3A_368 = arith.constant 0 : i32
        %ne3A_369 = arith.cmpi ne, %rem3A_367, %ne3A_368 : i32
        %lt3A_370 = arith.constant 0 : i32
        %lt3A_371 = arith.cmpi slt, %rem3A_367, %lt3A_370 : i32
        %lt3A_372 = arith.constant 0 : i32
        %lt3A_373 = arith.cmpi slt, %select_n3A_366, %lt3A_372 : i32
        %ne3A_374 = arith.xori %lt3A_371, %lt3A_373 : i1
        %and3A_375 = arith.andi %ne3A_374, %ne3A_369 : i1
        %add3A_376 = arith.addi %rem3A_367, %select_n3A_366 : i32
        %select_n3A_377 = arith.select %and3A_375, %add3A_376, %rem3A_367 : i32
        %mul3A_378 = arith.constant 16 : i32
        %mul3A_379 = arith.muli %select_n3A_377, %mul3A_378 : i32
        %multiple_of3A_380 = tpu.assume_multiple %mul3A_379, 16 : i32
        %get3A_381 = arith.index_cast %select_n3A_361 : i32 to index
        %get3A_382 = arith.index_cast %multiple_of3A_380 : i32 to index
        %get3A_383 = tpu.vector_load %arg6[%get3A_381, %get3A_382] {strides = array<i32>} : memref<79x128xi32, #tpu.memory_space<vmem>>, vector<16xi32>,
        %eq3A_384 = arith.constant 0 : i32
        %eq3A_385 = vector.broadcast %eq3A_384 : i32 to vector<16xi32>
        %eq3A_386 = arith.cmpi eq, %get3A_383, %eq3A_385 : vector<16xi32>
        %dma_wait3A = arith.constant 0 : i32
        %dma_wait3A_387 = arith.constant 0 : i32
        %dma_wait3A_388 = arith.constant 0 : i32
        %dma_wait3A_389 = tpu.memref_slice %arg11[%rem3A_324, %dma_wait3A_388] : memref<2x16xi32, #tpu.memory_space<vmem>> -> memref<1x16xi32, #tpu.memory_space<vmem>>
        %dma_wait3A_390 = tpu.memref_squeeze %dma_wait3A_389 : memref<1x16xi32, #tpu.memory_space<vmem>> -> memref<16xi32, #tpu.memory_space<vmem>>
        %dma_wait3A_391 = arith.constant 0 : i32
        %dma_wait3A_392 = tpu.memref_slice %arg2[%dma_wait3A, %dma_wait3A_387, %dma_wait3A_391] : memref<2500x2x128xi32, #tpu.memory_space<hbm>> -> memref<1x1x16xi32, #tpu.memory_space<hbm>>
        %dma_wait3A_393 = tpu.memref_squeeze %dma_wait3A_392 : memref<1x1x16xi32, #tpu.memory_space<hbm>> -> memref<16xi32, #tpu.memory_space<hbm>>
        %dma_wait3A_394 = arith.constant 0 : i32
        %dma_wait3A_395 = tpu.memref_slice %arg11[%rem3A_324, %dma_wait3A_394] : memref<2x16xi32, #tpu.memory_space<vmem>> -> memref<1x16xi32, #tpu.memory_space<vmem>>
        %dma_wait3A_396 = tpu.memref_squeeze %dma_wait3A_395 : memref<1x16xi32, #tpu.memory_space<vmem>> -> memref<16xi32, #tpu.memory_space<vmem>>
        %dma_wait3A_397 = arith.constant 0 : i32
        %dma_wait3A_398 = tpu.memref_slice %arg2[%dma_wait3A, %dma_wait3A_387, %dma_wait3A_397] : memref<2500x2x128xi32, #tpu.memory_space<hbm>> -> memref<1x1x16xi32, #tpu.memory_space<hbm>>
        %dma_wait3A_399 = tpu.memref_squeeze %dma_wait3A_398 : memref<1x1x16xi32, #tpu.memory_space<hbm>> -> memref<16xi32, #tpu.memory_space<hbm>>
        tpu.wait_dma2 semaphore(%arg16 : memref<!tpu.dma_semaphore, #tpu.memory_space<semaphore_mem>>) src(%dma_wait3A_399 : memref<16xi32, #tpu.memory_space<hbm>>) dst(%dma_wait3A_396 : memref<16xi32, #tpu.memory_space<vmem>>)
        %dma_wait3A_400 = arith.constant 0 : i32
        %dma_wait3A_401 = tpu.memref_slice %arg12[%rem3A_324, %dma_wait3A_400] : memref<2x16xi32, #tpu.memory_space<vmem>> -> memref<1x16xi32, #tpu.memory_space<vmem>>
        %dma_wait3A_402 = tpu.memref_squeeze %dma_wait3A_401 : memref<1x16xi32, #tpu.memory_space<vmem>> -> memref<16xi32, #tpu.memory_space<vmem>>
        %dma_wait3A_403 = arith.constant 0 : i32
        %dma_wait3A_404 = tpu.memref_slice %arg3[%dma_wait3A_403] : memref<320000xi32, #tpu.memory_space<hbm>> -> memref<16xi32, #tpu.memory_space<hbm>>
        %dma_wait3A_405 = arith.constant 0 : i32
        %dma_wait3A_406 = tpu.memref_slice %arg12[%rem3A_324, %dma_wait3A_405] : memref<2x16xi32, #tpu.memory_space<vmem>> -> memref<1x16xi32, #tpu.memory_space<vmem>>
        %dma_wait3A_407 = tpu.memref_squeeze %dma_wait3A_406 : memref<1x16xi32, #tpu.memory_space<vmem>> -> memref<16xi32, #tpu.memory_space<vmem>>
        %dma_wait3A_408 = arith.constant 0 : i32
        %dma_wait3A_409 = tpu.memref_slice %arg3[%dma_wait3A_408] : memref<320000xi32, #tpu.memory_space<hbm>> -> memref<16xi32, #tpu.memory_space<hbm>>
        tpu.wait_dma2 semaphore(%arg16 : memref<!tpu.dma_semaphore, #tpu.memory_space<semaphore_mem>>) src(%dma_wait3A_409 : memref<16xi32, #tpu.memory_space<hbm>>) dst(%dma_wait3A_407 : memref<16xi32, #tpu.memory_space<vmem>>)
        %get3A_410 = arith.index_cast %rem3A_324 : i32 to index
        %get3A_411 = arith.constant 0 : index
        %get3A_412 = tpu.vector_load %arg11[%get3A_410, %get3A_411] {strides = array<i32>} : memref<2x16xi32, #tpu.memory_space<vmem>>, vector<16xi32>,
        %jit3A_413 = arith.constant 0 : i32
        %broadcast_in_dim3A_414 = vector.broadcast %jit3A_413 : i32 to vector<16xi32>
        %select_n3A_415 = arith.select %eq3A_386, %get3A_412, %broadcast_in_dim3A_414 : vector<16xi1>, vector<16xi32>
        %swap3A_416 = arith.index_cast %rem3A_324 : i32 to index
        %swap3A_417 = arith.constant 0 : index
        %swap3A_418 = tpu.vector_load %arg10[%swap3A_416, %swap3A_417] {strides = array<i32>} : memref<2x16xi32, #tpu.memory_space<vmem>>, vector<16xi32>,
        tpu.vector_store %arg10[%swap3A_416, %swap3A_417], %select_n3A_415 {strides = array<i32>} : memref<2x16xi32, #tpu.memory_space<vmem>>, vector<16xi32>,
        %dma_start3A_419 = arith.constant 0 : i32
        %dma_start3A_420 = arith.constant 0 : i32
        %dma_start3A_421 = tpu.memref_slice %arg13[%rem3A_324, %dma_start3A_419, %dma_start3A_420] : memref<2x16x128xf32, #tpu.memory_space<vmem>> -> memref<1x16x128xf32, #tpu.memory_space<vmem>>
        %dma_start3A_422 = tpu.memref_squeeze %dma_start3A_421 : memref<1x16x128xf32, #tpu.memory_space<vmem>> -> memref<16x128xf32, #tpu.memory_space<vmem>>
        %dma_start3A_423 = arith.constant 0 : i32
        %dma_start3A_424 = tpu.memref_slice %arg10[%rem3A_324, %dma_start3A_423] : memref<2x16xi32, #tpu.memory_space<vmem>> -> memref<1x16xi32, #tpu.memory_space<vmem>>
        %dma_start3A_425 = tpu.memref_squeeze %dma_start3A_424 : memref<1x16xi32, #tpu.memory_space<vmem>> -> memref<16xi32, #tpu.memory_space<vmem>>
        %dma_start3A_426 = arith.constant 0 : i32
        %dma_start3A_427 = arith.constant 0 : i32
        %dma_start3A_428 = tpu.memref_slice %arg4[%dma_start3A_426, %dma_start3A_427] : memref<10000x128xf32, #tpu.memory_space<hbm>> -> memref<10000x128xf32, #tpu.memory_space<hbm>>
        tpu.enqueue_indirect_dma source(%dma_start3A_428 : memref<10000x128xf32, #tpu.memory_space<hbm>>) target(%dma_start3A_422 : memref<16x128xf32, #tpu.memory_space<vmem>>) offsets(%dma_start3A_425 : memref<16xi32, #tpu.memory_space<vmem>>) semaphore(%arg15 : memref<!tpu.dma_semaphore, #tpu.memory_space<semaphore_mem>>)
        %add3A_429 = arith.constant 1 : i32
        %add3A_430 = arith.addi %while3A_322, %add3A_429 : i32
        %lt3A_431 = arith.cmpi slt, %add3A_430, %get3A_224 : i32
        %convert_element_type3A_432 = arith.extui %lt3A_431 : i1 to i32
        %cond3A_433 = arith.constant 0 : i32
        %cond3A_434 = arith.cmpi ne, %convert_element_type3A_432, %cond3A_433 : i32
        scf.if %cond3A_434 {
          %add3A_454 = arith.constant 1 : i32
          %add3A_455 = arith.addi %while3A_322, %add3A_454 : i32
          %sub3A_456 = arith.constant 1 : i32
          %sub3A_457 = arith.subi %sub3A_456, %rem3A_324 : i32
          %eq3A_458 = arith.constant 0 : i32
          %eq3A_459 = vector.broadcast %eq3A_458 : i32 to vector<16xi32>
          %eq3A_460 = arith.cmpi eq, %iota3A, %eq3A_459 : vector<16xi32>
          %get3A_461 = arith.index_cast %add3A_455 : i32 to index
          %get3A_462 = arith.constant 0 : index
          %get3A_463 = tpu.vector_load %arg9[%get3A_461, %get3A_462] {strides = array<i32>} : memref<632x16xi32, #tpu.memory_space<vmem>>, vector<16xi32>,
          %jit3A_464 = arith.constant 0 : i32
          %broadcast_in_dim3A_465 = vector.broadcast %jit3A_464 : i32 to vector<16xi32>
          %select_n3A_466 = arith.select %eq3A_460, %get3A_463, %broadcast_in_dim3A_465 : vector<16xi1>, vector<16xi32>
          %reduce_sum3A_467 = arith.constant true
          %reduce_sum3A_468 = vector.broadcast %reduce_sum3A_467 : i1 to vector<16xi1>
          %reduce_sum3A_469 = tpu.scan <sum>, %select_n3A_466 masked %reduce_sum3A_468 : vector<16xi32>, vector<16xi1> -> vector<16xi32>
          %reduce_sum3A_470 = vector.extract %reduce_sum3A_469[15] : i32 from vector<16xi32>
          %jit3A_471 = arith.constant 8 : i32
          %div3A_472 = arith.divsi %reduce_sum3A_470, %jit3A_471 : i32
          %sign3A_473 = arith.constant 0 : i32
          %sign3A_474 = arith.cmpi sgt, %reduce_sum3A_470, %sign3A_473 : i32
          %sign3A_475 = arith.extui %sign3A_474 : i1 to i32
          %sign3A_476 = arith.constant 0 : i32
          %sign3A_477 = arith.cmpi slt, %reduce_sum3A_470, %sign3A_476 : i32
          %sign3A_478 = arith.extui %sign3A_477 : i1 to i32
          %sign3A_479 = arith.subi %sign3A_475, %sign3A_478 : i32
          %sign3A_480 = arith.constant 0 : i32
          %sign3A_481 = arith.cmpi sgt, %jit3A_471, %sign3A_480 : i32
          %sign3A_482 = arith.extui %sign3A_481 : i1 to i32
          %sign3A_483 = arith.constant 0 : i32
          %sign3A_484 = arith.cmpi slt, %jit3A_471, %sign3A_483 : i32
          %sign3A_485 = arith.extui %sign3A_484 : i1 to i32
          %sign3A_486 = arith.subi %sign3A_482, %sign3A_485 : i32
          %ne3A_487 = arith.cmpi ne, %sign3A_479, %sign3A_486 : i32
          %rem3A_488 = arith.remsi %reduce_sum3A_470, %jit3A_471 : i32
          %ne3A_489 = arith.constant 0 : i32
          %ne3A_490 = arith.cmpi ne, %rem3A_488, %ne3A_489 : i32
          %and3A_491 = arith.andi %ne3A_487, %ne3A_490 : i1
          %sub3A_492 = arith.constant 1 : i32
          %sub3A_493 = arith.subi %div3A_472, %sub3A_492 : i32
          %select_n3A_494 = arith.select %and3A_491, %sub3A_493, %div3A_472 : i32
          %jit3A_495 = arith.constant 8 : i32
          %eq3A_496 = arith.constant 0 : i32
          %eq3A_497 = arith.cmpi eq, %jit3A_495, %eq3A_496 : i32
          %jit3A_498 = arith.constant 1 : i32
          %select_n3A_499 = arith.select %eq3A_497, %jit3A_498, %jit3A_495 : i32
          %rem3A_500 = arith.remsi %reduce_sum3A_470, %select_n3A_499 : i32
          %ne3A_501 = arith.constant 0 : i32
          %ne3A_502 = arith.cmpi ne, %rem3A_500, %ne3A_501 : i32
          %lt3A_503 = arith.constant 0 : i32
          %lt3A_504 = arith.cmpi slt, %rem3A_500, %lt3A_503 : i32
          %lt3A_505 = arith.constant 0 : i32
          %lt3A_506 = arith.cmpi slt, %select_n3A_499, %lt3A_505 : i32
          %ne3A_507 = arith.xori %lt3A_504, %lt3A_506 : i1
          %and3A_508 = arith.andi %ne3A_507, %ne3A_502 : i1
          %add3A_509 = arith.addi %rem3A_500, %select_n3A_499 : i32
          %select_n3A_510 = arith.select %and3A_508, %add3A_509, %rem3A_500 : i32
          %mul3A_511 = arith.constant 16 : i32
          %mul3A_512 = arith.muli %select_n3A_510, %mul3A_511 : i32
          %multiple_of3A_513 = tpu.assume_multiple %mul3A_512, 16 : i32
          %add3A_514 = arith.addi %select_n3A, %select_n3A_494 : i32
          %dma_start3A_515 = arith.constant 0 : i32
          %dma_start3A_516 = arith.constant 0 : i32
          %dma_start3A_517 = tpu.memref_slice %arg11[%sub3A_457, %dma_start3A_516] : memref<2x16xi32, #tpu.memory_space<vmem>> -> memref<1x16xi32, #tpu.memory_space<vmem>>
          %dma_start3A_518 = tpu.memref_squeeze %dma_start3A_517 : memref<1x16xi32, #tpu.memory_space<vmem>> -> memref<16xi32, #tpu.memory_space<vmem>>
          %dma_start3A_519 = tpu.memref_slice %arg2[%add3A_514, %dma_start3A_515, %multiple_of3A_513] : memref<2500x2x128xi32, #tpu.memory_space<hbm>> -> memref<1x1x16xi32, #tpu.memory_space<hbm>>
          %dma_start3A_520 = tpu.memref_squeeze %dma_start3A_519 : memref<1x1x16xi32, #tpu.memory_space<hbm>> -> memref<16xi32, #tpu.memory_space<hbm>>
          %dma_start3A_521 = arith.constant 0 : i32
          %dma_start3A_522 = tpu.memref_slice %arg11[%sub3A_457, %dma_start3A_521] : memref<2x16xi32, #tpu.memory_space<vmem>> -> memref<1x16xi32, #tpu.memory_space<vmem>>
          %dma_start3A_523 = tpu.memref_squeeze %dma_start3A_522 : memref<1x16xi32, #tpu.memory_space<vmem>> -> memref<16xi32, #tpu.memory_space<vmem>>
          %dma_start3A_524 = tpu.memref_slice %arg2[%add3A_514, %dma_start3A_515, %multiple_of3A_513] : memref<2500x2x128xi32, #tpu.memory_space<hbm>> -> memref<1x1x16xi32, #tpu.memory_space<hbm>>
          %dma_start3A_525 = tpu.memref_squeeze %dma_start3A_524 : memref<1x1x16xi32, #tpu.memory_space<hbm>> -> memref<16xi32, #tpu.memory_space<hbm>>
          tpu.enqueue_dma source(%dma_start3A_525 : memref<16xi32, #tpu.memory_space<hbm>>) target(%dma_start3A_523 : memref<16xi32, #tpu.memory_space<vmem>>) target_semaphore(%arg16 : memref<!tpu.dma_semaphore, #tpu.memory_space<semaphore_mem>>)
          %add3A_526 = arith.addi %select_n3A, %select_n3A_494 : i32
          %mul3A_527 = arith.constant 128 : i32
          %mul3A_528 = arith.muli %add3A_526, %mul3A_527 : i32
          %add3A_529 = arith.addi %mul3A_528, %multiple_of3A_513 : i32
          %multiple_of3A_530 = tpu.assume_multiple %add3A_529, 16 : i32
          %dma_start3A_531 = arith.constant 0 : i32
          %dma_start3A_532 = tpu.memref_slice %arg12[%sub3A_457, %dma_start3A_531] : memref<2x16xi32, #tpu.memory_space<vmem>> -> memref<1x16xi32, #tpu.memory_space<vmem>>
          %dma_start3A_533 = tpu.memref_squeeze %dma_start3A_532 : memref<1x16xi32, #tpu.memory_space<vmem>> -> memref<16xi32, #tpu.memory_space<vmem>>
          %dma_start3A_534 = tpu.memref_slice %arg3[%multiple_of3A_530] : memref<320000xi32, #tpu.memory_space<hbm>> -> memref<16xi32, #tpu.memory_space<hbm>>
          %dma_start3A_535 = arith.constant 0 : i32
          %dma_start3A_536 = tpu.memref_slice %arg12[%sub3A_457, %dma_start3A_535] : memref<2x16xi32, #tpu.memory_space<vmem>> -> memref<1x16xi32, #tpu.memory_space<vmem>>
          %dma_start3A_537 = tpu.memref_squeeze %dma_start3A_536 : memref<1x16xi32, #tpu.memory_space<vmem>> -> memref<16xi32, #tpu.memory_space<vmem>>
          %dma_start3A_538 = tpu.memref_slice %arg3[%multiple_of3A_530] : memref<320000xi32, #tpu.memory_space<hbm>> -> memref<16xi32, #tpu.memory_space<hbm>>
          tpu.enqueue_dma source(%dma_start3A_538 : memref<16xi32, #tpu.memory_space<hbm>>) target(%dma_start3A_537 : memref<16xi32, #tpu.memory_space<vmem>>) target_semaphore(%arg16 : memref<!tpu.dma_semaphore, #tpu.memory_space<semaphore_mem>>)
        } else {
        }
        %dma_wait3A_435 = arith.constant 0 : i32
        %dma_wait3A_436 = arith.constant 0 : i32
        %dma_wait3A_437 = tpu.memref_slice %arg13[%rem3A_324, %dma_wait3A_435, %dma_wait3A_436] : memref<2x16x128xf32, #tpu.memory_space<vmem>> -> memref<1x16x128xf32, #tpu.memory_space<vmem>>
        %dma_wait3A_438 = tpu.memref_squeeze %dma_wait3A_437 : memref<1x16x128xf32, #tpu.memory_space<vmem>> -> memref<16x128xf32, #tpu.memory_space<vmem>>
        %dma_wait3A_439 = arith.constant 0 : i32
        %dma_wait3A_440 = tpu.memref_slice %arg10[%rem3A_324, %dma_wait3A_439] : memref<2x16xi32, #tpu.memory_space<vmem>> -> memref<1x16xi32, #tpu.memory_space<vmem>>
        %dma_wait3A_441 = tpu.memref_squeeze %dma_wait3A_440 : memref<1x16xi32, #tpu.memory_space<vmem>> -> memref<16xi32, #tpu.memory_space<vmem>>
        %dma_wait3A_442 = arith.constant 0 : i32
        %dma_wait3A_443 = arith.constant 0 : i32
        %dma_wait3A_444 = tpu.memref_slice %arg4[%dma_wait3A_442, %dma_wait3A_443] : memref<10000x128xf32, #tpu.memory_space<hbm>> -> memref<10000x128xf32, #tpu.memory_space<hbm>>
        tpu.wait_indirect_dma semaphore(%arg15 : memref<!tpu.dma_semaphore, #tpu.memory_space<semaphore_mem>>) src(%dma_wait3A_444 : memref<10000x128xf32, #tpu.memory_space<hbm>>) dst(%dma_wait3A_438 : memref<16x128xf32, #tpu.memory_space<vmem>>)
        %get3A_445 = arith.index_cast %rem3A_324 : i32 to index
        %get3A_446 = arith.constant 0 : index
        %get3A_447 = tpu.vector_load %arg12[%get3A_445, %get3A_446] {strides = array<i32>} : memref<2x16xi32, #tpu.memory_space<vmem>>, vector<16xi32>,
        %jit3A_448 = arith.constant 1 : i32
        %jit3A_449 = arith.constant 0 : i32
        %broadcast_in_dim3A_450 = vector.broadcast %jit3A_448 : i32 to vector<16xi32>
        %broadcast_in_dim3A_451 = vector.broadcast %jit3A_449 : i32 to vector<16xi32>
        %select_n3A_452 = arith.select %eq3A_386, %broadcast_in_dim3A_450, %broadcast_in_dim3A_451 : vector<16xi1>, vector<16xi32>
        %while3A_453 = scf.while (%while3A_454 = %select_n3A_452) : (vector<16xi32>) -> vector<16xi32> {
          %reduce_sum3A_455 = arith.constant true
          %reduce_sum3A_456 = vector.broadcast %reduce_sum3A_455 : i1 to vector<16xi1>
          %reduce_sum3A_457 = tpu.scan <sum>, %while3A_454 masked %reduce_sum3A_456 : vector<16xi32>, vector<16xi1> -> vector<16xi32>
          %reduce_sum3A_458 = vector.extract %reduce_sum3A_457[15] : i32 from vector<16xi32>
          %gt3A_459 = arith.constant 0 : i32
          %gt3A_460 = arith.cmpi sgt, %reduce_sum3A_458, %gt3A_459 : i32
          scf.condition(%gt3A_460) %while3A_454 : vector<16xi32>
        } do {
        ^bb0(%while3A_454: vector<16xi32>):
          %ne3A_455 = arith.constant 0 : i32
          %ne3A_456 = vector.broadcast %ne3A_455 : i32 to vector<16xi32>
          %ne3A_457 = arith.cmpi ne, %while3A_454, %ne3A_456 : vector<16xi32>
          %all_reduce_ffs3A = tpu.all_reduce %ne3A_457 {dim = 0 : i64, kind = #tpu.reduction_kind<find_first_set>} : vector<16xi1> -> vector<16xi32>
          %eq3A_458 = arith.constant 0 : i32
          %eq3A_459 = vector.broadcast %eq3A_458 : i32 to vector<16xi32>
          %eq3A_460 = arith.cmpi eq, %iota3A, %eq3A_459 : vector<16xi32>
          %jit3A_461 = arith.constant 0 : i32
          %broadcast_in_dim3A_462 = vector.broadcast %jit3A_461 : i32 to vector<16xi32>
          %select_n3A_463 = arith.select %eq3A_460, %all_reduce_ffs3A, %broadcast_in_dim3A_462 : vector<16xi1>, vector<16xi32>
          %reduce_sum3A_464 = arith.constant true
          %reduce_sum3A_465 = vector.broadcast %reduce_sum3A_464 : i1 to vector<16xi1>
          %reduce_sum3A_466 = tpu.scan <sum>, %select_n3A_463 masked %reduce_sum3A_465 : vector<16xi32>, vector<16xi1> -> vector<16xi32>
          %reduce_sum3A_467 = vector.extract %reduce_sum3A_466[15] : i32 from vector<16xi32>
          %eq3A_468 = vector.broadcast %reduce_sum3A_467 : i32 to vector<16xi32>
          %eq3A_469 = arith.cmpi eq, %iota3A, %eq3A_468 : vector<16xi32>
          %jit3A_470 = arith.constant 0 : i32
          %broadcast_in_dim3A_471 = vector.broadcast %jit3A_470 : i32 to vector<16xi32>
          %select_n3A_472 = arith.select %eq3A_469, %get3A_447, %broadcast_in_dim3A_471 : vector<16xi1>, vector<16xi32>
          %reduce_sum3A_473 = arith.constant true
          %reduce_sum3A_474 = vector.broadcast %reduce_sum3A_473 : i1 to vector<16xi1>
          %reduce_sum3A_475 = tpu.scan <sum>, %select_n3A_472 masked %reduce_sum3A_474 : vector<16xi32>, vector<16xi1> -> vector<16xi32>
          %reduce_sum3A_476 = vector.extract %reduce_sum3A_475[15] : i32 from vector<16xi32>
          %get3A_477 = arith.index_cast %reduce_sum3A_476 : i32 to index
          %get3A_478 = arith.constant 0 : index
          %get3A_479 = tpu.vector_load %arg7[%get3A_477, %get3A_478] {strides = array<i32>} : memref<5x128xf32, #tpu.memory_space<vmem>>, vector<16xf32>,
          %get3A_480 = arith.index_cast %rem3A_324 : i32 to index
          %get3A_481 = arith.index_cast %reduce_sum3A_467 : i32 to index
          %get3A_482 = arith.constant 0 : index
          %get3A_483 = tpu.vector_load %arg13[%get3A_480, %get3A_481, %get3A_482] {strides = array<i32>} : memref<2x16x128xf32, #tpu.memory_space<vmem>>, vector<16xf32>,
          %add3A_484 = arith.addf %get3A_479, %get3A_483 : vector<16xf32>
          %swap3A_485 = arith.index_cast %reduce_sum3A_476 : i32 to index
          %swap3A_486 = arith.constant 0 : index
          %swap3A_487 = tpu.vector_load %arg7[%swap3A_485, %swap3A_486] {strides = array<i32>} : memref<5x128xf32, #tpu.memory_space<vmem>>, vector<16xf32>,
          tpu.vector_store %arg7[%swap3A_485, %swap3A_486], %add3A_484 {strides = array<i32>} : memref<5x128xf32, #tpu.memory_space<vmem>>, vector<16xf32>,
          %get3A_488 = arith.index_cast %reduce_sum3A_476 : i32 to index
          %get3A_489 = arith.constant 16 : index
          %get3A_490 = tpu.vector_load %arg7[%get3A_488, %get3A_489] {strides = array<i32>} : memref<5x128xf32, #tpu.memory_space<vmem>>, vector<16xf32>,
          %get3A_491 = arith.index_cast %rem3A_324 : i32 to index
          %get3A_492 = arith.index_cast %reduce_sum3A_467 : i32 to index
          %get3A_493 = arith.constant 16 : index
          %get3A_494 = tpu.vector_load %arg13[%get3A_491, %get3A_492, %get3A_493] {strides = array<i32>} : memref<2x16x128xf32, #tpu.memory_space<vmem>>, vector<16xf32>,
          %add3A_495 = arith.addf %get3A_490, %get3A_494 : vector<16xf32>
          %swap3A_496 = arith.index_cast %reduce_sum3A_476 : i32 to index
          %swap3A_497 = arith.constant 16 : index
          %swap3A_498 = tpu.vector_load %arg7[%swap3A_496, %swap3A_497] {strides = array<i32>} : memref<5x128xf32, #tpu.memory_space<vmem>>, vector<16xf32>,
          tpu.vector_store %arg7[%swap3A_496, %swap3A_497], %add3A_495 {strides = array<i32>} : memref<5x128xf32, #tpu.memory_space<vmem>>, vector<16xf32>,
          %get3A_499 = arith.index_cast %reduce_sum3A_476 : i32 to index
          %get3A_500 = arith.constant 32 : index
          %get3A_501 = tpu.vector_load %arg7[%get3A_499, %get3A_500] {strides = array<i32>} : memref<5x128xf32, #tpu.memory_space<vmem>>, vector<16xf32>,
          %get3A_502 = arith.index_cast %rem3A_324 : i32 to index
          %get3A_503 = arith.index_cast %reduce_sum3A_467 : i32 to index
          %get3A_504 = arith.constant 32 : index
          %get3A_505 = tpu.vector_load %arg13[%get3A_502, %get3A_503, %get3A_504] {strides = array<i32>} : memref<2x16x128xf32, #tpu.memory_space<vmem>>, vector<16xf32>,
          %add3A_506 = arith.addf %get3A_501, %get3A_505 : vector<16xf32>
          %swap3A_507 = arith.index_cast %reduce_sum3A_476 : i32 to index
          %swap3A_508 = arith.constant 32 : index
          %swap3A_509 = tpu.vector_load %arg7[%swap3A_507, %swap3A_508] {strides = array<i32>} : memref<5x128xf32, #tpu.memory_space<vmem>>, vector<16xf32>,
          tpu.vector_store %arg7[%swap3A_507, %swap3A_508], %add3A_506 {strides = array<i32>} : memref<5x128xf32, #tpu.memory_space<vmem>>, vector<16xf32>,
          %get3A_510 = arith.index_cast %reduce_sum3A_476 : i32 to index
          %get3A_511 = arith.constant 48 : index
          %get3A_512 = tpu.vector_load %arg7[%get3A_510, %get3A_511] {strides = array<i32>} : memref<5x128xf32, #tpu.memory_space<vmem>>, vector<16xf32>,
          %get3A_513 = arith.index_cast %rem3A_324 : i32 to index
          %get3A_514 = arith.index_cast %reduce_sum3A_467 : i32 to index
          %get3A_515 = arith.constant 48 : index
          %get3A_516 = tpu.vector_load %arg13[%get3A_513, %get3A_514, %get3A_515] {strides = array<i32>} : memref<2x16x128xf32, #tpu.memory_space<vmem>>, vector<16xf32>,
          %add3A_517 = arith.addf %get3A_512, %get3A_516 : vector<16xf32>
          %swap3A_518 = arith.index_cast %reduce_sum3A_476 : i32 to index
          %swap3A_519 = arith.constant 48 : index
          %swap3A_520 = tpu.vector_load %arg7[%swap3A_518, %swap3A_519] {strides = array<i32>} : memref<5x128xf32, #tpu.memory_space<vmem>>, vector<16xf32>,
          tpu.vector_store %arg7[%swap3A_518, %swap3A_519], %add3A_517 {strides = array<i32>} : memref<5x128xf32, #tpu.memory_space<vmem>>, vector<16xf32>,
          %get3A_521 = arith.index_cast %reduce_sum3A_476 : i32 to index
          %get3A_522 = arith.constant 64 : index
          %get3A_523 = tpu.vector_load %arg7[%get3A_521, %get3A_522] {strides = array<i32>} : memref<5x128xf32, #tpu.memory_space<vmem>>, vector<16xf32>,
          %get3A_524 = arith.index_cast %rem3A_324 : i32 to index
          %get3A_525 = arith.index_cast %reduce_sum3A_467 : i32 to index
          %get3A_526 = arith.constant 64 : index
          %get3A_527 = tpu.vector_load %arg13[%get3A_524, %get3A_525, %get3A_526] {strides = array<i32>} : memref<2x16x128xf32, #tpu.memory_space<vmem>>, vector<16xf32>,
          %add3A_528 = arith.addf %get3A_523, %get3A_527 : vector<16xf32>
          %swap3A_529 = arith.index_cast %reduce_sum3A_476 : i32 to index
          %swap3A_530 = arith.constant 64 : index
          %swap3A_531 = tpu.vector_load %arg7[%swap3A_529, %swap3A_530] {strides = array<i32>} : memref<5x128xf32, #tpu.memory_space<vmem>>, vector<16xf32>,
          tpu.vector_store %arg7[%swap3A_529, %swap3A_530], %add3A_528 {strides = array<i32>} : memref<5x128xf32, #tpu.memory_space<vmem>>, vector<16xf32>,
          %get3A_532 = arith.index_cast %reduce_sum3A_476 : i32 to index
          %get3A_533 = arith.constant 80 : index
          %get3A_534 = tpu.vector_load %arg7[%get3A_532, %get3A_533] {strides = array<i32>} : memref<5x128xf32, #tpu.memory_space<vmem>>, vector<16xf32>,
          %get3A_535 = arith.index_cast %rem3A_324 : i32 to index
          %get3A_536 = arith.index_cast %reduce_sum3A_467 : i32 to index
          %get3A_537 = arith.constant 80 : index
          %get3A_538 = tpu.vector_load %arg13[%get3A_535, %get3A_536, %get3A_537] {strides = array<i32>} : memref<2x16x128xf32, #tpu.memory_space<vmem>>, vector<16xf32>,
          %add3A_539 = arith.addf %get3A_534, %get3A_538 : vector<16xf32>
          %swap3A_540 = arith.index_cast %reduce_sum3A_476 : i32 to index
          %swap3A_541 = arith.constant 80 : index
          %swap3A_542 = tpu.vector_load %arg7[%swap3A_540, %swap3A_541] {strides = array<i32>} : memref<5x128xf32, #tpu.memory_space<vmem>>, vector<16xf32>,
          tpu.vector_store %arg7[%swap3A_540, %swap3A_541], %add3A_539 {strides = array<i32>} : memref<5x128xf32, #tpu.memory_space<vmem>>, vector<16xf32>,
          %get3A_543 = arith.index_cast %reduce_sum3A_476 : i32 to index
          %get3A_544 = arith.constant 96 : index
          %get3A_545 = tpu.vector_load %arg7[%get3A_543, %get3A_544] {strides = array<i32>} : memref<5x128xf32, #tpu.memory_space<vmem>>, vector<16xf32>,
          %get3A_546 = arith.index_cast %rem3A_324 : i32 to index
          %get3A_547 = arith.index_cast %reduce_sum3A_467 : i32 to index
          %get3A_548 = arith.constant 96 : index
          %get3A_549 = tpu.vector_load %arg13[%get3A_546, %get3A_547, %get3A_548] {strides = array<i32>} : memref<2x16x128xf32, #tpu.memory_space<vmem>>, vector<16xf32>,
          %add3A_550 = arith.addf %get3A_545, %get3A_549 : vector<16xf32>
          %swap3A_551 = arith.index_cast %reduce_sum3A_476 : i32 to index
          %swap3A_552 = arith.constant 96 : index
          %swap3A_553 = tpu.vector_load %arg7[%swap3A_551, %swap3A_552] {strides = array<i32>} : memref<5x128xf32, #tpu.memory_space<vmem>>, vector<16xf32>,
          tpu.vector_store %arg7[%swap3A_551, %swap3A_552], %add3A_550 {strides = array<i32>} : memref<5x128xf32, #tpu.memory_space<vmem>>, vector<16xf32>,
          %get3A_554 = arith.index_cast %reduce_sum3A_476 : i32 to index
          %get3A_555 = arith.constant 112 : index
          %get3A_556 = tpu.vector_load %arg7[%get3A_554, %get3A_555] {strides = array<i32>} : memref<5x128xf32, #tpu.memory_space<vmem>>, vector<16xf32>,
          %get3A_557 = arith.index_cast %rem3A_324 : i32 to index
          %get3A_558 = arith.index_cast %reduce_sum3A_467 : i32 to index
          %get3A_559 = arith.constant 112 : index
          %get3A_560 = tpu.vector_load %arg13[%get3A_557, %get3A_558, %get3A_559] {strides = array<i32>} : memref<2x16x128xf32, #tpu.memory_space<vmem>>, vector<16xf32>,
          %add3A_561 = arith.addf %get3A_556, %get3A_560 : vector<16xf32>
          %swap3A_562 = arith.index_cast %reduce_sum3A_476 : i32 to index
          %swap3A_563 = arith.constant 112 : index
          %swap3A_564 = tpu.vector_load %arg7[%swap3A_562, %swap3A_563] {strides = array<i32>} : memref<5x128xf32, #tpu.memory_space<vmem>>, vector<16xf32>,
          tpu.vector_store %arg7[%swap3A_562, %swap3A_563], %add3A_561 {strides = array<i32>} : memref<5x128xf32, #tpu.memory_space<vmem>>, vector<16xf32>,
          %get3A_565 = arith.constant 0 : index
          %get3A_566 = tpu.vector_load %arg8[%get3A_565] {strides = array<i32>} : memref<16xf32, #tpu.memory_space<vmem>>, vector<16xf32>,
          %eq3A_567 = vector.broadcast %reduce_sum3A_476 : i32 to vector<16xi32>
          %eq3A_568 = arith.cmpi eq, %iota3A, %eq3A_567 : vector<16xi32>
          %jit3A_569 = arith.constant 1.000000e+00 : f32
          %jit3A_570 = arith.constant 0.000000e+00 : f32
          %broadcast_in_dim3A_571 = vector.broadcast %jit3A_569 : f32 to vector<16xf32>
          %broadcast_in_dim3A_572 = vector.broadcast %jit3A_570 : f32 to vector<16xf32>
          %select_n3A_573 = arith.select %eq3A_568, %broadcast_in_dim3A_571, %broadcast_in_dim3A_572 : vector<16xi1>, vector<16xf32>
          %add3A_574 = arith.addf %get3A_566, %select_n3A_573 : vector<16xf32>
          %swap3A_575 = arith.constant 0 : index
          %swap3A_576 = tpu.vector_load %arg8[%swap3A_575] {strides = array<i32>} : memref<16xf32, #tpu.memory_space<vmem>>, vector<16xf32>,
          tpu.vector_store %arg8[%swap3A_575], %add3A_574 {strides = array<i32>} : memref<16xf32, #tpu.memory_space<vmem>>, vector<16xf32>,
          %eq3A_577 = vector.broadcast %reduce_sum3A_467 : i32 to vector<16xi32>
          %eq3A_578 = arith.cmpi eq, %iota3A, %eq3A_577 : vector<16xi32>
          %jit3A_579 = arith.constant 0 : i32
          %broadcast_in_dim3A_580 = vector.broadcast %jit3A_579 : i32 to vector<16xi32>
          %select_n3A_581 = arith.select %eq3A_578, %broadcast_in_dim3A_580, %while3A_454 : vector<16xi1>, vector<16xi32>
          scf.yield %select_n3A_581 : vector<16xi32>
        }
      }
    } else {
    }
    %mul3A_229 = arith.constant 5 : i32
    %mul3A_230 = arith.muli %add3A, %mul3A_229 : i32
    "tpu.region"() ({
      %run_scoped3A_233 = tpu.sem_alloc : memref<!tpu.dma_semaphore, #tpu.memory_space<semaphore_mem>>
      %dma_start3A = arith.constant 0 : i32
      %dma_start3A_234 = tpu.memref_slice %arg5[%mul3A_230, %dma_start3A] : memref<192x128xf32, #tpu.memory_space<hbm>> -> memref<5x128xf32, #tpu.memory_space<hbm>>
      %dma_start3A_235 = arith.constant 0 : i32
      %dma_start3A_236 = tpu.memref_slice %arg5[%mul3A_230, %dma_start3A_235] : memref<192x128xf32, #tpu.memory_space<hbm>> -> memref<5x128xf32, #tpu.memory_space<hbm>>
      tpu.enqueue_dma source(%arg7 : memref<5x128xf32, #tpu.memory_space<vmem>>) target(%dma_start3A_236 : memref<5x128xf32, #tpu.memory_space<hbm>>) target_semaphore(%run_scoped3A_233 : memref<!tpu.dma_semaphore, #tpu.memory_space<semaphore_mem>>)
      %dma_wait3A = arith.constant 0 : i32
      %dma_wait3A_237 = tpu.memref_slice %arg5[%mul3A_230, %dma_wait3A] : memref<192x128xf32, #tpu.memory_space<hbm>> -> memref<5x128xf32, #tpu.memory_space<hbm>>
      %dma_wait3A_238 = arith.constant 0 : i32
      %dma_wait3A_239 = tpu.memref_slice %arg5[%mul3A_230, %dma_wait3A_238] : memref<192x128xf32, #tpu.memory_space<hbm>> -> memref<5x128xf32, #tpu.memory_space<hbm>>
      tpu.wait_dma2 semaphore(%run_scoped3A_233 : memref<!tpu.dma_semaphore, #tpu.memory_space<semaphore_mem>>) src(%arg7 : memref<5x128xf32, #tpu.memory_space<vmem>>) dst(%dma_wait3A_239 : memref<5x128xf32, #tpu.memory_space<hbm>>)
      tpu.yield
    }) : () -> ()
    %add3A_231 = arith.constant 160 : i32
    %add3A_232 = arith.addi %add3A_231, %add3A : i32
    "tpu.region"() ({
      %run_scoped3A_233 = tpu.sem_alloc : memref<!tpu.dma_semaphore, #tpu.memory_space<semaphore_mem>>
      %dma_start3A = arith.constant 0 : i32
      %dma_start3A_234 = tpu.memref_slice %arg5[%add3A_232, %dma_start3A] : memref<192x128xf32, #tpu.memory_space<hbm>> -> memref<1x16xf32, #tpu.memory_space<hbm>>
      %dma_start3A_235 = tpu.memref_squeeze %dma_start3A_234 : memref<1x16xf32, #tpu.memory_space<hbm>> -> memref<16xf32, #tpu.memory_space<hbm>>
      %dma_start3A_236 = arith.constant 0 : i32
      %dma_start3A_237 = tpu.memref_slice %arg5[%add3A_232, %dma_start3A_236] : memref<192x128xf32, #tpu.memory_space<hbm>> -> memref<1x16xf32, #tpu.memory_space<hbm>>
      %dma_start3A_238 = tpu.memref_squeeze %dma_start3A_237 : memref<1x16xf32, #tpu.memory_space<hbm>> -> memref<16xf32, #tpu.memory_space<hbm>>
      tpu.enqueue_dma source(%arg8 : memref<16xf32, #tpu.memory_space<vmem>>) target(%dma_start3A_238 : memref<16xf32, #tpu.memory_space<hbm>>) target_semaphore(%run_scoped3A_233 : memref<!tpu.dma_semaphore, #tpu.memory_space<semaphore_mem>>)
      %dma_wait3A = arith.constant 0 : i32
      %dma_wait3A_239 = tpu.memref_slice %arg5[%add3A_232, %dma_wait3A] : memref<192x128xf32, #tpu.memory_space<hbm>> -> memref<1x16xf32, #tpu.memory_space<hbm>>
      %dma_wait3A_240 = tpu.memref_squeeze %dma_wait3A_239 : memref<1x16xf32, #tpu.memory_space<hbm>> -> memref<16xf32, #tpu.memory_space<hbm>>
      %dma_wait3A_241 = arith.constant 0 : i32
      %dma_wait3A_242 = tpu.memref_slice %arg5[%add3A_232, %dma_wait3A_241] : memref<192x128xf32, #tpu.memory_space<hbm>> -> memref<1x16xf32, #tpu.memory_space<hbm>>
      %dma_wait3A_243 = tpu.memref_squeeze %dma_wait3A_242 : memref<1x16xf32, #tpu.memory_space<hbm>> -> memref<16xf32, #tpu.memory_space<hbm>>
      tpu.wait_dma2 semaphore(%run_scoped3A_233 : memref<!tpu.dma_semaphore, #tpu.memory_space<semaphore_mem>>) src(%arg8 : memref<16xf32, #tpu.memory_space<vmem>>) dst(%dma_wait3A_243 : memref<16xf32, #tpu.memory_space<hbm>>)
      tpu.yield
    }) : () -> ()
    return
  }
}

module attributes {stable_mosaic.version = 14 : i64} {
  func.func @_tc_dense(%arg0: i32, %arg1: memref<8x128xf32, #tpu.memory_space<vmem>>, %arg2: memref<128x128xf32, #tpu.memory_space<vmem>>, %arg3: memref<1x128xf32, #tpu.memory_space<vmem>>, %arg4: memref<5x128x128xf32, #tpu.memory_space<vmem>>, %arg5: memref<5x5xf32, #tpu.memory_space<vmem>>, %arg6: memref<192x128xf32, #tpu.memory_space<vmem>>, %arg7: memref<40000x128xf32, #tpu.memory_space<vmem>>, %arg8: memref<1x40000xf32, #tpu.memory_space<vmem>>, %arg9: memref<20000x128xf32, #tpu.memory_space<vmem>>, %arg10: memref<1x20000xf32, #tpu.memory_space<vmem>>, %arg11: memref<40000xf32, #tpu.memory_space<vmem>>, %arg12: memref<20000xf32, #tpu.memory_space<vmem>>) attributes {dimension_semantics = [#tpu.dimension_semantics<arbitrary>], iteration_bounds = array<i64: 1>, scalar_prefetch = 0 : i64, scratch_operands = 0 : i64, tpu.core_type = #tpu.core_type<tc>, window_params = [{transform_indices = @transform_0, window_bounds = array<i64: 8, 128>}, {pipeline_mode = #tpu.pipeline_mode<synchronous>, transform_indices = @transform_1, window_bounds = array<i64: 128, 128>}, {pipeline_mode = #tpu.pipeline_mode<synchronous>, transform_indices = @transform_2, window_bounds = array<i64: 1, 128>}, {pipeline_mode = #tpu.pipeline_mode<synchronous>, transform_indices = @transform_3, window_bounds = array<i64: 5, 128, 128>}, {pipeline_mode = #tpu.pipeline_mode<synchronous>, transform_indices = @transform_4, window_bounds = array<i64: 5, 5>}, {pipeline_mode = #tpu.pipeline_mode<synchronous>, transform_indices = @transform_5, window_bounds = array<i64: 192, 128>}, {pipeline_mode = #tpu.pipeline_mode<synchronous>, transform_indices = @transform_6, window_bounds = array<i64: 40000, 128>}, {pipeline_mode = #tpu.pipeline_mode<synchronous>, transform_indices = @transform_7, window_bounds = array<i64: 1, 40000>}, {pipeline_mode = #tpu.pipeline_mode<synchronous>, transform_indices = @transform_8, window_bounds = array<i64: 20000, 128>}, {pipeline_mode = #tpu.pipeline_mode<synchronous>, transform_indices = @transform_9, window_bounds = array<i64: 1, 20000>}, {pipeline_mode = #tpu.pipeline_mode<synchronous>, transform_indices = @transform_10, window_bounds = array<i64: 40000>}, {pipeline_mode = #tpu.pipeline_mode<synchronous>, transform_indices = @transform_11, window_bounds = array<i64: 20000>}]} {
    %get3A = arith.constant 0 : index
    %get3A_0 = arith.constant 0 : index
    %get3A_1 = vector.load %arg6[%get3A, %get3A_0] : memref<192x128xf32, #tpu.memory_space<vmem>>, vector<192x128xf32>
    %slice3A = vector.extract_strided_slice %get3A_1 {offsets = [0, 0], sizes = [160, 128], strides = [1, 1]} : vector<192x128xf32> to vector<160x128xf32>
    %reshape3A = vector.shape_cast %slice3A : vector<160x128xf32> to vector<32x5x128xf32>
    %reduce_sum3A = arith.constant dense<0.000000e+00> : vector<5x128xf32>
    %reduce_sum3A_2 = vector.multi_reduction <add>, %reshape3A, %reduce_sum3A [0] : vector<32x5x128xf32> to vector<5x128xf32>
    %slice3A_3 = vector.extract_strided_slice %get3A_1 {offsets = [160, 0], sizes = [32, 16], strides = [1, 1]} : vector<192x128xf32> to vector<32x16xf32>
    %reduce_sum3A_4 = arith.constant dense<0.000000e+00> : vector<16xf32>
    %reduce_sum3A_5 = vector.multi_reduction <add>, %slice3A_3, %reduce_sum3A_4 [0] : vector<32x16xf32> to vector<16xf32>
    %slice3A_6 = vector.extract_strided_slice %reduce_sum3A_5 {offsets = [0], sizes = [5], strides = [1]} : vector<16xf32> to vector<5xf32>
    %max3A = arith.constant 1.000000e+00 : f32
    %max3A_7 = vector.broadcast %max3A : f32 to vector<5xf32>
    %max3A_8 = arith.maximumf %slice3A_6, %max3A_7 : vector<5xf32>
    %reshape3A_9 = vector.shape_cast %max3A_8 : vector<5xf32> to vector<5x1xf32>
    %div3A = vector.broadcast %reshape3A_9 : vector<5x1xf32> to vector<5x128xf32>
    %div3A_10 = arith.divf %reduce_sum3A_2, %div3A : vector<5x128xf32>
    %get3A_11 = arith.constant 0 : index
    %get3A_12 = arith.constant 0 : index
    %get3A_13 = vector.load %arg5[%get3A_11, %get3A_12] : memref<5x5xf32, #tpu.memory_space<vmem>>, vector<5x5xf32>
    "tpu.trace_start"() <{level = 10 : i32, message = "rb,rd->bd"}> : () -> ()
    %dot_general3A = arith.constant dense<0.000000e+00> : vector<5x128xf32>
    %dot_general3A_14 = tpu.matmul %get3A_13, %div3A_10, %dot_general3A {dimension_numbers = #tpu.dot_dimension_numbers<[0], [0], [1], [1], [0, 1, 1, 1], [], []>, transpose_lhs_hint = false} : vector<5x5xf32>, vector<5x128xf32>, vector<5x128xf32> -> vector<5x128xf32>
    "tpu.trace_stop"() : () -> ()
    %get3A_15 = arith.constant 0 : index
    %get3A_16 = arith.constant 0 : index
    %get3A_17 = arith.constant 0 : index
    %get3A_18 = vector.load %arg4[%get3A_15, %get3A_16, %get3A_17] : memref<5x128x128xf32, #tpu.memory_space<vmem>>, vector<5x128x128xf32>
    %reshape3A_19 = vector.shape_cast %get3A_18 : vector<5x128x128xf32> to vector<640x128xf32>
    %reshape3A_20 = vector.shape_cast %dot_general3A_14 : vector<5x128xf32> to vector<1x640xf32>
    %dot_general3A_21 = arith.constant dense<0.000000e+00> : vector<1x128xf32>
    %dot_general3A_22 = tpu.matmul %reshape3A_20, %reshape3A_19, %dot_general3A_21 {dimension_numbers = #tpu.dot_dimension_numbers<[1], [0], [0], [1], [0, 0, 1, 1], [], []>, transpose_lhs_hint = false} : vector<1x640xf32>, vector<640x128xf32>, vector<1x128xf32> -> vector<1x128xf32>
    %get3A_23 = arith.constant 0 : index
    %get3A_24 = arith.constant 0 : index
    %get3A_25 = vector.load %arg1[%get3A_23, %get3A_24] : memref<8x128xf32, #tpu.memory_space<vmem>>, vector<1x128xf32>
    %get3A_26 = arith.constant 0 : index
    %get3A_27 = arith.constant 0 : index
    %get3A_28 = vector.load %arg2[%get3A_26, %get3A_27] : memref<128x128xf32, #tpu.memory_space<vmem>>, vector<128x128xf32>
    %dot_general3A_29 = arith.constant dense<0.000000e+00> : vector<1x128xf32>
    %dot_general3A_30 = tpu.matmul %get3A_25, %get3A_28, %dot_general3A_29 {dimension_numbers = #tpu.dot_dimension_numbers<[1], [0], [0], [1], [0, 0, 1, 1], [], []>, transpose_lhs_hint = false} : vector<1x128xf32>, vector<128x128xf32>, vector<1x128xf32> -> vector<1x128xf32>
    %get3A_31 = arith.constant 0 : index
    %get3A_32 = arith.constant 0 : index
    %get3A_33 = vector.load %arg3[%get3A_31, %get3A_32] : memref<1x128xf32, #tpu.memory_space<vmem>>, vector<1x128xf32>
    %add3A = arith.addf %dot_general3A_30, %get3A_33 : vector<1x128xf32>
    %add3A_34 = arith.addf %add3A, %dot_general3A_22 : vector<1x128xf32>
    %max3A_35 = arith.constant 0.000000e+00 : f32
    %max3A_36 = vector.broadcast %max3A_35 : f32 to vector<1x128xf32>
    %max3A_37 = arith.maximumf %add3A_34, %max3A_36 : vector<1x128xf32>
    %get3A_38 = arith.constant 0 : index
    %get3A_39 = arith.constant 0 : index
    %get3A_40 = vector.load %arg7[%get3A_38, %get3A_39] : memref<40000x128xf32, #tpu.memory_space<vmem>>, vector<40000x128xf32>
    %dot_general3A_41 = arith.constant dense<0.000000e+00> : vector<1x40000xf32>
    %dot_general3A_42 = tpu.matmul %max3A_37, %get3A_40, %dot_general3A_41 {dimension_numbers = #tpu.dot_dimension_numbers<[1], [1], [0], [0], [0, 0, 1, 0], [], []>, transpose_lhs_hint = false} : vector<1x128xf32>, vector<40000x128xf32>, vector<1x40000xf32> -> vector<1x40000xf32>
    %get3A_43 = arith.constant 0 : index
    %get3A_44 = arith.constant 0 : index
    %get3A_45 = vector.load %arg8[%get3A_43, %get3A_44] : memref<1x40000xf32, #tpu.memory_space<vmem>>, vector<1x40000xf32>
    %add3A_46 = arith.addf %dot_general3A_42, %get3A_45 : vector<1x40000xf32>
    %reduce_max3A = vector.shape_cast %add3A_46 : vector<1x40000xf32> to vector<1x1x40000xf32>
    %reduce_max3A_47 = arith.constant dense<0xFF800000> : vector<1xf32>
    %reduce_max3A_48 = vector.multi_reduction <maximumf>, %reduce_max3A, %reduce_max3A_47 [1, 2] : vector<1x1x40000xf32> to vector<1xf32>
    %reduce_max3A_49 = vector.shape_cast %reduce_max3A_48 : vector<1xf32> to vector<1x1x1xf32>
    %reduce_max3A_50 = vector.extract %reduce_max3A_49[0, 0, 0] : f32 from vector<1x1x1xf32>
    %sub3A = vector.broadcast %reduce_max3A_50 : f32 to vector<1x40000xf32>
    %sub3A_51 = arith.subf %add3A_46, %sub3A : vector<1x40000xf32>
    %exp3A = math.exp %sub3A_51 : vector<1x40000xf32>
    %reduce_sum3A_52 = vector.shape_cast %exp3A : vector<1x40000xf32> to vector<1x1x40000xf32>
    %reduce_sum3A_53 = arith.constant dense<0.000000e+00> : vector<1xf32>
    %reduce_sum3A_54 = vector.multi_reduction <add>, %reduce_sum3A_52, %reduce_sum3A_53 [1, 2] : vector<1x1x40000xf32> to vector<1xf32>
    %reduce_sum3A_55 = vector.shape_cast %reduce_sum3A_54 : vector<1xf32> to vector<1x1x1xf32>
    %reduce_sum3A_56 = vector.extract %reduce_sum3A_55[0, 0, 0] : f32 from vector<1x1x1xf32>
    %log3A = math.log %reduce_sum3A_56 : f32
    %sub3A_57 = vector.broadcast %reduce_max3A_50 : f32 to vector<1x40000xf32>
    %sub3A_58 = arith.subf %add3A_46, %sub3A_57 : vector<1x40000xf32>
    %sub3A_59 = vector.broadcast %log3A : f32 to vector<1x40000xf32>
    %sub3A_60 = arith.subf %sub3A_58, %sub3A_59 : vector<1x40000xf32>
    %reshape3A_61 = vector.shape_cast %sub3A_60 : vector<1x40000xf32> to vector<40000xf32>
    %swap3A = arith.constant 0 : index
    %swap3A_62 = vector.load %arg11[%swap3A] : memref<40000xf32, #tpu.memory_space<vmem>>, vector<40000xf32>
    tpu.vector_store %arg11[%swap3A], %reshape3A_61 {strides = array<i32>} : memref<40000xf32, #tpu.memory_space<vmem>>, vector<40000xf32>,
    %get3A_63 = arith.constant 0 : index
    %get3A_64 = arith.constant 0 : index
    %get3A_65 = vector.load %arg9[%get3A_63, %get3A_64] : memref<20000x128xf32, #tpu.memory_space<vmem>>, vector<20000x128xf32>
    %dot_general3A_66 = arith.constant dense<0.000000e+00> : vector<1x20000xf32>
    %dot_general3A_67 = tpu.matmul %max3A_37, %get3A_65, %dot_general3A_66 {dimension_numbers = #tpu.dot_dimension_numbers<[1], [1], [0], [0], [0, 0, 1, 0], [], []>, transpose_lhs_hint = false} : vector<1x128xf32>, vector<20000x128xf32>, vector<1x20000xf32> -> vector<1x20000xf32>
    %get3A_68 = arith.constant 0 : index
    %get3A_69 = arith.constant 0 : index
    %get3A_70 = vector.load %arg10[%get3A_68, %get3A_69] : memref<1x20000xf32, #tpu.memory_space<vmem>>, vector<1x20000xf32>
    %add3A_71 = arith.addf %dot_general3A_67, %get3A_70 : vector<1x20000xf32>
    %reduce_max3A_72 = vector.shape_cast %add3A_71 : vector<1x20000xf32> to vector<1x1x20000xf32>
    %reduce_max3A_73 = arith.constant dense<0xFF800000> : vector<1xf32>
    %reduce_max3A_74 = vector.multi_reduction <maximumf>, %reduce_max3A_72, %reduce_max3A_73 [1, 2] : vector<1x1x20000xf32> to vector<1xf32>
    %reduce_max3A_75 = vector.shape_cast %reduce_max3A_74 : vector<1xf32> to vector<1x1x1xf32>
    %reduce_max3A_76 = vector.extract %reduce_max3A_75[0, 0, 0] : f32 from vector<1x1x1xf32>
    %sub3A_77 = vector.broadcast %reduce_max3A_76 : f32 to vector<1x20000xf32>
    %sub3A_78 = arith.subf %add3A_71, %sub3A_77 : vector<1x20000xf32>
    %exp3A_79 = math.exp %sub3A_78 : vector<1x20000xf32>
    %reduce_sum3A_80 = vector.shape_cast %exp3A_79 : vector<1x20000xf32> to vector<1x1x20000xf32>
    %reduce_sum3A_81 = arith.constant dense<0.000000e+00> : vector<1xf32>
    %reduce_sum3A_82 = vector.multi_reduction <add>, %reduce_sum3A_80, %reduce_sum3A_81 [1, 2] : vector<1x1x20000xf32> to vector<1xf32>
    %reduce_sum3A_83 = vector.shape_cast %reduce_sum3A_82 : vector<1xf32> to vector<1x1x1xf32>
    %reduce_sum3A_84 = vector.extract %reduce_sum3A_83[0, 0, 0] : f32 from vector<1x1x1xf32>
    %log3A_85 = math.log %reduce_sum3A_84 : f32
    %sub3A_86 = vector.broadcast %reduce_max3A_76 : f32 to vector<1x20000xf32>
    %sub3A_87 = arith.subf %add3A_71, %sub3A_86 : vector<1x20000xf32>
    %sub3A_88 = vector.broadcast %log3A_85 : f32 to vector<1x20000xf32>
    %sub3A_89 = arith.subf %sub3A_87, %sub3A_88 : vector<1x20000xf32>
    %reshape3A_90 = vector.shape_cast %sub3A_89 : vector<1x20000xf32> to vector<20000xf32>
    %swap3A_91 = arith.constant 0 : index
    %swap3A_92 = vector.load %arg12[%swap3A_91] : memref<20000xf32, #tpu.memory_space<vmem>>, vector<20000xf32>
    tpu.vector_store %arg12[%swap3A_91], %reshape3A_90 {strides = array<i32>} : memref<20000xf32, #tpu.memory_space<vmem>>, vector<20000xf32>,
    return
  }
  func.func @transform_0(%arg0: i32) -> (i32, i32) {
    %c0_i32 = arith.constant 0 : i32
    %c0_i32_0 = arith.constant 0 : i32
    %c0_i32_1 = arith.constant 0 : i32
    return %c0_i32, %c0_i32_0 : i32, i32
  }
  func.func @transform_1(%arg0: i32) -> (i32, i32) {
    %c0_i32 = arith.constant 0 : i32
    %c0_i32_0 = arith.constant 0 : i32
    %c0_i32_1 = arith.constant 0 : i32
    return %c0_i32, %c0_i32_0 : i32, i32
  }
  func.func @transform_2(%arg0: i32) -> (i32, i32) {
    %c0_i32 = arith.constant 0 : i32
    %c0_i32_0 = arith.constant 0 : i32
    %c0_i32_1 = arith.constant 0 : i32
    return %c0_i32, %c0_i32_0 : i32, i32
  }
  func.func @transform_3(%arg0: i32) -> (i32, i32, i32) {
    %c0_i32 = arith.constant 0 : i32
    %c0_i32_0 = arith.constant 0 : i32
    %c0_i32_1 = arith.constant 0 : i32
    %c0_i32_2 = arith.constant 0 : i32
    return %c0_i32, %c0_i32_0, %c0_i32_1 : i32, i32, i32
  }
  func.func @transform_4(%arg0: i32) -> (i32, i32) {
    %c0_i32 = arith.constant 0 : i32
    %c0_i32_0 = arith.constant 0 : i32
    %c0_i32_1 = arith.constant 0 : i32
    return %c0_i32, %c0_i32_0 : i32, i32
  }
  func.func @transform_5(%arg0: i32) -> (i32, i32) {
    %c0_i32 = arith.constant 0 : i32
    %c0_i32_0 = arith.constant 0 : i32
    %c0_i32_1 = arith.constant 0 : i32
    return %c0_i32, %c0_i32_0 : i32, i32
  }
  func.func @transform_6(%arg0: i32) -> (i32, i32) {
    %c0_i32 = arith.constant 0 : i32
    %c0_i32_0 = arith.constant 0 : i32
    %c0_i32_1 = arith.constant 0 : i32
    return %c0_i32, %c0_i32_0 : i32, i32
  }
  func.func @transform_7(%arg0: i32) -> (i32, i32) {
    %c0_i32 = arith.constant 0 : i32
    %c0_i32_0 = arith.constant 0 : i32
    %c0_i32_1 = arith.constant 0 : i32
    return %c0_i32, %c0_i32_0 : i32, i32
  }
  func.func @transform_8(%arg0: i32) -> (i32, i32) {
    %c0_i32 = arith.constant 0 : i32
    %c0_i32_0 = arith.constant 0 : i32
    %c0_i32_1 = arith.constant 0 : i32
    return %c0_i32, %c0_i32_0 : i32, i32
  }
  func.func @transform_9(%arg0: i32) -> (i32, i32) {
    %c0_i32 = arith.constant 0 : i32
    %c0_i32_0 = arith.constant 0 : i32
    %c0_i32_1 = arith.constant 0 : i32
    return %c0_i32, %c0_i32_0 : i32, i32
  }
  func.func @transform_10(%arg0: i32) -> i32 {
    %c0_i32 = arith.constant 0 : i32
    %c0_i32_0 = arith.constant 0 : i32
    return %c0_i32 : i32
  }
  func.func @transform_11(%arg0: i32) -> i32 {
    %c0_i32 = arith.constant 0 : i32
    %c0_i32_0 = arith.constant 0 : i32
    return %c0_i32 : i32
  }
}

</mosaic_0001>

<sc_bundles>
// kernel: kernel.4.cloned.1.call-start
scs
__scs_entry_jumppad:
0x0: {  	(pc) =	sbr.rel $0x88, $3  }
0x1: {  	(tag) =	ssettag $0x0;
	lr =	simm.s32 $0x1  }
0x2: {  	[smem:$0x3F96] =	sst lr;
	_ =	strace $0xD0000000  }
0x3: {  	_ = 	snop  }
0x4: {  	_ = 	snop  }
0x5: {  	_ = 	snop  }
0x6: {  	_ = 	snop  }
0x7: {  	_ = 	snop  }
__scs_overlays_trampoline_lowered:
0x8: {  	[smem:$0x3FA5] =	sst s0  }
0x9: {  	[smem:$0x3FA6] =	sst s1  }
0xa: {  	[smem:$0x3FA7] =	sst s2  }
0xb: {  	[smem:$0x3FA8] =	sst s3  }
0xc: {  	[smem:$0x3FA9] =	sst s4  }
0xd: {  	[smem:$0x3FAA] =	sst s5  }
0xe: {  	[smem:$0x3FAB] =	sst s6  }
0xf: {  	[smem:$0x3FAC] =	sst s7  }
0x10: {  	[smem:$0x3FAD] =	sst s8  }
0x11: {  	[smem:$0x3FAE] =	sst s9;
	s0 =	simm.s32 @!p0 $0x0  }
0x12: {  	s1 =	sld [smem:$0x3F94];
	s0 =	simm.s32 @p0 $0x1  }
0x13: {  	[smem:$0x3FAF] =	sst s0;
	s0 =	simm.s32 @!p1 $0x0  }
0x14: {  	s2 =	sld [smem:$0x3F93];
	s0 =	simm.s32 @p1 $0x1  }
0x15: {  	[smem:$0x3FB0] =	sst s0;
	s0 =	simm.s32 @!p2 $0x0  }
0x16: {  	s3 =	sld [smem:$0x3FDB];
	s0 =	simm.s32 @p2 $0x1  }
0x17: {  	s4 =	simm.s32 $0x1BF5;
	[smem:$0x3FB2] =	sst s0  }
0x18: {  	s0 =	sld [smem:$0x3F95];
	_ =	swait.ge [sflag:s4], $0x0  }
0x19: {  	s7 =	sld [smem:$0x3F96]  }
0x1a: {  	s8 =	sadd.s32 $0xFFFFE003, lr  }
0x1b: {  	s9 =	sadd.s32 $0xFFFFFEF7, lr;
	s5 =	simm.s32 $0xFFFFFFFF;
	p2 =	slt.u32 s8, $0xFFFFF086  }
0x1c: {  	p1 =	slt.u32 s9, $0xF7A;
	s5 =	simm.s32 @!p2 $0x0  }
0x1d: {  	s5 =	simm.s32 @p1 $0x1;
	p0 =	seq.s32 s7, s2  }
0x1e: {  	s7 =	smul.u32 @!p0 $0xF7A, s2;
	p2 =	seq.s32 @!p0 s5, $0x0  }
0x1f: {  	s9 =	smul.u32 $0xF7A, s1;
	s8 =	simm.s32 @!p0 $0x1BF5;
	p2 =	por !p2, p0  }
0x20: {  	[sflag:s8] =	ssyncset.s32 @!p0 $0xFFFFF086;
	s6 =	sadd.s32 @!p0 s3, s7;
	s7 =	simm.s32 @!p0 $0x108  }
0x21: {  	s3 =	sadd.s32 s3, s9;
	s6 =	sadd.s32 @!p0 $0x88, s6;
	s7 =	simm.s32 @p2 $0x1082  }
0x22: {  	[simem:s7], [sflag:s8] =	dma.local @!p0 [hbm:s6], $0xF7A  }
0x23: {  	s9 =	sor.u32 $0xD0000000, s2;
	s6 =	simm.s32 $0x108;
	_ =	swait.ge @!p0 [sflag:s8], $0x0  }
0x24: {  	s3 =	sadd.s32 $0x88, s3;
	s6 =	simm.s32 @!p1 $0x1082;
	[sflag:s4] =	ssyncset.s32 $0xFFFFF086  }
0x25: {  	[simem:s6], [sflag:s4] =	dma.local [hbm:s3], $0xF7A  }
0x26: {  	[smem:$0x3F96] =	sst s1;
	(tag) =	ssettag s2;
	_ =	strace s9  }
0x27: {  	s1 =	sld [smem:$0x3FA6]  }
0x28: {  	s2 =	sld [smem:$0x3FA7]  }
0x29: {  	s4 =	sld [smem:$0x3FA9]  }
0x2a: {  	p0 =	seq.s32 s5, $0x0;
	s5 =	sld [smem:$0x3FAA]  }
0x2b: {  	s6 =	sld [smem:$0x3FAB]  }
0x2c: {  	s7 =	sld [smem:$0x3FAC]  }
0x2d: {  	s3 =	simm.s32 $0x108;
	s8 =	sld [smem:$0x3FAD]  }
0x2e: {  	s3 =	simm.s32 @!p0 $0x1082;
	s9 =	sld [smem:$0x3FAE]  }
0x2f: {  	lr =	sadd.s32 s0, s3;
	s0 =	sld [smem:$0x3FA5]  }
0x30: {  	s3 =	sld [smem:$0x3FA8]  }
0x31: {  	[smem:$0x3FB1] =	sst s10  }
0x32: {  	s10 =	sld [smem:$0x3FAF];
	_ =	sdelay $0x3  }
0x33: {  	p0 =	seq.s32 s10, $0x1;
	s10 =	sld [smem:$0x3FB1];
	_ =	sdelay $0x3  }
0x34: {  	[smem:$0x3FB1] =	sst s10  }
0x35: {  	s10 =	sld [smem:$0x3FB0];
	_ =	sdelay $0x3  }
0x36: {  	p1 =	seq.s32 s10, $0x1;
	s10 =	sld [smem:$0x3FB1];
	_ =	sdelay $0x3  }
0x37: {  	[smem:$0x3FB1] =	sst s10  }
0x38: {  	s10 =	sld [smem:$0x3FB2]  }
0x39: {  	_ = 	snop;
	(pc) =	sbr.ind lr, $3  }
0x3a: {  	_ = 	snop  }
0x3b: {  	_ = 	snop  }
0x3c: {  	p2 =	seq.s32 s10, $0x1;
	s10 =	sld [smem:$0x3FB1]  }
0x3d: {  	_ =	shalt  }
0x3e: {  	_ =	shalt  }
0x3f: {  	_ =	shalt  }
0x40: {  	_ =	shalt  }
0x41: {  	_ =	shalt  }
0x42: {  	_ =	shalt  }
0x43: {  	_ =	shalt  }
0x44: {  	_ =	shalt  }
0x45: {  	_ =	shalt  }
0x46: {  	_ =	shalt  }
0x47: {  	_ =	shalt  }
0x48: {  	_ =	shalt  }
0x49: {  	_ =	shalt  }
0x4a: {  	_ =	shalt  }
0x4b: {  	_ =	shalt  }
0x4c: {  	_ =	shalt  }
0x4d: {  	_ =	shalt  }
0x4e: {  	_ =	shalt  }
0x4f: {  	_ =	shalt  }
0x50: {  	_ =	shalt  }
0x51: {  	_ =	shalt  }
0x52: {  	_ =	shalt  }
0x53: {  	_ =	shalt  }
0x54: {  	_ =	shalt  }
0x55: {  	_ =	shalt  }
0x56: {  	_ =	shalt  }
0x57: {  	_ =	shalt  }
0x58: {  	_ =	shalt  }
0x59: {  	_ =	shalt  }
0x5a: {  	_ =	shalt  }
0x5b: {  	_ =	shalt  }
0x5c: {  	_ =	shalt  }
0x5d: {  	_ =	shalt  }
0x5e: {  	_ =	shalt  }
0x5f: {  	_ =	shalt  }
0x60: {  	_ =	shalt  }
0x61: {  	_ =	shalt  }
0x62: {  	_ =	shalt  }
0x63: {  	_ =	shalt  }
0x64: {  	_ =	shalt  }
0x65: {  	_ =	shalt  }
0x66: {  	_ =	shalt  }
0x67: {  	_ =	shalt  }
0x68: {  	_ =	shalt  }
0x69: {  	_ =	shalt  }
0x6a: {  	_ =	shalt  }
0x6b: {  	_ =	shalt  }
0x6c: {  	_ =	shalt  }
0x6d: {  	_ =	shalt  }
0x6e: {  	_ =	shalt  }
0x6f: {  	_ =	shalt  }
0x70: {  	_ =	shalt  }
0x71: {  	_ =	shalt  }
0x72: {  	_ =	shalt  }
0x73: {  	_ =	shalt  }
0x74: {  	_ =	shalt  }
0x75: {  	_ =	shalt  }
0x76: {  	_ =	shalt  }
0x77: {  	_ =	shalt  }
0x78: {  	_ =	shalt  }
0x79: {  	_ =	shalt  }
0x7a: {  	_ =	shalt  }
0x7b: {  	_ =	shalt  }
0x7c: {  	_ =	shalt  }
0x7d: {  	_ =	shalt  }
0x7e: {  	_ =	shalt  }
0x7f: {  	_ =	shalt  }
0x80: {  	_ =	shalt  }
0x81: {  	_ =	shalt  }
0x82: {  	_ =	shalt  }
0x83: {  	_ =	shalt  }
0x84: {  	_ =	shalt  }
0x85: {  	_ =	shalt  }
0x86: {  	_ =	shalt  }
0x87: {  	_ =	shalt  }
.Lfunc_end0:
.L_simem_size_0:
called_computation_lowered:
.L_overlay_start_0:
0x88: {  	s2 =	sld [smem:$0x3FD9]  }
0x89: {  	s3 =	sld [smem:$0x3FFE];
	_ =	sdelay $0x1  }
0x8a: {  	s1 =	srdreg.scid  }
0x8b: {  	s0 =	sand.u32 $0x1, s1  }
0x8c: {  	s15 =	sshll.u32 s0, $0xA;
	s2 =	sadd.s32 s3, s2  }
0x8d: {  	s2 =	sadd.s32 s2, s15  }
0x8e: {  	[smem:$0x3FBD] =	sst s2  }
0x8f: {  	_ = 	snop  }
0x90: {  	s2 =	sld [smem:$0x3FD0]  }
0x91: {  	s16 =	sld [smem:$0x3FC9]  }
0x92: {  	s4 =	sld [smem:$0x3FC8]  }
0x93: {  	s6 =	simm.s32 $0xA;
	s7 =	simm.s32 $0x10;
	s5 =	sld [smem:$0x3FC7]  }
0x94: {  	[smem:s7], [sflag:s6] =	dma.local [hbm:s2], $0x1  }
0x95: {  	_ =	swait.eq [sflag:s6], $0x1  }
0x96: {  	[sflag:s6] =	ssyncset.done $0x0  }
0x97: {  	[sflag:s6] =	ssyncadd.s32 $0xFFFFFFFF  }
0x98: {  	s17 =	sld [smem:$0x10];
	(tm) =	ssettm $0x1  }
0x99: {  	s18 =	sld [smem:$0x3FFB];
	_ =	sdelay $0x3  }
0x9a: {  	_ =	strace s18  }
0x9b: {  	s6 =	sld [smem:$0x3FFC];
	_ =	sdelay $0x3  }
0x9c: {  	_ =	strace s6  }
0x9d: {  	s6 =	sld [smem:$0x3FFD];
	_ =	sdelay $0x3  }
0x9e: {  	_ =	strace s6  }
0x9f: {  	_ =	strace $0x8FFFFFFF  }
0xa0: {  	s19 =	sld [smem:$0x3FDB];
	_ =	sdelay $0x1  }
0xa1: {  	s20 =	simm.s32 $_scs_section_size  }
0xa2: {  	s8 =	simm.s32 $_size__tile_overlayer_lowered;
	s9 =	simm.s32 $_tile_overlayer_lowered  }
0xa3: {  	s23 =	simm.s32 $0x1BFF;
	s22 =	sshll.u32 s9, $0x1;
	s6 =	sadd.s32 s20, s19  }
0xa4: {  	s10 =	simm.s32 $0x0;
	s21 =	sshll.u32 s8, $0x1;
	s8 =	sadd.s32 s22, s6  }
0xa5: {  	[timem:s10], [sflag:s23] =	dma.local [hbm:s8], s21  }
0xa6: {  	_ =	swait.ge [sflag:s23], s21  }
0xa7: {  	s7 =	ssub.s32 $0x0, s21;
	[sflag:s23] =	ssyncset.done $0x0  }
0xa8: {  	[sflag:s23] =	ssyncadd.s32 s7;
	_ =	sdelay $0x1  }
0xa9: {  	s24 =	simm.s32 $0x1B8B  }
0xaa: {  	_ =	swait.ge [sflag:s24], $0x1  }
0xab: {  	[sflag:s24] =	ssyncset.done $0x0  }
0xac: {  	s25 =	simm.s32 $0x1B8E;
	[sflag:s24] =	ssyncadd.s32 $0xFFFFFFFF  }
0xad: {  	s26 =	simm.s32 $execute0_lowered;
	[smem:$0x3FD2] =	sst s25  }
0xae: {  	s7 =	sshll.u32 s26, $0x1;
	_ =	strace $0x80000046;
	[dreg:$0x1] =	wrdreg $0xFFFFFFFF  }
0xaf: {  	s28 =	simm.s32 $_size_execute0_lowered;
	s6 =	sadd.s32 s6, s7;
	[dreg:$0x0] =	wrdreg $0x0  }
0xb0: {  	s7 =	sshll.u32 s28, $0x1;
	[dreg:$0x2] =	wrdreg s6  }
0xb1: {  	[dreg:$0x3] =	wrdreg s7  }
0xb2: {  	[dreg:$0x4] =	wrdreg $0xC0  }
0xb3: {  	_ =	task [dreg:s10], $0x5FFFF  }
0xb4: {  	[dreg:$0x1] =	wrdreg $0xFFFFFFFF  }
0xb5: {  	[dreg:$0x0] =	wrdreg $0x60  }
0xb6: {  	[dreg:$0x2] =	wrdreg s4  }
0xb7: {  	[dreg:$0x3] =	wrdreg s5  }
0xb8: {  	[dreg:$0x4] =	wrdreg s16  }
0xb9: {  	[dreg:$0x5] =	wrdreg s17  }
0xba: {  	[dreg:$0x6] =	wrdreg $0x9  }
0xbb: {  	_ =	task.clear_ibuf [dreg:s10], $0x7FFFF;
	_ =	strace $0x90000046  }
0xbc: {  	s29 =	simm.s32 $0x9;
	_ =	strace $0x80000048  }
0xbd: {  	_ =	swait.ge [sflag:s29], $0x1  }
0xbe: {  	[sflag:s29] =	ssyncadd.s32 $0xFFFFFFFF  }
0xbf: {  	_ =	strace $0x90000048  }
0xc0: {  	_ =	sfence  }
0xc1: {  	s30 =	sld [smem:$0x0];
	_ =	sdelay $0x2  }
0xc2: {  	s31 =	sshll.u32 s1, $0xD;
	s1 =	sshrl.u32 s1, $0x2  }
0xc3: {  	s3 =	sand.u32 $0x4000, s31;
	s1 =	sadd.s32 s1, s30  }
0xc4: {  	s0 =	sor.u32 s3, s0;
	s1 =	sshll.u32 s1, $0x11  }
0xc5: {  	s0 =	sor.u32 s1, s0  }
0xc6: {  	s0 =	sadd.s32 $0x8F2B, s0  }
0xc7: {  	[sflag:s0] =	ssyncadd.remote.s32 $0x1  }
0xc8: {  	_ =	sfence.sel $0xFFFF  }
0xc9: {  	[dreg:$0x0] =	wrdreg $0xFFFFFFFF;
	(pc) =	sbr.abs _section_cstart, $3  }
0xca: {  	[dreg:$0x1] =	wrdreg $0xFFFFFFFF  }
0xcb: {  	_ =	task.clear_ibuf [dreg:s10], $0x2FFFF;
	_ =	strace $0x9FFFFFFF  }
0xcc: {  	(tm) =	ssettm $0x7FFFFFFF  }
0xcd: {  	_ =	shalt  }
tec
execute0_lowered:
.L_overlay_start_1:
0x0: {  	(tag) =	ssettag $0x1  }
0x1: {  	s1 =	rddreg [dreg:$0x0]  }
0x2: {  	s2 =	rddreg [dreg:$0x1]  }
0x3: {  	s4 =	rddreg [dreg:$0x2];
	s3 =	srdreg.scid  }
0x4: {  	s0 =	stileid.u32;
	s8 =	rddreg [dreg:$0x3]  }
0x5: {  	s15 =	simm.s32 $0x51B0;
	s16 =	simm.s32 $0x51D0;
	s17 =	simm.s32 $0x2  }
0x6: {  	s18 =	simm.s32 $0x10;
	s19 =	simm.s32 $0x2780;
	s20 =	simm.s32 $0x2A00  }
0x7: {  	s21 =	simm.s32 $0x0;
	s6 =	sand.u32 $0x1, s3;
	s5 =	sshll.u32 s0, $0x1  }
0x8: {  	s7 =	sor.u32 s6, s5;
	s5 =	simm.s32 $0x0;
	s6 =	ssub.s32 $0x2, s6  }
0x9: {  	s9 =	smul.u32 $0x9C4, s7;
	[smem:$0x7FF] =	sst s5;
	s10 =	sshrl.u32 s6, $0x1  }
0xa: {  	s12 =	smul.u32 $0x50, s7;
	s13 =	sshll.u32 s7, $0x4;
	_ =	strace $0x80000047  }
0xb: {  	s10 =	ssub.s32 s6, s10;
	s31 =	sadd.s32 s13, s8;
	s13 =	simm.s32 $0x3  }
.Ltmp0:
0xc: {  	s11 =	sadd.s32 $0x9C4, s9;
	s6 =	sshrl.u32 s9, $0x5;
	(pc) =	sbr.rel .LBB2_1-.Ltmp0, $4  }
0xd: {  	s9 =	sand.u32 $0x1FFE0, s9;
	s8 =	sadd.s32 s8, s12;
	s10 =	smax.u32 s10, $0x1  }
0xe: {  	s12 =	simm.s32 $0x100;
	s11 =	sshrl.u32 s11, $0x5;
	s9 =	sadd.s32 s9, s1  }
0xf: {  	s14 =	ssub.s32 s11, s6;
	s7 =	sadd.s32 $0x10, s9;
	s9 =	sadd.s32 $0xA00, s31  }
0x10: {  	v0 =	vimm.f32 $0.0e+00;
	v1 =	vimm.s32 $0x0;
	v2 =	vlaneseq.u32;
	s11 =	simm.s32 $0x80;
	p0 =	sne.s32 s14, $0x4F;
	s14 =	simm.s32 $0x1  }
.LBB2_19:
0x11: {  	[hbm4b:s8+s5] =	stream.linear.scatter [tilespmem:s19], [sflag:$0x3], $0x280, $0x38;
	[tilespmem:$0x61F0] =	vst v63  }
0x12: {  	s21 =	sadd.s32 $0x1, s21;
	_ =	swait.ge [sflag:s13], $0x280  }
0x13: {  	p1 =	sne.s32 s21, s10;
	[sflag:s13] =	ssyncset.done $0x0  }
.Ltmp1:
0x14: {  	[sflag:s13] =	ssyncadd.s32 $0xFFFFFD80;
	(pc) =	sbr.rel @!p1 .LBB2_20-.Ltmp1, $4  }
0x15: {  	[hbm4b:s9+s5] =	stream.linear.scatter [tilespmem:s20], [sflag:$0x3], $0x10, $0x38;
	[tilespmem:$0x61F0] =	vst v63  }
0x16: {  	_ =	swait.ge [sflag:s13], $0x10  }
0x17: {  	[sflag:s13] =	ssyncset.done $0x0  }
0x18: {  	[sflag:s13] =	ssyncadd.s32 $0xFFFFFFF0  }
.LBB2_1:
0x19: {  	[tilespmem:s5], [sflag:$0x3] =	stream.strided.gather [hbm4b:s7+s11], $0x2780, s12, s11, $0x38;
	[tilespmem:$0x61F0] =	vst v63  }
0x1a: {  	_ =	swait.ge [sflag:s13], $0x2780  }
0x1b: {  	[sflag:s13] =	ssyncset.done $0x0  }
0x1c: {  	[sflag:s13] =	ssyncadd.s32 $0xFFFFD880  }
0x1d: {  	[tilespmem:$0x2780] =	vst v0  }
0x1e: {  	[tilespmem:$0x2790] =	vst v0  }
0x1f: {  	[tilespmem:$0x27A0] =	vst v0  }
0x20: {  	[tilespmem:$0x27B0] =	vst v0  }
0x21: {  	[tilespmem:$0x27C0] =	vst v0  }
0x22: {  	[tilespmem:$0x27D0] =	vst v0  }
0x23: {  	[tilespmem:$0x27E0] =	vst v0  }
0x24: {  	[tilespmem:$0x27F0] =	vst v0  }
0x25: {  	[tilespmem:$0x2800] =	vst v0  }
0x26: {  	[tilespmem:$0x2810] =	vst v0  }
0x27: {  	[tilespmem:$0x2820] =	vst v0  }
0x28: {  	[tilespmem:$0x2830] =	vst v0  }
0x29: {  	[tilespmem:$0x2840] =	vst v0  }
0x2a: {  	[tilespmem:$0x2850] =	vst v0  }
0x2b: {  	[tilespmem:$0x2860] =	vst v0  }
0x2c: {  	[tilespmem:$0x2870] =	vst v0  }
0x2d: {  	[tilespmem:$0x2880] =	vst v0  }
0x2e: {  	[tilespmem:$0x2890] =	vst v0  }
0x2f: {  	[tilespmem:$0x28A0] =	vst v0  }
0x30: {  	[tilespmem:$0x28B0] =	vst v0  }
0x31: {  	[tilespmem:$0x28C0] =	vst v0  }
0x32: {  	[tilespmem:$0x28D0] =	vst v0  }
0x33: {  	[tilespmem:$0x28E0] =	vst v0  }
0x34: {  	[tilespmem:$0x28F0] =	vst v0  }
0x35: {  	[tilespmem:$0x2900] =	vst v0  }
0x36: {  	[tilespmem:$0x2910] =	vst v0  }
0x37: {  	[tilespmem:$0x2920] =	vst v0  }
0x38: {  	[tilespmem:$0x2930] =	vst v0  }
0x39: {  	[tilespmem:$0x2940] =	vst v0  }
0x3a: {  	[tilespmem:$0x2950] =	vst v0  }
0x3b: {  	[tilespmem:$0x2960] =	vst v0  }
0x3c: {  	[tilespmem:$0x2970] =	vst v0  }
0x3d: {  	[tilespmem:$0x2980] =	vst v0  }
0x3e: {  	[tilespmem:$0x2990] =	vst v0  }
0x3f: {  	[tilespmem:$0x29A0] =	vst v0  }
0x40: {  	[tilespmem:$0x29B0] =	vst v0  }
.Ltmp2:
0x41: {  	[tilespmem:$0x29C0] =	vst v0;
	(pc) =	sbr.rel .LBB2_2-.Ltmp2, $4  }
0x42: {  	[tilespmem:$0x29D0] =	vst v0  }
0x43: {  	[tilespmem:$0x29E0] =	vst v0  }
0x44: {  	[tilespmem:$0x29F0] =	vst v0  }
0x45: {  	s22 =	simm.s32 $0x0;
	s23 =	simm.s32 $0x0;
	[tilespmem:$0x2A00] =	vst v0;
	[smem:$0x0] =	sst s5  }
.LBB2_9:
0x46: {  	s23 =	sadd.s32 $0x1, s23  }
0x47: {  	p1 =	sne.s32 s23, $0x6  }
.Ltmp3:
0x48: {  	_ = 	snop;
	(pc) =	sbr.rel @!p1 .LBB2_10-.Ltmp3, $2  }
0x49: {  	_ =	sdelay $0x2  }
0x4a: {  	s22 =	sadd.s32 $0x680, s22  }
.LBB2_2:
0x4b: {  	s24 =	smul.u32 $0x1A00, s23;
	_ =	sdelay $0x1  }
0x4c: {  	s24 =	sshra.s32 s24, $0x2  }
0x4d: {  	v3 =	vld [tilespmem:s24+$0x0]  }
0x4e: {  	v4 =	vld [tilespmem:s24+$0x10];
	_ =	sdelay $0x1  }
0x4f: {  	v5 =	vld [tilespmem:s24+$0x20];
	_ =	sdelay $0x1  }
0x50: {  	v6 =	vld [tilespmem:s24+$0x30]  }
0x51: {  	vm0 =	vlt.s32 v3, v4  }
0x52: {  	v19 =	vld [tilespmem:s24+$0x40];
	v3 =	vsel vm0, v3, v4  }
0x53: {  	vm0 =	vlt.s32 v3, v5  }
0x54: {  	v20 =	vld [tilespmem:s24+$0x50];
	v3 =	vsel vm0, v3, v5  }
0x55: {  	vm0 =	vlt.s32 v3, v6  }
0x56: {  	v21 =	vld [tilespmem:s24+$0x60];
	v3 =	vsel vm0, v3, v6  }
0x57: {  	vm0 =	vlt.s32 v3, v19  }
0x58: {  	v22 =	vld [tilespmem:s24+$0x70];
	v3 =	vsel vm0, v3, v19  }
0x59: {  	vm0 =	vlt.s32 v3, v20  }
0x5a: {  	v23 =	vld [tilespmem:s24+$0x80];
	v3 =	vsel vm0, v3, v20  }
0x5b: {  	vm0 =	vlt.s32 v3, v21  }
0x5c: {  	v24 =	vld [tilespmem:s24+$0x90];
	v3 =	vsel vm0, v3, v21  }
0x5d: {  	vm0 =	vlt.s32 v3, v22  }
0x5e: {  	v25 =	vld [tilespmem:s24+$0xA0];
	v3 =	vsel vm0, v3, v22  }
0x5f: {  	vm0 =	vlt.s32 v3, v23  }
0x60: {  	v26 =	vld [tilespmem:s24+$0xB0];
	v3 =	vsel vm0, v3, v23  }
0x61: {  	vm0 =	vlt.s32 v3, v24  }
0x62: {  	v27 =	vld [tilespmem:s24+$0xC0];
	v3 =	vsel vm0, v3, v24  }
0x63: {  	vm0 =	vlt.s32 v3, v25  }
0x64: {  	v28 =	vld [tilespmem:s24+$0xD0];
	v3 =	vsel vm0, v3, v25  }
0x65: {  	vm0 =	vlt.s32 v3, v26  }
0x66: {  	v29 =	vld [tilespmem:s24+$0xE0];
	v3 =	vsel vm0, v3, v26  }
0x67: {  	vm0 =	vlt.s32 v3, v27  }
0x68: {  	v30 =	vld [tilespmem:s24+$0xF0];
	v3 =	vsel vm0, v3, v27  }
0x69: {  	vm0 =	vlt.s32 v3, v28  }
0x6a: {  	v31 =	vld [tilespmem:s24+$0x100];
	v3 =	vsel vm0, v3, v28  }
0x6b: {  	vm0 =	vlt.s32 v3, v29  }
0x6c: {  	v32 =	vld [tilespmem:s24+$0x110];
	v3 =	vsel vm0, v3, v29  }
0x6d: {  	vm0 =	vlt.s32 v3, v30  }
0x6e: {  	v33 =	vld [tilespmem:s24+$0x120];
	v3 =	vsel vm0, v3, v30  }
0x6f: {  	vm0 =	vlt.s32 v3, v31  }
0x70: {  	v34 =	vld [tilespmem:s24+$0x130];
	v3 =	vsel vm0, v3, v31  }
0x71: {  	vm0 =	vlt.s32 v3, v32  }
0x72: {  	v35 =	vld [tilespmem:s24+$0x140];
	v3 =	vsel vm0, v3, v32  }
0x73: {  	vm0 =	vlt.s32 v3, v33  }
0x74: {  	v36 =	vld [tilespmem:s24+$0x150];
	v3 =	vsel vm0, v3, v33  }
0x75: {  	vm0 =	vlt.s32 v3, v34  }
0x76: {  	v37 =	vld [tilespmem:s24+$0x160];
	v3 =	vsel vm0, v3, v34  }
0x77: {  	vm0 =	vlt.s32 v3, v35  }
0x78: {  	v38 =	vld [tilespmem:s24+$0x170];
	v3 =	vsel vm0, v3, v35  }
0x79: {  	vm0 =	vlt.s32 v3, v36  }
0x7a: {  	v39 =	vld [tilespmem:s24+$0x180];
	v3 =	vsel vm0, v3, v36  }
0x7b: {  	vm0 =	vlt.s32 v3, v37  }
0x7c: {  	v40 =	vld [tilespmem:s24+$0x190];
	v3 =	vsel vm0, v3, v37  }
0x7d: {  	vm0 =	vlt.s32 v3, v38  }
0x7e: {  	v41 =	vld [tilespmem:s24+$0x1A0];
	v3 =	vsel vm0, v3, v38  }
0x7f: {  	vm0 =	vlt.s32 v3, v39  }
0x80: {  	v42 =	vld [tilespmem:s24+$0x1B0];
	v3 =	vsel vm0, v3, v39  }
0x81: {  	vm0 =	vlt.s32 v3, v40  }
0x82: {  	v43 =	vld [tilespmem:s24+$0x1C0];
	v3 =	vsel vm0, v3, v40  }
0x83: {  	vm0 =	vlt.s32 v3, v41  }
0x84: {  	v44 =	vld [tilespmem:s24+$0x1D0];
	v3 =	vsel vm0, v3, v41  }
0x85: {  	vm0 =	vlt.s32 v3, v42  }
0x86: {  	v45 =	vld [tilespmem:s24+$0x1E0];
	v3 =	vsel vm0, v3, v42  }
0x87: {  	vm0 =	vlt.s32 v3, v43  }
0x88: {  	v46 =	vld [tilespmem:s24+$0x1F0];
	v3 =	vsel vm0, v3, v43  }
0x89: {  	vm0 =	vlt.s32 v3, v44  }
0x8a: {  	v47 =	vld [tilespmem:s24+$0x200];
	v3 =	vsel vm0, v3, v44  }
0x8b: {  	vm0 =	vlt.s32 v3, v45  }
0x8c: {  	v48 =	vld [tilespmem:s24+$0x210];
	v3 =	vsel vm0, v3, v45  }
0x8d: {  	vm0 =	vlt.s32 v3, v46  }
0x8e: {  	v49 =	vld [tilespmem:s24+$0x220];
	v3 =	vsel vm0, v3, v46  }
0x8f: {  	vm0 =	vlt.s32 v3, v47  }
0x90: {  	v50 =	vld [tilespmem:s24+$0x230];
	v3 =	vsel vm0, v3, v47  }
0x91: {  	vm0 =	vlt.s32 v3, v48  }
0x92: {  	v51 =	vld [tilespmem:s24+$0x240];
	v3 =	vsel vm0, v3, v48  }
0x93: {  	vm0 =	vlt.s32 v3, v49  }
0x94: {  	v52 =	vld [tilespmem:s24+$0x250];
	v3 =	vsel vm0, v3, v49  }
0x95: {  	vm0 =	vlt.s32 v3, v50  }
0x96: {  	v53 =	vld [tilespmem:s24+$0x260];
	v3 =	vsel vm0, v3, v50  }
0x97: {  	vm0 =	vlt.s32 v3, v51  }
0x98: {  	v54 =	vld [tilespmem:s24+$0x270];
	v3 =	vsel vm0, v3, v51  }
0x99: {  	vm0 =	vlt.s32 v3, v52  }
0x9a: {  	v55 =	vld [tilespmem:s24+$0x280];
	v3 =	vsel vm0, v3, v52  }
0x9b: {  	vm0 =	vlt.s32 v3, v53  }
0x9c: {  	v56 =	vld [tilespmem:s24+$0x290];
	v3 =	vsel vm0, v3, v53  }
0x9d: {  	vm0 =	vlt.s32 v3, v54  }
0x9e: {  	v57 =	vld [tilespmem:s24+$0x2A0];
	v3 =	vsel vm0, v3, v54  }
0x9f: {  	vm0 =	vlt.s32 v3, v55  }
0xa0: {  	v58 =	vld [tilespmem:s24+$0x2B0];
	v3 =	vsel vm0, v3, v55  }
0xa1: {  	vm0 =	vlt.s32 v3, v56  }
0xa2: {  	v59 =	vld [tilespmem:s24+$0x2C0];
	v3 =	vsel vm0, v3, v56  }
0xa3: {  	vm0 =	vlt.s32 v3, v57  }
0xa4: {  	v60 =	vld [tilespmem:s24+$0x2D0];
	v3 =	vsel vm0, v3, v57  }
0xa5: {  	vm0 =	vlt.s32 v3, v58  }
0xa6: {  	v61 =	vld [tilespmem:s24+$0x2E0];
	v3 =	vsel vm0, v3, v58  }
0xa7: {  	vm0 =	vlt.s32 v3, v59  }
0xa8: {  	v62 =	vld [tilespmem:s24+$0x2F0];
	v3 =	vsel vm0, v3, v59  }
0xa9: {  	vm0 =	vlt.s32 v3, v60  }
0xaa: {  	v63 =	vld [tilespmem:s24+$0x300];
	v3 =	vsel vm0, v3, v60  }
0xab: {  	vm0 =	vlt.s32 v3, v61  }
0xac: {  	v9 =	vld [tilespmem:s24+$0x310];
	v3 =	vsel vm0, v3, v61  }
0xad: {  	vm0 =	vlt.s32 v3, v62  }
0xae: {  	v10 =	vld [tilespmem:s24+$0x320];
	v3 =	vsel vm0, v3, v62  }
0xaf: {  	vm0 =	vlt.s32 v3, v63  }
0xb0: {  	v11 =	vld [tilespmem:s24+$0x330];
	v3 =	vsel vm0, v3, v63  }
0xb1: {  	vm0 =	vlt.s32 v3, v9  }
0xb2: {  	v12 =	vld [tilespmem:s24+$0x340];
	v3 =	vsel vm0, v3, v9  }
0xb3: {  	vm0 =	vlt.s32 v3, v10  }
0xb4: {  	v13 =	vld [tilespmem:s24+$0x350];
	v3 =	vsel vm0, v3, v10  }
0xb5: {  	vm0 =	vlt.s32 v3, v11  }
0xb6: {  	v14 =	vld [tilespmem:s24+$0x360];
	v3 =	vsel vm0, v3, v11  }
0xb7: {  	vm0 =	vlt.s32 v3, v12  }
0xb8: {  	v15 =	vld [tilespmem:s24+$0x370];
	v3 =	vsel vm0, v3, v12  }
0xb9: {  	vm0 =	vlt.s32 v3, v13  }
0xba: {  	v16 =	vld [tilespmem:s24+$0x380];
	v3 =	vsel vm0, v3, v13  }
0xbb: {  	vm0 =	vlt.s32 v3, v14  }
0xbc: {  	v17 =	vld [tilespmem:s24+$0x390];
	v3 =	vsel vm0, v3, v14  }
0xbd: {  	vm0 =	vlt.s32 v3, v15  }
0xbe: {  	v18 =	vld [tilespmem:s24+$0x3A0];
	v3 =	vsel vm0, v3, v15  }
0xbf: {  	vm0 =	vlt.s32 v3, v16  }
0xc0: {  	v19 =	vld [tilespmem:s24+$0x3B0];
	v3 =	vsel vm0, v3, v16  }
0xc1: {  	vm0 =	vlt.s32 v3, v17  }
0xc2: {  	v20 =	vld [tilespmem:s24+$0x3C0];
	v3 =	vsel vm0, v3, v17  }
0xc3: {  	vm0 =	vlt.s32 v3, v18  }
0xc4: {  	v21 =	vld [tilespmem:s24+$0x3D0];
	v3 =	vsel vm0, v3, v18  }
0xc5: {  	vm0 =	vlt.s32 v3, v19  }
0xc6: {  	v22 =	vld [tilespmem:s24+$0x3E0];
	v3 =	vsel vm0, v3, v19  }
0xc7: {  	vm0 =	vlt.s32 v3, v20  }
0xc8: {  	v23 =	vld [tilespmem:s24+$0x3F0];
	v3 =	vsel vm0, v3, v20  }
0xc9: {  	vm0 =	vlt.s32 v3, v21  }
0xca: {  	v24 =	vld [tilespmem:s24+$0x400];
	v3 =	vsel vm0, v3, v21  }
0xcb: {  	vm0 =	vlt.s32 v3, v22  }
0xcc: {  	v25 =	vld [tilespmem:s24+$0x410];
	v3 =	vsel vm0, v3, v22  }
0xcd: {  	vm0 =	vlt.s32 v3, v23  }
0xce: {  	v26 =	vld [tilespmem:s24+$0x420];
	v3 =	vsel vm0, v3, v23  }
0xcf: {  	vm0 =	vlt.s32 v3, v24  }
0xd0: {  	v27 =	vld [tilespmem:s24+$0x430];
	v3 =	vsel vm0, v3, v24  }
0xd1: {  	vm0 =	vlt.s32 v3, v25  }
0xd2: {  	v28 =	vld [tilespmem:s24+$0x440];
	v3 =	vsel vm0, v3, v25  }
0xd3: {  	vm0 =	vlt.s32 v3, v26  }
0xd4: {  	v29 =	vld [tilespmem:s24+$0x450];
	v3 =	vsel vm0, v3, v26  }
0xd5: {  	vm0 =	vlt.s32 v3, v27  }
0xd6: {  	v30 =	vld [tilespmem:s24+$0x460];
	v3 =	vsel vm0, v3, v27  }
0xd7: {  	vm0 =	vlt.s32 v3, v28  }
0xd8: {  	v31 =	vld [tilespmem:s24+$0x470];
	v3 =	vsel vm0, v3, v28  }
0xd9: {  	vm0 =	vlt.s32 v3, v29  }
0xda: {  	v32 =	vld [tilespmem:s24+$0x480];
	v3 =	vsel vm0, v3, v29  }
0xdb: {  	vm0 =	vlt.s32 v3, v30  }
0xdc: {  	v33 =	vld [tilespmem:s24+$0x490];
	v3 =	vsel vm0, v3, v30  }
0xdd: {  	vm0 =	vlt.s32 v3, v31  }
0xde: {  	v34 =	vld [tilespmem:s24+$0x4A0];
	v3 =	vsel vm0, v3, v31  }
0xdf: {  	vm0 =	vlt.s32 v3, v32  }
0xe0: {  	v35 =	vld [tilespmem:s24+$0x4B0];
	v3 =	vsel vm0, v3, v32  }
0xe1: {  	vm0 =	vlt.s32 v3, v33  }
0xe2: {  	v36 =	vld [tilespmem:s24+$0x4C0];
	v3 =	vsel vm0, v3, v33  }
0xe3: {  	vm0 =	vlt.s32 v3, v34  }
0xe4: {  	v37 =	vld [tilespmem:s24+$0x4D0];
	v3 =	vsel vm0, v3, v34  }
0xe5: {  	vm0 =	vlt.s32 v3, v35  }
0xe6: {  	v38 =	vld [tilespmem:s24+$0x4E0];
	v3 =	vsel vm0, v3, v35  }
0xe7: {  	vm0 =	vlt.s32 v3, v36  }
0xe8: {  	v39 =	vld [tilespmem:s24+$0x4F0];
	v3 =	vsel vm0, v3, v36  }
0xe9: {  	vm0 =	vlt.s32 v3, v37  }
0xea: {  	v40 =	vld [tilespmem:s24+$0x500];
	v3 =	vsel vm0, v3, v37  }
0xeb: {  	vm0 =	vlt.s32 v3, v38  }
0xec: {  	v41 =	vld [tilespmem:s24+$0x510];
	v3 =	vsel vm0, v3, v38  }
0xed: {  	vm0 =	vlt.s32 v3, v39  }
0xee: {  	v42 =	vld [tilespmem:s24+$0x520];
	v3 =	vsel vm0, v3, v39  }
0xef: {  	vm0 =	vlt.s32 v3, v40  }
0xf0: {  	v43 =	vld [tilespmem:s24+$0x530];
	v3 =	vsel vm0, v3, v40  }
0xf1: {  	vm0 =	vlt.s32 v3, v41  }
0xf2: {  	v44 =	vld [tilespmem:s24+$0x540];
	v3 =	vsel vm0, v3, v41  }
0xf3: {  	vm0 =	vlt.s32 v3, v42  }
0xf4: {  	v45 =	vld [tilespmem:s24+$0x550];
	v3 =	vsel vm0, v3, v42  }
0xf5: {  	vm0 =	vlt.s32 v3, v43  }
0xf6: {  	v46 =	vld [tilespmem:s24+$0x560];
	v3 =	vsel vm0, v3, v43  }
0xf7: {  	vm0 =	vlt.s32 v3, v44  }
0xf8: {  	v47 =	vld [tilespmem:s24+$0x570];
	v3 =	vsel vm0, v3, v44  }
0xf9: {  	vm0 =	vlt.s32 v3, v45  }
0xfa: {  	v48 =	vld [tilespmem:s24+$0x580];
	v3 =	vsel vm0, v3, v45  }
0xfb: {  	vm0 =	vlt.s32 v3, v46  }
0xfc: {  	v49 =	vld [tilespmem:s24+$0x590];
	v3 =	vsel vm0, v3, v46  }
0xfd: {  	vm0 =	vlt.s32 v3, v47  }
0xfe: {  	v50 =	vld [tilespmem:s24+$0x5A0];
	v3 =	vsel vm0, v3, v47  }
0xff: {  	vm0 =	vlt.s32 v3, v48  }
0x100: {  	v51 =	vld [tilespmem:s24+$0x5B0];
	v3 =	vsel vm0, v3, v48  }
0x101: {  	vm0 =	vlt.s32 v3, v49  }
0x102: {  	v52 =	vld [tilespmem:s24+$0x5C0];
	v3 =	vsel vm0, v3, v49  }
0x103: {  	vm0 =	vlt.s32 v3, v50  }
0x104: {  	v53 =	vld [tilespmem:s24+$0x5D0];
	v3 =	vsel vm0, v3, v50  }
0x105: {  	vm0 =	vlt.s32 v3, v51  }
0x106: {  	v54 =	vld [tilespmem:s24+$0x5E0];
	v3 =	vsel vm0, v3, v51  }
0x107: {  	vm0 =	vlt.s32 v3, v52  }
0x108: {  	v55 =	vld [tilespmem:s24+$0x5F0];
	v3 =	vsel vm0, v3, v52  }
0x109: {  	vm0 =	vlt.s32 v3, v53  }
0x10a: {  	v56 =	vld [tilespmem:s24+$0x600];
	v3 =	vsel vm0, v3, v53  }
0x10b: {  	vm0 =	vlt.s32 v3, v54  }
0x10c: {  	v57 =	vld [tilespmem:s24+$0x610];
	v3 =	vsel vm0, v3, v54  }
0x10d: {  	vm0 =	vlt.s32 v3, v55  }
0x10e: {  	v58 =	vld [tilespmem:s24+$0x620];
	v3 =	vsel vm0, v3, v55  }
0x10f: {  	vm0 =	vlt.s32 v3, v56  }
0x110: {  	v59 =	vld [tilespmem:s24+$0x630];
	v3 =	vsel vm0, v3, v56  }
0x111: {  	vm0 =	vlt.s32 v3, v57  }
0x112: {  	v60 =	vld [tilespmem:s24+$0x640];
	v3 =	vsel vm0, v3, v57  }
0x113: {  	vm0 =	vlt.s32 v3, v58  }
0x114: {  	v61 =	vld [tilespmem:s24+$0x650];
	v3 =	vsel vm0, v3, v58  }
0x115: {  	vm0 =	vlt.s32 v3, v59  }
0x116: {  	v62 =	vld [tilespmem:s24+$0x660];
	v3 =	vsel vm0, v3, v59  }
0x117: {  	vm0 =	vlt.s32 v3, v60  }
0x118: {  	v63 =	vld [tilespmem:s24+$0x670];
	v3 =	vsel vm0, v3, v60  }
0x119: {  	vm0 =	vlt.s32 v3, v61  }
0x11a: {  	v3 =	vsel vm0, v3, v61  }
0x11b: {  	vm0 =	vlt.s32 v3, v62  }
0x11c: {  	v3 =	vsel vm0, v3, v62  }
0x11d: {  	vm0 =	vlt.s32 v3, v63  }
0x11e: {  	v3 =	vsel vm0, v3, v63  }
0x11f: {  	vm0 =	veq.s32 v3, $0x0  }
0x120: {  	v3 =	vsel vm0, $0x1, v1  }
0x121: {  	(xrf0) =	vadd.scan.msk.s32 $0xffff, v3;
	_ =	sdelay $0x5  }
0x122: {  	v3, _, _ =	vpop (xrf0)  }
0x123: {  	(v2sf) =	vpush v3, $0xF;
	_ =	sdelay $0xe  }
0x124: {  	s31 =	spop (v2sf)  }
0x125: {  	p1 =	slt.s32 s31, $0x1  }
.Ltmp4:
0x126: {  	_ = 	snop;
	(pc) =	sbr.rel @p1 .LBB2_9-.Ltmp4, $1  }
0x127: {  	_ =	sdelay $0x3  }
.Ltmp5:
0x128: {  	(pc) =	sbr.rel .LBB2_4-.Ltmp5, $2  }
0x129: {  	_ =	sdelay $0x2  }
0x12a: {  	s24 =	smul.u32 $0xD, s23;
	s25 =	simm.s32 $0x0;
	s26 =	smov.u32 s22  }
.LBB2_8:
0x12b: {  	s25 =	sadd.s32 $0x1, s25  }
0x12c: {  	p1 =	sne.s32 s25, $0xD  }
.Ltmp6:
0x12d: {  	_ = 	snop;
	(pc) =	sbr.rel @!p1 .LBB2_9-.Ltmp6, $2  }
0x12e: {  	_ =	sdelay $0x2  }
0x12f: {  	s26 =	sadd.s32 $0x80, s26  }
.LBB2_4:
0x130: {  	_ = 	snop  }
0x131: {  	s28 =	sadd.s32 s24, s25  }
0x132: {  	s29 =	sshll.u32 s28, $0x7  }
0x133: {  	s29 =	sand.u32 $0x3FFFFF80, s29  }
0x134: {  	v3 =	vld [tilespmem:s29+$0x0]  }
0x135: {  	v4 =	vld [tilespmem:s29+$0x10];
	_ =	sdelay $0x1  }
0x136: {  	v5 =	vld [tilespmem:s29+$0x20];
	_ =	sdelay $0x1  }
0x137: {  	v6 =	vld [tilespmem:s29+$0x30]  }
0x138: {  	vm0 =	vlt.s32 v3, v4  }
0x139: {  	v60 =	vld [tilespmem:s29+$0x40];
	v3 =	vsel vm0, v3, v4  }
0x13a: {  	vm0 =	vlt.s32 v3, v5  }
0x13b: {  	v61 =	vld [tilespmem:s29+$0x50];
	v3 =	vsel vm0, v3, v5  }
0x13c: {  	vm0 =	vlt.s32 v3, v6  }
0x13d: {  	v62 =	vld [tilespmem:s29+$0x60];
	v3 =	vsel vm0, v3, v6  }
0x13e: {  	vm0 =	vlt.s32 v3, v60  }
0x13f: {  	v63 =	vld [tilespmem:s29+$0x70];
	v3 =	vsel vm0, v3, v60  }
0x140: {  	vm0 =	vlt.s32 v3, v61  }
0x141: {  	v3 =	vsel vm0, v3, v61  }
0x142: {  	vm0 =	vlt.s32 v3, v62  }
0x143: {  	v3 =	vsel vm0, v3, v62  }
0x144: {  	vm0 =	vlt.s32 v3, v63  }
0x145: {  	v3 =	vsel vm0, v3, v63  }
0x146: {  	vm0 =	veq.s32 v3, $0x0  }
0x147: {  	v3 =	vsel vm0, $0x1, v1  }
0x148: {  	(xrf0) =	vadd.scan.msk.s32 $0xffff, v3;
	_ =	sdelay $0x5  }
0x149: {  	v3, _, _ =	vpop (xrf0)  }
0x14a: {  	(v2sf) =	vpush v3, $0xF;
	_ =	sdelay $0xe  }
0x14b: {  	s31 =	spop (v2sf)  }
0x14c: {  	p1 =	slt.s32 s31, $0x1  }
.Ltmp7:
0x14d: {  	_ = 	snop;
	(pc) =	sbr.rel @p1 .LBB2_8-.Ltmp7, $1  }
0x14e: {  	_ =	sdelay $0x3  }
0x14f: {  	v3 =	vld [tilespmem:s26+$0x0];
	_ =	sdelay $0x4  }
0x150: {  	vm0 =	veq.s32 v3, $0x0  }
0x151: {  	v3 =	vsel vm0, $0x1, v1  }
0x152: {  	(xrf0) =	vadd.scan.msk.s32 $0xffff, v3;
	_ =	sdelay $0x5  }
0x153: {  	v3, _, _ =	vpop (xrf0)  }
0x154: {  	(v2sf) =	vpush v3, $0xF;
	_ =	sdelay $0xe  }
0x155: {  	s29 =	spop (v2sf)  }
0x156: {  	p2 =	slt.s32 s29, $0x1  }
0x157: {  	s29 =	sld @!p2 [smem:$0x0]  }
0x158: {  	s28 =	sshll.u32 s28, $0x3  }
0x159: {  	s30 =	sadd.s32 @!p2 $0x0, s28  }
0x15a: {  	v3 =	vmov @!p2 s30;
	s30 =	smov.u32 s26;
	s31 =	sshll.u32 @!p2 s29, $0x6;
	s3 =	sadd.s32 @!p2 $0x1, s29  }
0x15b: {  	s29 =	simm.s32 $0x1;
	s31 =	sshra.s32 @!p2 s31, $0x2;
	[smem:$0x0] =	sst @!p2 s3  }
.LBB2_6:
0x15c: {  	[tilespmem:s31+$0x2A10] =	vst @!p2 v3;
	s30 =	sadd.s32 $0x10, s30;
	s3 =	smov.u32 s29;
	s29 =	sadd.s32 $0x1, s29  }
0x15d: {  	v3 =	vld [tilespmem:s30+$0x0];
	p1 =	sne.s32 s29, $0x8;
	_ =	sdelay $0x4  }
0x15e: {  	vm0 =	veq.s32 v3, $0x0  }
0x15f: {  	v3 =	vsel vm0, $0x1, v1  }
0x160: {  	(xrf0) =	vadd.scan.msk.s32 $0xffff, v3;
	_ =	sdelay $0x5  }
0x161: {  	v3, _, _ =	vpop (xrf0)  }
0x162: {  	(v2sf) =	vpush v3, $0xF;
	_ =	sdelay $0xe  }
0x163: {  	s31 =	spop (v2sf)  }
0x164: {  	p2 =	slt.s32 s31, $0x1  }
.Ltmp8:
0x165: {  	s31 =	sld @!p2 [smem:$0x0];
	s3 =	sadd.s32 @!p2 s28, s3;
	(pc) =	sbr.rel @p1 .LBB2_6-.Ltmp8, $3  }
0x166: {  	v3 =	vmov @!p2 s3;
	_ =	sdelay $0x1  }
0x167: {  	s3 =	sshll.u32 @!p2 s31, $0x6;
	s0 =	sadd.s32 @!p2 $0x1, s31  }
0x168: {  	s31 =	sshra.s32 @!p2 s3, $0x2;
	[smem:$0x0] =	sst @!p2 s0  }
.Ltmp9:
0x169: {  	(pc) =	sbr.rel .LBB2_8-.Ltmp9, $2  }
0x16a: {  	_ =	sdelay $0x2  }
0x16b: {  	[tilespmem:s31+$0x2A10] =	vst @!p2 v3  }
.LBB2_10:
0x16c: {  	v3 =	vld @!p0 [tilespmem:$0x2700]  }
0x16d: {  	v4 =	vld @!p0 [tilespmem:$0x2710];
	_ =	sdelay $0x1  }
0x16e: {  	v5 =	vld @!p0 [tilespmem:$0x2720];
	_ =	sdelay $0x1  }
0x16f: {  	v6 =	vld @!p0 [tilespmem:$0x2730]  }
0x170: {  	vm0 =	vlt.s32 @!p0 v3, v4  }
0x171: {  	v3 =	vsel @!p0 vm0, v3, v4;
	v4 =	vld @!p0 [tilespmem:$0x2740]  }
0x172: {  	vm0 =	vlt.s32 @!p0 v3, v5  }
0x173: {  	v3 =	vsel @!p0 vm0, v3, v5;
	v5 =	vld @!p0 [tilespmem:$0x2750]  }
0x174: {  	vm0 =	vlt.s32 @!p0 v3, v6  }
0x175: {  	v3 =	vsel @!p0 vm0, v3, v6;
	v6 =	vld @!p0 [tilespmem:$0x2760]  }
0x176: {  	vm0 =	vlt.s32 @!p0 v3, v4  }
0x177: {  	v3 =	vsel @!p0 vm0, v3, v4;
	v4 =	vld @!p0 [tilespmem:$0x2770]  }
0x178: {  	vm0 =	vlt.s32 @!p0 v3, v5  }
0x179: {  	v3 =	vsel @!p0 vm0, v3, v5  }
0x17a: {  	vm0 =	vlt.s32 @!p0 v3, v6  }
0x17b: {  	v3 =	vsel @!p0 vm0, v3, v6  }
0x17c: {  	vm0 =	vlt.s32 @!p0 v3, v4  }
0x17d: {  	v3 =	vsel @!p0 vm0, v3, v4  }
0x17e: {  	vm0 =	veq.s32 @!p0 v3, $0x0;
	v3 =	vimm.s32 @!p0 $0x0  }
0x17f: {  	v3 =	vsel @!p0 vm0, $0x1, v3  }
0x180: {  	(xrf0) =	vadd.scan.msk.s32 @!p0 $0xffff, v3;
	_ =	sdelay $0x5  }
0x181: {  	v3, _, _ =	vpop @!p0 (xrf0)  }
0x182: {  	(v2sf) =	vpush @!p0 v3, $0xF;
	_ =	sdelay $0xe  }
0x183: {  	s0 =	spop @!p0 (v2sf)  }
0x184: {  	p1 =	slt.s32 @!p0 s0, $0x1  }
0x185: {  	p1 =	por p0, p1  }
.Ltmp10:
0x186: {  	_ = 	snop;
	(pc) =	sbr.rel @p1 .LBB2_14-.Ltmp10, $1  }
0x187: {  	_ =	sdelay $0x3  }
0x188: {  	s22 =	simm.s32 @!p0 $0x2700  }
0x189: {  	v3 =	vld [tilespmem:s22+$0x0];
	_ =	sdelay $0x4  }
0x18a: {  	vm0 =	veq.s32 v3, $0x0  }
0x18b: {  	v3 =	vsel vm0, $0x1, v1  }
0x18c: {  	(xrf0) =	vadd.scan.msk.s32 $0xffff, v3;
	_ =	sdelay $0x5  }
0x18d: {  	v3, _, _ =	vpop (xrf0)  }
0x18e: {  	(v2sf) =	vpush v3, $0xF;
	_ =	sdelay $0xe  }
0x18f: {  	s0 =	spop (v2sf)  }
0x190: {  	p2 =	slt.s32 s0, $0x1  }
0x191: {  	s3 =	simm.s32 @!p0 $0x0;
	s0 =	sld @!p2 [smem:$0x0]  }
0x192: {  	v3 =	vmov @!p2 s3  }
0x193: {  	v3 =	vadd.s32 @!p2 $0x270, v3  }
0x194: {  	v3 =	vbroadcast @!p2 v3, $0x0;
	s3 =	sshll.u32 @!p2 s0, $0x6;
	s0 =	sadd.s32 @!p2 $0x1, s0  }
0x195: {  	s23 =	simm.s32 $0x1;
	s24 =	sshra.s32 @!p2 s3, $0x2;
	[smem:$0x0] =	sst @!p2 s0  }
.LBB2_12:
0x196: {  	[tilespmem:s24+$0x2A10] =	vst @!p2 v3;
	s22 =	sadd.s32 $0x10, s22;
	s0 =	smov.u32 s23;
	s23 =	sadd.s32 $0x1, s23  }
0x197: {  	v3 =	vld [tilespmem:s22+$0x0];
	p1 =	sne.s32 s23, $0x8;
	_ =	sdelay $0x4  }
0x198: {  	vm0 =	veq.s32 v3, $0x0  }
0x199: {  	v3 =	vsel vm0, $0x1, v1  }
0x19a: {  	(xrf0) =	vadd.scan.msk.s32 $0xffff, v3;
	_ =	sdelay $0x5  }
0x19b: {  	v3, _, _ =	vpop (xrf0)  }
0x19c: {  	(v2sf) =	vpush v3, $0xF;
	_ =	sdelay $0xe  }
0x19d: {  	s3 =	spop (v2sf)  }
0x19e: {  	p2 =	slt.s32 s3, $0x1  }
.Ltmp11:
0x19f: {  	s3 =	sld @!p2 [smem:$0x0];
	v3 =	vmov @!p2 s0;
	(pc) =	sbr.rel @p1 .LBB2_12-.Ltmp11, $4  }
0x1a0: {  	v3 =	vadd.s32 @!p2 $0x270, v3  }
0x1a1: {  	v3 =	vbroadcast @!p2 v3, $0x0  }
0x1a2: {  	s0 =	sshll.u32 @!p2 s3, $0x6;
	s3 =	sadd.s32 @!p2 $0x1, s3  }
0x1a3: {  	s24 =	sshra.s32 @!p2 s0, $0x2;
	[smem:$0x0] =	sst @!p2 s3  }
0x1a4: {  	[tilespmem:s24+$0x2A10] =	vst @!p2 v3  }
.LBB2_14:
0x1a5: {  	s22 =	sld [smem:$0x0];
	_ =	sdelay $0x2  }
0x1a6: {  	p1 =	slt.s32 s22, $0x1  }
.Ltmp12:
0x1a7: {  	_ = 	snop;
	(pc) =	sbr.rel @p1 .LBB2_19-.Ltmp12, $1  }
0x1a8: {  	_ =	sdelay $0x3  }
0x1a9: {  	v3 =	vld [tilespmem:$0x2A10];
	_ =	sdelay $0x3  }
0x1aa: {  	vm0 =	vmmov $0x1  }
0x1ab: {  	v3 =	vnsel vm0, $0x0, v3  }
0x1ac: {  	(xrf0) =	vadd.scan.msk.s32 $0xffff, v3;
	_ =	sdelay $0x5  }
0x1ad: {  	v3, _, _ =	vpop (xrf0)  }
0x1ae: {  	(v2sf) =	vpush v3, $0xF;
	_ =	sdelay $0xe  }
0x1af: {  	s0 =	spop (v2sf)  }
0x1b0: {  	s3 =	sshra.s32 s0, $0x1F  }
0x1b1: {  	s3 =	sshrl.u32 s3, $0x1D  }
0x1b2: {  	s3 =	sadd.s32 s3, s0  }
0x1b3: {  	s23 =	sand.u32 $0xFFFFFFF8, s3  }
0x1b4: {  	p1 =	slt.s32 s0, $0x1;
	p2 =	sne.s32 s0, s23  }
0x1b5: {  	p1 =	por !p1, !p2  }
0x1b6: {  	s3 =	sshra.s32 s3, $0x3;
	s23 =	simm.s32 $0x1;
	p1 =	por !p1, !p1  }
0x1b7: {  	s0 =	sshll.u32 s0, $0x4;
	s3 =	sadd.s32 s6, s3;
	s23 =	simm.s32 @!p1 $0x0  }
0x1b8: {  	s0 =	sadd.s32 $0x80, s0;
	s3 =	ssub.s32 s3, s23  }
0x1b9: {  	s0 =	sand.u32 $0x70, s0;
	s23 =	sshll.u32 s3, $0x8  }
0x1ba: {  	s3 =	sshll.u32 s3, $0x7;
	s23 =	sor.u32 s0, s23  }
.Ltmp13:
0x1bb: {  	s0 =	sor.u32 s0, s3;
	s23 =	sshrl.u32 s23, $0x3;
	(pc) =	sbr.rel .LBB2_17-.Ltmp13, $4  }
0x1bc: {  	s0 =	sshrl.u32 s0, $0x3;
	s24 =	sadd.s32 s1, s23;
	s23 =	simm.s32 $0x0  }
0x1bd: {  	[tilespmem:s15], [sflag:$0x2] =	stream.linear.gather [hbm4b:s24+s23], $0x10, $0x38;
	[tilespmem:$0x61F0] =	vst v63  }
0x1be: {  	s0 =	sadd.s32 s2, s0  }
0x1bf: {  	[tilespmem:s16], [sflag:$0x2] =	stream.linear.gather [hbm4b:s0+s23], $0x10, $0x38;
	[tilespmem:$0x61F0] =	vst v63  }
.LBB2_16:
0x1c0: {  	p1 =	seq.s32 s23, s22  }
.Ltmp14:
0x1c1: {  	_ = 	snop;
	(pc) =	sbr.rel @p1 .LBB2_19-.Ltmp14, $1  }
0x1c2: {  	_ =	sdelay $0x3  }
.LBB2_17:
0x1c3: {  	s0 =	sshll.u32 s23, $0x6  }
0x1c4: {  	s0 =	sshra.s32 s0, $0x2  }
0x1c5: {  	v3 =	vld [tilespmem:s0+$0x2A10];
	_ =	sdelay $0x4  }
0x1c6: {  	v3 =	vnsel vm0, $0x0, v3  }
0x1c7: {  	(xrf0) =	vadd.scan.msk.s32 $0xffff, v3;
	_ =	sdelay $0x5  }
0x1c8: {  	v3, _, _ =	vpop (xrf0)  }
0x1c9: {  	(v2sf) =	vpush v3, $0xF;
	_ =	sdelay $0xe  }
0x1ca: {  	s29 =	spop (v2sf)  }
0x1cb: {  	s3 =	sshra.s32 s29, $0x1F  }
0x1cc: {  	s3 =	sshrl.u32 s3, $0x1D  }
0x1cd: {  	s3 =	sadd.s32 s3, s29  }
0x1ce: {  	s24 =	sand.u32 $0xFFFFFFF8, s3  }
0x1cf: {  	p1 =	slt.s32 s29, $0x1;
	p2 =	sne.s32 s29, s24  }
0x1d0: {  	p1 =	por !p1, !p2  }
0x1d1: {  	s24 =	simm.s32 $0x1;
	p1 =	por !p1, !p1  }
0x1d2: {  	s3 =	sshrl.u32 s3, $0x3;
	s24 =	simm.s32 @!p1 $0x0  }
0x1d3: {  	s0 =	sshll.u32 s29, $0x4;
	s3 =	ssub.s32 s3, s24  }
0x1d4: {  	s0 =	sadd.s32 $0x80, s0;
	s3 =	sshll.u32 s3, $0x9  }
0x1d5: {  	s0 =	sand.u32 $0x70, s0;
	s3 =	sshra.s32 s3, $0x2  }
0x1d6: {  	s0 =	sor.u32 s0, s3  }
0x1d7: {  	v3 =	vld [tilespmem:s0+$0x0];
	_ =	swait.ge [sflag:s17], $0x10  }
0x1d8: {  	[sflag:s17] =	ssyncset.done $0x0  }
0x1d9: {  	[sflag:s17] =	ssyncadd.s32 $0xFFFFFFF0  }
0x1da: {  	_ =	swait.ge [sflag:s17], $0x10  }
0x1db: {  	s30 =	sand.u32 $0x1, s23;
	[sflag:s17] =	ssyncset.done $0x0  }
0x1dc: {  	s3 =	sshll.u32 s30, $0x4;
	[sflag:s17] =	ssyncadd.s32 $0xFFFFFFF0  }
0x1dd: {  	v4 =	vld [tilespmem:s3+$0x51B0];
	_ =	sdelay $0x2  }
0x1de: {  	s23 =	sadd.s32 $0x1, s23  }
0x1df: {  	p1 =	sge.s32 s23, s22;
	s0 =	sshll.u32 s30, $0xB;
	vm1 =	veq.s32 v3, $0x0  }
0x1e0: {  	s24 =	sor.u32 $0x51F0, s0;
	s0 =	sshll.u32 @!p1 s23, $0x6;
	v3 =	vnsel vm1, $0x0, v4  }
0x1e1: {  	s25 =	sadd.s32 $0x5190, s3;
	s0 =	sshra.s32 @!p1 s0, $0x2;
	[tilespmem:s3+$0x5190] =	vst v3  }
0x1e2: {  	[tilespmem:s24], [sflag:$0x1] =	stream.indirect.gather [hbm4b:s4+s18], $0x80, s25, s18, $0xb8;
	[tilespmem:$0x61F0] =	vst v63  }
0x1e3: {  	v3 =	vld @!p1 [tilespmem:s0+$0x2A10];
	_ =	sdelay $0x3  }
0x1e4: {  	vm2 =	vmmov @!p1 $0x1  }
0x1e5: {  	v3 =	vnsel @!p1 vm2, $0x0, v3  }
0x1e6: {  	(xrf0) =	vadd.scan.msk.s32 @!p1 $0xffff, v3;
	_ =	sdelay $0x5  }
0x1e7: {  	v3, _, _ =	vpop @!p1 (xrf0)  }
0x1e8: {  	(v2sf) =	vpush @!p1 v3, $0xF;
	_ =	sdelay $0xe  }
0x1e9: {  	s0 =	spop @!p1 (v2sf)  }
0x1ea: {  	s25 =	sshra.s32 @!p1 s0, $0x1F  }
0x1eb: {  	s25 =	sshrl.u32 @!p1 s25, $0x1D  }
0x1ec: {  	s25 =	sadd.s32 @!p1 s25, s0  }
0x1ed: {  	s26 =	sand.u32 @!p1 $0xFFFFFFF8, s25  }
0x1ee: {  	p2 =	slt.s32 @!p1 s0, $0x1;
	p3 =	sne.s32 @!p1 s0, s26  }
0x1ef: {  	p2 =	por @!p1 !p2, !p3  }
0x1f0: {  	p2 =	por @!p1 !p2, !p2  }
0x1f1: {  	s25 =	sshra.s32 @!p1 s25, $0x3;
	s26 =	simm.s32 @!p1 $0x1;
	p2 =	por !p2, p1  }
0x1f2: {  	s0 =	sshll.u32 @!p1 s0, $0x4;
	s25 =	sadd.s32 @!p1 s6, s25;
	s26 =	simm.s32 @p2 $0x0  }
0x1f3: {  	s0 =	sadd.s32 @!p1 $0x80, s0;
	s25 =	ssub.s32 @!p1 s25, s26  }
0x1f4: {  	s0 =	sand.u32 @!p1 $0x70, s0;
	s26 =	sshll.u32 @!p1 s25, $0x8  }
0x1f5: {  	s25 =	sshll.u32 @!p1 s25, $0x7;
	s26 =	sor.u32 @!p1 s0, s26  }
0x1f6: {  	s29 =	simm.s32 @!p1 $0x0;
	s0 =	sor.u32 @!p1 s0, s25;
	s26 =	sshrl.u32 @!p1 s26, $0x3  }
0x1f7: {  	s28 =	ssub.s32 @!p1 $0x51C0, s3;
	s0 =	sshrl.u32 @!p1 s0, $0x3;
	s26 =	sadd.s32 @!p1 s1, s26  }
0x1f8: {  	[tilespmem:s28], [sflag:$0x2] =	stream.linear.gather @!p1 [hbm4b:s26+s29], $0x10, $0x38;
	[tilespmem:$0x61F0] =	vst v63  }
0x1f9: {  	s25 =	ssub.s32 @!p1 $0x51E0, s3;
	s0 =	sadd.s32 @!p1 s2, s0  }
0x1fa: {  	[tilespmem:s25], [sflag:$0x2] =	stream.linear.gather @!p1 [hbm4b:s0+s29], $0x10, $0x38;
	[tilespmem:$0x61F0] =	vst v63  }
0x1fb: {  	v3 =	vsel vm1, $0x1, v1;
	_ =	swait.ge [sflag:s14], $0x800  }
0x1fc: {  	(xrf0) =	vadd.scan.msk.s32 $0xffff, v3;
	_ =	sdelay $0x5  }
0x1fd: {  	v4, _, _ =	vpop (xrf0)  }
0x1fe: {  	(v2sf) =	vpush v4, $0xF;
	_ =	sdelay $0xe  }
0x1ff: {  	s31 =	spop (v2sf)  }
0x200: {  	p1 =	slt.s32 s31, $0x1  }
.Ltmp15:
0x201: {  	_ = 	snop;
	(pc) =	sbr.rel @p1 .LBB2_16-.Ltmp15, $4  }
0x202: {  	_ = 	snop  }
0x203: {  	[sflag:s14] =	ssyncset.done $0x0  }
0x204: {  	[sflag:s14] =	ssyncadd.s32 $0xFFFFF800  }
0x205: {  	v4 =	vld [tilespmem:s3+$0x51D0]  }
.LBB2_18:
0x206: {  	vm1 =	vne.s32 v3, $0x0  }
0x207: {  	v5 =	vmctz.xlane vm1;
	_ =	sdelay $0x1  }
0x208: {  	v5 =	vnsel vm0, $0x0, v5  }
0x209: {  	(xrf0) =	vadd.scan.msk.s32 $0xffff, v5;
	_ =	sdelay $0x5  }
0x20a: {  	v5, _, _ =	vpop (xrf0)  }
0x20b: {  	v6 =	vbroadcast v5, $0xF;
	_ =	sdelay $0x1  }
0x20c: {  	vm1 =	veq.s32 v6, v2  }
0x20d: {  	v6 =	vnsel vm1, $0x0, v4  }
0x20e: {  	(xrf0) =	vadd.scan.msk.s32 $0xffff, v6;
	_ =	sdelay $0x4  }
0x20f: {  	(v2sf) =	vpush v5, $0xF  }
0x210: {  	v5, _, _ =	vpop (xrf0)  }
0x211: {  	(v2sf) =	vpush v5, $0xF;
	_ =	sdelay $0xc  }
0x212: {  	s0 =	spop (v2sf)  }
0x213: {  	s0 =	sshll.u32 s0, $0x9  }
0x214: {  	s0 =	sshra.s32 s0, $0x2;
	s3 =	spop (v2sf)  }
0x215: {  	s0 =	sadd.s32 s0, s24;
	s3 =	sshll.u32 s3, $0x9  }
0x216: {  	v7 =	vld [tilespmem:s0+$0x0];
	s3 =	sshra.s32 s3, $0x2  }
0x217: {  	v6 =	vld [tilespmem:s3+$0x2780];
	_ =	sdelay $0x4  }
0x218: {  	v6 =	vadd.f32 v7, v6;
	_ =	sdelay $0x1  }
0x219: {  	[tilespmem:s3+$0x2780] =	vst v6;
	v6 =	vld [tilespmem:s3+$0x2790]  }
0x21a: {  	v7 =	vld [tilespmem:s0+$0x10];
	_ =	sdelay $0x4  }
0x21b: {  	v6 =	vadd.f32 v7, v6;
	_ =	sdelay $0x1  }
0x21c: {  	[tilespmem:s3+$0x2790] =	vst v6;
	v6 =	vld [tilespmem:s3+$0x27A0]  }
0x21d: {  	v7 =	vld [tilespmem:s0+$0x20];
	_ =	sdelay $0x4  }
0x21e: {  	v6 =	vadd.f32 v7, v6;
	_ =	sdelay $0x1  }
0x21f: {  	[tilespmem:s3+$0x27A0] =	vst v6;
	v6 =	vld [tilespmem:s3+$0x27B0]  }
0x220: {  	v7 =	vld [tilespmem:s0+$0x30];
	_ =	sdelay $0x4  }
0x221: {  	v6 =	vadd.f32 v7, v6;
	_ =	sdelay $0x1  }
0x222: {  	[tilespmem:s3+$0x27B0] =	vst v6;
	v6 =	vld [tilespmem:s3+$0x27C0]  }
0x223: {  	v7 =	vld [tilespmem:s0+$0x40];
	_ =	sdelay $0x4  }
0x224: {  	v6 =	vadd.f32 v7, v6;
	_ =	sdelay $0x1  }
0x225: {  	[tilespmem:s3+$0x27C0] =	vst v6;
	v6 =	vld [tilespmem:s3+$0x27D0]  }
0x226: {  	v7 =	vld [tilespmem:s0+$0x50];
	_ =	sdelay $0x4  }
0x227: {  	v6 =	vadd.f32 v7, v6  }
0x228: {  	v3 =	vsel vm1, $0x0, v3  }
0x229: {  	(xrf0) =	vadd.scan.msk.s32 $0xffff, v3;
	[tilespmem:s3+$0x27D0] =	vst v6;
	v6 =	vld [tilespmem:s3+$0x27E0]  }
0x22a: {  	v7 =	vld [tilespmem:s0+$0x60];
	_ =	sdelay $0x4  }
0x22b: {  	v6 =	vadd.f32 v7, v6;
	v7, _, _ =	vpop (xrf0)  }
0x22c: {  	(v2sf) =	vpush v7, $0xF;
	_ =	sdelay $0x4  }
0x22d: {  	[tilespmem:s3+$0x27E0] =	vst v6;
	v6 =	vld [tilespmem:s3+$0x27F0]  }
0x22e: {  	v7 =	vld [tilespmem:s0+$0x70];
	_ =	sdelay $0x4  }
0x22f: {  	v6 =	vadd.f32 v7, v6;
	_ =	sdelay $0x1  }
0x230: {  	[tilespmem:s3+$0x27F0] =	vst v6  }
0x231: {  	v6 =	vld [tilespmem:$0x2A00]  }
0x232: {  	v5 =	vbroadcast v5, $0xF;
	s31 =	spop (v2sf)  }
0x233: {  	p1 =	sgt.s32 s31, $0x0  }
.Ltmp16:
0x234: {  	vm1 =	veq.s32 v5, v2;
	(pc) =	sbr.rel @p1 .LBB2_18-.Ltmp16, $3  }
0x235: {  	v5 =	vsel vm1, $0x3F800000, v0  }
0x236: {  	v5 =	vadd.f32 v6, v5;
	_ =	sdelay $0x1  }
0x237: {  	[tilespmem:$0x2A00] =	vst v5  }
.Ltmp17:
0x238: {  	_ = 	snop;
	(pc) =	sbr.rel .LBB2_16-.Ltmp17, $1  }
0x239: {  	_ =	sdelay $0x3  }
.LBB2_20:
0x23a: {  	_ =	sfence.sel $0x180000  }
0x23b: {  	[bflag:$0x0] =	sbarrier.arrive $0xFFFF  }
0x23c: {  	_ =	strace $0x90000047  }
0x23d: {  	s0 =	stileid.u32;
	[bflag:$0x2] =	sbarrier.arrive $0xFFFF  }
0x23e: {  	p0 =	sne.s32 s0, $0x0;
	s0 =	rddreg [dreg:$0x4]  }
0x23f: {  	s0 =	sadd.s32 @!p0 $0x100000, s0  }
0x240: {  	[sflag:s0] =	ssyncadd.tile.s32 @!p0 $0x1;
	_ =	shalt  }
.Lfunc_end2:
_tile_overlayer_lowered:
.L_overlay_start_2:
0x241: {  	(tag) =	ssettag $0x2  }
0x242: {  	s0 =	rddreg [dreg:$0x0];
	s2 =	stileid.u32  }
0x243: {  	s1 =	rddreg [dreg:$0x1];
	p0 =	sne.s32 s2, $0x0  }
0x244: {  	s3 =	rddreg [dreg:$0x2];
	[bflag:$0x3] =	sbarrier.arrive $0xFFFF;
	s2 =	simm.s32 @!p0 $0x1C03  }
0x245: {  	[timem:s3], [sflag:s2] =	dma.local @!p0 [hbm:s0], s1  }
0x246: {  	s0 =	simm.s32 @!p0 $0x3  }
0x247: {  	_ =	swait.ge @!p0 [sflag:s0], s1  }
0x248: {  	s1 =	ssub.s32 @!p0 $0x0, s1;
	[sflag:s0] =	ssyncset.done @!p0 $0x0  }
0x249: {  	[sflag:s0] =	ssyncadd.s32 @!p0 s1  }
0x24a: {  	[bflag:$0x3] =	sbarrier.arrive $0xFFFF  }
0x24b: {  	_ =	shalt  }

</sc_bundles>
